<compile_context>
chip_gen: v7x
topology: tpu7x:2x2x1
jax: 0.10.2.dev20260603
libtpu: 0.0.44.dev20260713+nightly
codegen_flags: <defaults>
</compile_context>

<pallas_src>
import functools

import jax
import jax.numpy as jnp
from jax import lax
from jax.experimental import pallas as pl
from jax.experimental.pallas import tpu as pltpu
from jax.experimental.pallas import tpu_sc as plsc

N_NODES = 10000
IN_DIM = 128
HID_DIM = 128
OUT_DIM = 64
N_EDGES = 320000
N_LABEL = 100000

NC, NS = 2, 16
NW = NC * NS
CHUNK = 128

N_PAD = 10240
ROWS_PER_SUB = N_PAD // NS

HALF_W = 72
CNT_COL = IN_DIM - HALF_W

E1_CPW = 157
E1_PAD = NS * E1_CPW * CHUNK

L_CPW = 25
L_PAD = NW * L_CPW * CHUNK

_MESH = plsc.VectorSubcoreMesh(core_axis_name="c", subcore_axis_name="s")
_SC_PARAMS = pltpu.CompilerParams(use_tc_tiling_on_sc=False,
                                  needs_layout_passes=False)


def _zero_rows(buf, width):
  z16 = jnp.zeros((16,), jnp.float32)
  ncol = (width + 15) // 16

  def zrow(r, carry):
    for c in range(ncol):
      buf[r, pl.ds(min(c * 16, width - 16), 16)] = z16
    return carry

  lax.fori_loop(0, CHUNK, zrow, 0)


def _make_segsum(width, cpw, split_cols, depth_g=2, depth_s=2):

  @functools.partial(
      pl.kernel,
      out_type=jax.ShapeDtypeStruct((NC, N_PAD, width), jnp.float32),
      mesh=_MESH,
      compiler_params=_SC_PARAMS,
      scratch_types=[
          pltpu.VMEM((cpw, CHUNK), jnp.int32),
          pltpu.VMEM((cpw, CHUNK), jnp.int32),
          pltpu.VMEM(((depth_g + depth_s) * CHUNK, width), jnp.float32),
          pltpu.VMEM_SHARED((N_PAD, width), jnp.float32),
          pltpu.SemaphoreType.DMA,
          pltpu.SemaphoreType.DMA,
      ],
  )
  def segsum(tab_hbm, src_hbm, dst_hbm, out_hbm,
             src_v, dst_v, rows2, acc_sh, gsem, ssem):
    cid = lax.axis_index("c")
    sid = lax.axis_index("s")
    r0 = sid * ROWS_PER_SUB
    tab = tab_hbm.at[cid] if split_cols else tab_hbm
    isel = sid if split_cols else cid * NS + sid

    _zero_rows(rows2, width)
    for t in range(ROWS_PER_SUB // CHUNK):
      pltpu.sync_copy(rows2.at[pl.ds(0, CHUNK)],
                      acc_sh.at[pl.ds(r0 + t * CHUNK, CHUNK)])
    plsc.subcore_barrier()
    pltpu.sync_copy(src_hbm.at[isel], src_v)
    pltpu.sync_copy(dst_hbm.at[isel], dst_v)

    nbuf = depth_g + depth_s

    def buf(v):
      return rows2.at[pl.ds((v % nbuf) * CHUNK, CHUNK)]

    def g_start(j, v):
      pltpu.async_copy(tab.at[src_v.at[j]], buf(v), gsem)

    def g_wait(v):
      pltpu.make_async_copy(tab.at[src_v.at[0]], buf(v), gsem).wait()

    def s_start(v):
      pltpu.async_copy(buf(v), acc_sh.at[dst_v.at[v]], ssem, add=True)

    def s_wait():
      pltpu.make_async_copy(buf(0), acc_sh.at[dst_v.at[0]], ssem).wait()

    def body(v, carry):
      u = v - depth_g

      @pl.when(v >= depth_g)
      def _process():
        g_wait(u)

        @pl.when(u >= depth_s)
        def _reclaim():
          s_wait()

        s_start(u)

      @pl.when(v < cpw)
      def _fetch():
        g_start(v, v)

      return carry

    lax.fori_loop(0, cpw + depth_g, body, 0)
    for _ in range(depth_s):
      s_wait()
    plsc.subcore_barrier()
    pltpu.sync_copy(acc_sh.at[pl.ds(r0, ROWS_PER_SUB)],
                    out_hbm.at[cid, pl.ds(r0, ROWS_PER_SUB)])

  return segsum


_segsum_l1 = _make_segsum(HALF_W, E1_CPW, split_cols=True)
_segsum_l2 = _make_segsum(OUT_DIM // 2, E1_CPW, split_cols=True,
                          depth_g=3, depth_s=2)


@functools.partial(
    pl.kernel,
    out_type=jax.ShapeDtypeStruct((L_PAD,), jnp.float32),
    mesh=_MESH,
    compiler_params=_SC_PARAMS,
    scratch_types=[
        pltpu.VMEM((L_CPW, CHUNK), jnp.int32),
        pltpu.VMEM((L_CPW, CHUNK), jnp.int32),
        pltpu.VMEM((4 * CHUNK, OUT_DIM), jnp.float32),
        pltpu.VMEM((4 * CHUNK, OUT_DIM), jnp.float32),
        pltpu.VMEM((L_CPW * CHUNK,), jnp.float32),
        pltpu.SemaphoreType.DMA,
        pltpu.SemaphoreType.DMA,
    ],
)
def _decode(z_hbm, ls_hbm, ld_hbm, out_hbm, ls_v, ld_v, zs2, zd2, out_v,
            ssm, dsm):
  cid = lax.axis_index("c")
  sid = lax.axis_index("s")
  wid = cid * NS + sid
  ib = wid * L_CPW
  pltpu.sync_copy(ls_hbm.at[wid], ls_v)
  pltpu.sync_copy(ld_hbm.at[wid], ld_v)

  def g_start(j, v):
    boff = (v % 4) * CHUNK
    pltpu.async_copy(z_hbm.at[ls_v.at[j]], zs2.at[pl.ds(boff, CHUNK)], ssm)
    pltpu.async_copy(z_hbm.at[ld_v.at[j]], zd2.at[pl.ds(boff, CHUNK)], dsm)

  def g_wait(v):
    boff = (v % 4) * CHUNK
    pltpu.make_async_copy(z_hbm.at[ls_v.at[0]], zs2.at[pl.ds(boff, CHUNK)],
                          ssm).wait()
    pltpu.make_async_copy(z_hbm.at[ld_v.at[0]], zd2.at[pl.ds(boff, CHUNK)],
                          dsm).wait()

  def visit(v, carry):
    u = v - 3

    @pl.when(v >= 3)
    def _process():
      g_wait(u)
      boff = (u % 4) * CHUNK
      lanes = lax.iota(jnp.int32, 16)

      def group(g, c2):
        r0 = boff + g * 16
        sv = jnp.zeros((16,), jnp.float32)
        for p in range(16):
          t = (zs2[r0 + p, pl.ds(0, 16)] * zd2[r0 + p, pl.ds(0, 16)])
          for c in range(1, OUT_DIM // 16):
            t = t + (zs2[r0 + p, pl.ds(c * 16, 16)] *
                     zd2[r0 + p, pl.ds(c * 16, 16)])
          s = jnp.sum(t)
          sv = jnp.where(lanes == p, s, sv)
        out_v[pl.ds(u * CHUNK + g * 16, 16)] = sv
        return c2

      lax.fori_loop(0, CHUNK // 16, group, 0)

    @pl.when(v < L_CPW)
    def _fetch():
      g_start(v, v)

    return carry

  lax.fori_loop(0, L_CPW + 3, visit, 0)
  pltpu.sync_copy(out_v, out_hbm.at[pl.ds(ib * CHUNK, L_CPW * CHUNK)])


def _layer1_body(aggp, xr, w1l, w1r, b1, w2l, w2r, b2, hw, hr, ic):
  a_lo = aggp[0]
  a_hi = aggp[1]
  inv = 1.0 / jnp.maximum(a_hi[:, CNT_COL], 1.0)
  m_lo = a_lo * inv[:, None]
  m_hi = a_hi[:, :CNT_COL] * inv[:, None]
  dn = (((1,), (1,)), ((), ()))
  f32 = jnp.float32
  h = (lax.dot_general(m_lo, w1l[:, :HALF_W], dn, preferred_element_type=f32)
       + lax.dot_general(m_hi, w1l[:, HALF_W:], dn, preferred_element_type=f32)
       + lax.dot_general(xr[...], w1r[...], dn, preferred_element_type=f32)
       + b1[...])
  h = jnp.maximum(h, 0.0)
  w2l_a = w2l[...]
  hw[0] = lax.dot_general(h, w2l_a[:OUT_DIM // 2], dn,
                          preferred_element_type=f32)
  hw[1] = lax.dot_general(h, w2l_a[OUT_DIM // 2:], dn,
                          preferred_element_type=f32)
  hr[...] = (lax.dot_general(h, w2r[...], dn, preferred_element_type=f32)
             + b2[...])
  ic[...] = inv[:, None]


def _layer1(aggp, x, W1_l, W1_r, b1, W2_l, W2_r, b2):
  BR = 1000
  return pl.pallas_call(
      lambda *refs: _layer1_body(refs[0][...], refs[1], refs[2][...],
                                 *refs[3:]),
      grid=(N_NODES // BR,),
      in_specs=[
          pl.BlockSpec((NC, BR, HALF_W), lambda i: (0, i, 0)),
          pl.BlockSpec((BR, IN_DIM), lambda i: (i, 0)),
          pl.BlockSpec((HID_DIM, IN_DIM), lambda i: (0, 0)),
          pl.BlockSpec((HID_DIM, IN_DIM), lambda i: (0, 0)),
          pl.BlockSpec((1, HID_DIM), lambda i: (0, 0)),
          pl.BlockSpec((OUT_DIM, HID_DIM), lambda i: (0, 0)),
          pl.BlockSpec((OUT_DIM, HID_DIM), lambda i: (0, 0)),
          pl.BlockSpec((1, OUT_DIM), lambda i: (0, 0)),
      ],
      out_specs=[
          pl.BlockSpec((NC, BR, OUT_DIM // 2), lambda i: (0, i, 0)),
          pl.BlockSpec((BR, OUT_DIM), lambda i: (i, 0)),
          pl.BlockSpec((BR, 1), lambda i: (i, 0)),
      ],
      out_shape=[
          jax.ShapeDtypeStruct((NC, N_NODES, OUT_DIM // 2), jnp.float32),
          jax.ShapeDtypeStruct((N_NODES, OUT_DIM), jnp.float32),
          jax.ShapeDtypeStruct((N_NODES, 1), jnp.float32),
      ],
  )(aggp, x, W1_l, W1_r, b1, W2_l, W2_r, b2)


def _assemble_body(aggp2, ic, hr, z):
  iv = ic[...]
  hra = hr[...]
  z[:, :OUT_DIM // 2] = aggp2[0] * iv + hra[:, :OUT_DIM // 2]
  z[:, OUT_DIM // 2:] = aggp2[1] * iv + hra[:, OUT_DIM // 2:]


def _assemble_z(aggp2, ic, hr):
  BR = 1000
  return pl.pallas_call(
      lambda *refs: _assemble_body(refs[0][...], *refs[1:]),
      grid=(N_NODES // BR,),
      in_specs=[
          pl.BlockSpec((NC, BR, OUT_DIM // 2), lambda i: (0, i, 0)),
          pl.BlockSpec((BR, 1), lambda i: (i, 0)),
          pl.BlockSpec((BR, OUT_DIM), lambda i: (i, 0)),
      ],
      out_specs=pl.BlockSpec((BR, OUT_DIM), lambda i: (i, 0)),
      out_shape=jax.ShapeDtypeStruct((N_NODES, OUT_DIM), jnp.float32),
  )(aggp2, ic, hr)


def kernel(x, edge_index, edge_label_index, W1_l, W1_r, b1, W2_l, W2_r, b2):
  i32 = jnp.int32
  f32 = jnp.float32
  src = edge_index[0].astype(i32)
  dst = edge_index[1].astype(i32)
  ls = edge_label_index[0].astype(i32)
  ld = edge_label_index[1].astype(i32)

  e1p = E1_PAD - N_EDGES
  src1 = jnp.concatenate([src, jnp.zeros((e1p,), i32)]).reshape(
      NS, E1_CPW, CHUNK)
  dst1 = jnp.concatenate([dst, jnp.full((e1p,), N_PAD - 1, i32)]).reshape(
      NS, E1_CPW, CHUNK)
  lp = L_PAD - N_LABEL
  ls2 = jnp.concatenate([ls, jnp.zeros((lp,), i32)]).reshape(NW, L_CPW, CHUNK)
  ld2 = jnp.concatenate([ld, jnp.zeros((lp,), i32)]).reshape(NW, L_CPW, CHUNK)

  xab = jnp.stack([
      x[:, :HALF_W],
      jnp.concatenate([x[:, HALF_W:], jnp.ones((N_NODES, 1), f32),
                       jnp.zeros((N_NODES, HALF_W - CNT_COL - 1), f32)],
                      axis=1),
  ])

  aggp1 = _segsum_l1(xab, src1, dst1)
  hw, hr, ic = _layer1(aggp1, x, W1_l, W1_r, b1.reshape(1, HID_DIM),
                       W2_l, W2_r, b2.reshape(1, OUT_DIM))
  aggp2 = _segsum_l2(hw, src1, dst1)
  z = _assemble_z(aggp2, ic, hr)
  out = _decode(z, ls2, ld2)
  return out[:N_LABEL]

# --- scband reference (transcript-rebuilt; emitter-appended) ---
"""Pipeline reference for scband-sagelink-pred-12421045420216 (READ-ONLY COPY).

The authoritative reference and input builder live on the scoring server;
editing this copy changes nothing except your own understanding.
"""

import jax, jax.numpy as jnp
import numpy as np

N_NODES = 10000
IN_DIM = 128
HID_DIM = 128
OUT_DIM = 64
N_EDGES = 320000
N_LABEL = 100000


def setup_inputs(seed: int = 0) -> dict:
    key = jax.random.key(seed)
    ks = jax.random.split(key, 10)
    x = jax.random.normal(ks[0], (N_NODES, IN_DIM), dtype=jnp.float32)
    edge_index = jax.random.randint(ks[1], (2, N_EDGES), 0, N_NODES, dtype=jnp.int64)
    edge_label_index = jax.random.randint(ks[2], (2, N_LABEL), 0, N_NODES, dtype=jnp.int64)
    # SAGEConv params (PyG style): lin_l acts on aggregated neighbors (has bias), lin_r on root
    def glorot(k, shape):
        fan_in, fan_out = shape[1], shape[0]
        limit = jnp.sqrt(6.0 / (fan_in + fan_out))
        return jax.random.uniform(k, shape, dtype=jnp.float32, minval=-limit, maxval=limit)
    W1_l = glorot(ks[3], (HID_DIM, IN_DIM))
    W1_r = glorot(ks[4], (HID_DIM, IN_DIM))
    b1 = jnp.zeros((HID_DIM,), dtype=jnp.float32)
    W2_l = glorot(ks[5], (OUT_DIM, HID_DIM))
    W2_r = glorot(ks[6], (OUT_DIM, HID_DIM))
    b2 = jnp.zeros((OUT_DIM,), dtype=jnp.float32)
    return {"x": x, "edge_index": edge_index, "edge_label_index": edge_label_index,
            "W1_l": W1_l, "W1_r": W1_r, "b1": b1, "W2_l": W2_l, "W2_r": W2_r, "b2": b2}


def _sage_conv(x, edge_index, W_l, W_r, b, num_nodes):
    src = edge_index[0]
    dst = edge_index[1]
    msg = jnp.take(x, src, axis=0)  # gather source features
    agg = jax.ops.segment_sum(msg, dst, num_segments=num_nodes)  # scatter-add at dst
    cnt = jax.ops.segment_sum(jnp.ones((src.shape[0],), dtype=x.dtype), dst, num_segments=num_nodes)
    agg = agg / jnp.maximum(cnt, 1.0)[:, None]  # mean aggregation
    return agg @ W_l.T + x @ W_r.T + b


def reference(x, edge_index, edge_label_index, W1_l, W1_r, b1, W2_l, W2_r, b2):
    num_nodes = x.shape[0]
    h = _sage_conv(x, edge_index, W1_l, W1_r, b1, num_nodes)
    h = jax.nn.relu(h)
    z = _sage_conv(h, edge_index, W2_l, W2_r, b2, num_nodes)
    src = edge_label_index[0]
    dst = edge_label_index[1]
    return (jnp.take(z, src, axis=0) * jnp.take(z, dst, axis=0)).sum(axis=-1)

if __name__ == "__main__":
    import jax
    _d = setup_inputs()
    print(jax.jit(kernel)(*tuple(_d.values())))

</pallas_src>

<mosaic_0001>
#map = affine_map<(d0, d1) -> (0, 0, 0)>
module attributes {stable_mosaic.version = 14 : i64} {
  func.func @segsum(%arg0: i32, %arg1: i32, %arg2: memref<2x10000x32xf32, #tpu.memory_space<hbm>>, %arg3: memref<16x157x128xi32, #tpu.memory_space<hbm>>, %arg4: memref<16x157x128xi32, #tpu.memory_space<hbm>>, %arg5: memref<2x10240x32xf32, #tpu.memory_space<hbm>>, %arg6: memref<157x128xi32, #tpu.memory_space<vmem>>, %arg7: memref<157x128xi32, #tpu.memory_space<vmem>>, %arg8: memref<640x32xf32, #tpu.memory_space<vmem>>, %arg9: memref<10240x32xf32, #tpu.memory_space<vmem_shared>>, %arg10: memref<!tpu.dma_semaphore, #tpu.memory_space<semaphore_mem>>, %arg11: memref<!tpu.dma_semaphore, #tpu.memory_space<semaphore_mem>>) attributes {dimension_semantics = [#tpu.dimension_semantics<core_parallel>, #tpu.dimension_semantics<subcore_parallel>], iteration_bounds = array<i64: 2, 16>, scalar_prefetch = 0 : i64, scratch_operands = 6 : i64, tpu.core_type = #tpu.core_type<sc_vector_subcore>, window_params = [{transform_indices = #map}, {transform_indices = #map}, {transform_indices = #map}, {transform_indices = #map}]} {
    %mul3A = arith.constant 640 : i32
    %mul3A_0 = arith.muli %arg1, %mul3A : i32
    %broadcast_in_dim3A = arith.constant 0.000000e+00 : f32
    %broadcast_in_dim3A_1 = vector.broadcast %broadcast_in_dim3A : f32 to vector<16xf32>
    %scan3A = arith.constant 0 : i32
    %scan3A_2 = arith.constant 0 : i32
    %scan3A_3 = arith.constant 128 : i32
    %scan3A_4 = arith.addi %scan3A_2, %scan3A_3 : i32
    %scan3A_5 = arith.constant 1 : i32
    scf.for %scan3A_42 = %scan3A_2 to %scan3A_4 step %scan3A_5  : i32 {
      %swap3A = arith.index_cast %scan3A_42 : i32 to index
      %swap3A_43 = arith.constant 0 : index
      %swap3A_44 = tpu.vector_load %arg8[%swap3A, %swap3A_43] {strides = array<i32>} : memref<640x32xf32, #tpu.memory_space<vmem>>, vector<16xf32>,
      tpu.vector_store %arg8[%swap3A, %swap3A_43], %broadcast_in_dim3A_1 {strides = array<i32>} : memref<640x32xf32, #tpu.memory_space<vmem>>, vector<16xf32>,
      %swap3A_45 = arith.index_cast %scan3A_42 : i32 to index
      %swap3A_46 = arith.constant 16 : index
      %swap3A_47 = tpu.vector_load %arg8[%swap3A_45, %swap3A_46] {strides = array<i32>} : memref<640x32xf32, #tpu.memory_space<vmem>>, vector<16xf32>,
      tpu.vector_store %arg8[%swap3A_45, %swap3A_46], %broadcast_in_dim3A_1 {strides = array<i32>} : memref<640x32xf32, #tpu.memory_space<vmem>>, vector<16xf32>,
    }
    %scan3A_6 = arith.constant 128 : i32
    %add3A = arith.constant 0 : i32
    %add3A_7 = arith.addi %mul3A_0, %add3A : i32
    "tpu.region"() ({
      %run_scoped3A = tpu.sem_alloc : memref<!tpu.dma_semaphore, #tpu.memory_space<semaphore_mem>>
      %dma_start3A = arith.constant 0 : i32
      %dma_start3A_42 = arith.constant 0 : i32
      %dma_start3A_43 = tpu.memref_slice %arg8[%dma_start3A, %dma_start3A_42] : memref<640x32xf32, #tpu.memory_space<vmem>> -> memref<128x32xf32, #tpu.memory_space<vmem>>
      %dma_start3A_44 = arith.constant 0 : i32
      %dma_start3A_45 = tpu.memref_slice %arg9[%add3A_7, %dma_start3A_44] : memref<10240x32xf32, #tpu.memory_space<vmem_shared>> -> memref<128x32xf32, #tpu.memory_space<vmem_shared>>
      %dma_start3A_46 = arith.constant 0 : i32
      %dma_start3A_47 = tpu.memref_slice %arg9[%add3A_7, %dma_start3A_46] : memref<10240x32xf32, #tpu.memory_space<vmem_shared>> -> memref<128x32xf32, #tpu.memory_space<vmem_shared>>
      %dma_start3A_48 = arith.constant 0 : i32
      %dma_start3A_49 = arith.constant 0 : i32
      %dma_start3A_50 = tpu.memref_slice %arg8[%dma_start3A_48, %dma_start3A_49] : memref<640x32xf32, #tpu.memory_space<vmem>> -> memref<128x32xf32, #tpu.memory_space<vmem>>
      tpu.enqueue_dma source(%dma_start3A_50 : memref<128x32xf32, #tpu.memory_space<vmem>>) target(%dma_start3A_47 : memref<128x32xf32, #tpu.memory_space<vmem_shared>>) target_semaphore(%run_scoped3A : memref<!tpu.dma_semaphore, #tpu.memory_space<semaphore_mem>>)
      %dma_wait3A_51 = arith.constant 0 : i32
      %dma_wait3A_52 = arith.constant 0 : i32
      %dma_wait3A_53 = tpu.memref_slice %arg8[%dma_wait3A_51, %dma_wait3A_52] : memref<640x32xf32, #tpu.memory_space<vmem>> -> memref<128x32xf32, #tpu.memory_space<vmem>>
      %dma_wait3A_54 = arith.constant 0 : i32
      %dma_wait3A_55 = tpu.memref_slice %arg9[%add3A_7, %dma_wait3A_54] : memref<10240x32xf32, #tpu.memory_space<vmem_shared>> -> memref<128x32xf32, #tpu.memory_space<vmem_shared>>
      %dma_wait3A_56 = arith.constant 0 : i32
      %dma_wait3A_57 = tpu.memref_slice %arg9[%add3A_7, %dma_wait3A_56] : memref<10240x32xf32, #tpu.memory_space<vmem_shared>> -> memref<128x32xf32, #tpu.memory_space<vmem_shared>>
      %dma_wait3A_58 = arith.constant 0 : i32
      %dma_wait3A_59 = arith.constant 0 : i32
      %dma_wait3A_60 = tpu.memref_slice %arg8[%dma_wait3A_58, %dma_wait3A_59] : memref<640x32xf32, #tpu.memory_space<vmem>> -> memref<128x32xf32, #tpu.memory_space<vmem>>
      tpu.wait_dma2 semaphore(%run_scoped3A : memref<!tpu.dma_semaphore, #tpu.memory_space<semaphore_mem>>) src(%dma_wait3A_60 : memref<128x32xf32, #tpu.memory_space<vmem>>) dst(%dma_wait3A_57 : memref<128x32xf32, #tpu.memory_space<vmem_shared>>)
      tpu.yield
    }) : () -> ()
    %add3A_8 = arith.constant 128 : i32
    %add3A_9 = arith.addi %mul3A_0, %add3A_8 : i32
    "tpu.region"() ({
      %run_scoped3A = tpu.sem_alloc : memref<!tpu.dma_semaphore, #tpu.memory_space<semaphore_mem>>
      %dma_start3A = arith.constant 0 : i32
      %dma_start3A_42 = arith.constant 0 : i32
      %dma_start3A_43 = tpu.memref_slice %arg8[%dma_start3A, %dma_start3A_42] : memref<640x32xf32, #tpu.memory_space<vmem>> -> memref<128x32xf32, #tpu.memory_space<vmem>>
      %dma_start3A_44 = arith.constant 0 : i32
      %dma_start3A_45 = tpu.memref_slice %arg9[%add3A_9, %dma_start3A_44] : memref<10240x32xf32, #tpu.memory_space<vmem_shared>> -> memref<128x32xf32, #tpu.memory_space<vmem_shared>>
      %dma_start3A_46 = arith.constant 0 : i32
      %dma_start3A_47 = tpu.memref_slice %arg9[%add3A_9, %dma_start3A_46] : memref<10240x32xf32, #tpu.memory_space<vmem_shared>> -> memref<128x32xf32, #tpu.memory_space<vmem_shared>>
      %dma_start3A_48 = arith.constant 0 : i32
      %dma_start3A_49 = arith.constant 0 : i32
      %dma_start3A_50 = tpu.memref_slice %arg8[%dma_start3A_48, %dma_start3A_49] : memref<640x32xf32, #tpu.memory_space<vmem>> -> memref<128x32xf32, #tpu.memory_space<vmem>>
      tpu.enqueue_dma source(%dma_start3A_50 : memref<128x32xf32, #tpu.memory_space<vmem>>) target(%dma_start3A_47 : memref<128x32xf32, #tpu.memory_space<vmem_shared>>) target_semaphore(%run_scoped3A : memref<!tpu.dma_semaphore, #tpu.memory_space<semaphore_mem>>)
      %dma_wait3A_51 = arith.constant 0 : i32
      %dma_wait3A_52 = arith.constant 0 : i32
      %dma_wait3A_53 = tpu.memref_slice %arg8[%dma_wait3A_51, %dma_wait3A_52] : memref<640x32xf32, #tpu.memory_space<vmem>> -> memref<128x32xf32, #tpu.memory_space<vmem>>
      %dma_wait3A_54 = arith.constant 0 : i32
      %dma_wait3A_55 = tpu.memref_slice %arg9[%add3A_9, %dma_wait3A_54] : memref<10240x32xf32, #tpu.memory_space<vmem_shared>> -> memref<128x32xf32, #tpu.memory_space<vmem_shared>>
      %dma_wait3A_56 = arith.constant 0 : i32
      %dma_wait3A_57 = tpu.memref_slice %arg9[%add3A_9, %dma_wait3A_56] : memref<10240x32xf32, #tpu.memory_space<vmem_shared>> -> memref<128x32xf32, #tpu.memory_space<vmem_shared>>
      %dma_wait3A_58 = arith.constant 0 : i32
      %dma_wait3A_59 = arith.constant 0 : i32
      %dma_wait3A_60 = tpu.memref_slice %arg8[%dma_wait3A_58, %dma_wait3A_59] : memref<640x32xf32, #tpu.memory_space<vmem>> -> memref<128x32xf32, #tpu.memory_space<vmem>>
      tpu.wait_dma2 semaphore(%run_scoped3A : memref<!tpu.dma_semaphore, #tpu.memory_space<semaphore_mem>>) src(%dma_wait3A_60 : memref<128x32xf32, #tpu.memory_space<vmem>>) dst(%dma_wait3A_57 : memref<128x32xf32, #tpu.memory_space<vmem_shared>>)
      tpu.yield
    }) : () -> ()
    %add3A_10 = arith.constant 256 : i32
    %add3A_11 = arith.addi %mul3A_0, %add3A_10 : i32
    "tpu.region"() ({
      %run_scoped3A = tpu.sem_alloc : memref<!tpu.dma_semaphore, #tpu.memory_space<semaphore_mem>>
      %dma_start3A = arith.constant 0 : i32
      %dma_start3A_42 = arith.constant 0 : i32
      %dma_start3A_43 = tpu.memref_slice %arg8[%dma_start3A, %dma_start3A_42] : memref<640x32xf32, #tpu.memory_space<vmem>> -> memref<128x32xf32, #tpu.memory_space<vmem>>
      %dma_start3A_44 = arith.constant 0 : i32
      %dma_start3A_45 = tpu.memref_slice %arg9[%add3A_11, %dma_start3A_44] : memref<10240x32xf32, #tpu.memory_space<vmem_shared>> -> memref<128x32xf32, #tpu.memory_space<vmem_shared>>
      %dma_start3A_46 = arith.constant 0 : i32
      %dma_start3A_47 = tpu.memref_slice %arg9[%add3A_11, %dma_start3A_46] : memref<10240x32xf32, #tpu.memory_space<vmem_shared>> -> memref<128x32xf32, #tpu.memory_space<vmem_shared>>
      %dma_start3A_48 = arith.constant 0 : i32
      %dma_start3A_49 = arith.constant 0 : i32
      %dma_start3A_50 = tpu.memref_slice %arg8[%dma_start3A_48, %dma_start3A_49] : memref<640x32xf32, #tpu.memory_space<vmem>> -> memref<128x32xf32, #tpu.memory_space<vmem>>
      tpu.enqueue_dma source(%dma_start3A_50 : memref<128x32xf32, #tpu.memory_space<vmem>>) target(%dma_start3A_47 : memref<128x32xf32, #tpu.memory_space<vmem_shared>>) target_semaphore(%run_scoped3A : memref<!tpu.dma_semaphore, #tpu.memory_space<semaphore_mem>>)
      %dma_wait3A_51 = arith.constant 0 : i32
      %dma_wait3A_52 = arith.constant 0 : i32
      %dma_wait3A_53 = tpu.memref_slice %arg8[%dma_wait3A_51, %dma_wait3A_52] : memref<640x32xf32, #tpu.memory_space<vmem>> -> memref<128x32xf32, #tpu.memory_space<vmem>>
      %dma_wait3A_54 = arith.constant 0 : i32
      %dma_wait3A_55 = tpu.memref_slice %arg9[%add3A_11, %dma_wait3A_54] : memref<10240x32xf32, #tpu.memory_space<vmem_shared>> -> memref<128x32xf32, #tpu.memory_space<vmem_shared>>
      %dma_wait3A_56 = arith.constant 0 : i32
      %dma_wait3A_57 = tpu.memref_slice %arg9[%add3A_11, %dma_wait3A_56] : memref<10240x32xf32, #tpu.memory_space<vmem_shared>> -> memref<128x32xf32, #tpu.memory_space<vmem_shared>>
      %dma_wait3A_58 = arith.constant 0 : i32
      %dma_wait3A_59 = arith.constant 0 : i32
      %dma_wait3A_60 = tpu.memref_slice %arg8[%dma_wait3A_58, %dma_wait3A_59] : memref<640x32xf32, #tpu.memory_space<vmem>> -> memref<128x32xf32, #tpu.memory_space<vmem>>
      tpu.wait_dma2 semaphore(%run_scoped3A : memref<!tpu.dma_semaphore, #tpu.memory_space<semaphore_mem>>) src(%dma_wait3A_60 : memref<128x32xf32, #tpu.memory_space<vmem>>) dst(%dma_wait3A_57 : memref<128x32xf32, #tpu.memory_space<vmem_shared>>)
      tpu.yield
    }) : () -> ()
    %add3A_12 = arith.constant 384 : i32
    %add3A_13 = arith.addi %mul3A_0, %add3A_12 : i32
    "tpu.region"() ({
      %run_scoped3A = tpu.sem_alloc : memref<!tpu.dma_semaphore, #tpu.memory_space<semaphore_mem>>
      %dma_start3A = arith.constant 0 : i32
      %dma_start3A_42 = arith.constant 0 : i32
      %dma_start3A_43 = tpu.memref_slice %arg8[%dma_start3A, %dma_start3A_42] : memref<640x32xf32, #tpu.memory_space<vmem>> -> memref<128x32xf32, #tpu.memory_space<vmem>>
      %dma_start3A_44 = arith.constant 0 : i32
      %dma_start3A_45 = tpu.memref_slice %arg9[%add3A_13, %dma_start3A_44] : memref<10240x32xf32, #tpu.memory_space<vmem_shared>> -> memref<128x32xf32, #tpu.memory_space<vmem_shared>>
      %dma_start3A_46 = arith.constant 0 : i32
      %dma_start3A_47 = tpu.memref_slice %arg9[%add3A_13, %dma_start3A_46] : memref<10240x32xf32, #tpu.memory_space<vmem_shared>> -> memref<128x32xf32, #tpu.memory_space<vmem_shared>>
      %dma_start3A_48 = arith.constant 0 : i32
      %dma_start3A_49 = arith.constant 0 : i32
      %dma_start3A_50 = tpu.memref_slice %arg8[%dma_start3A_48, %dma_start3A_49] : memref<640x32xf32, #tpu.memory_space<vmem>> -> memref<128x32xf32, #tpu.memory_space<vmem>>
      tpu.enqueue_dma source(%dma_start3A_50 : memref<128x32xf32, #tpu.memory_space<vmem>>) target(%dma_start3A_47 : memref<128x32xf32, #tpu.memory_space<vmem_shared>>) target_semaphore(%run_scoped3A : memref<!tpu.dma_semaphore, #tpu.memory_space<semaphore_mem>>)
      %dma_wait3A_51 = arith.constant 0 : i32
      %dma_wait3A_52 = arith.constant 0 : i32
      %dma_wait3A_53 = tpu.memref_slice %arg8[%dma_wait3A_51, %dma_wait3A_52] : memref<640x32xf32, #tpu.memory_space<vmem>> -> memref<128x32xf32, #tpu.memory_space<vmem>>
      %dma_wait3A_54 = arith.constant 0 : i32
      %dma_wait3A_55 = tpu.memref_slice %arg9[%add3A_13, %dma_wait3A_54] : memref<10240x32xf32, #tpu.memory_space<vmem_shared>> -> memref<128x32xf32, #tpu.memory_space<vmem_shared>>
      %dma_wait3A_56 = arith.constant 0 : i32
      %dma_wait3A_57 = tpu.memref_slice %arg9[%add3A_13, %dma_wait3A_56] : memref<10240x32xf32, #tpu.memory_space<vmem_shared>> -> memref<128x32xf32, #tpu.memory_space<vmem_shared>>
      %dma_wait3A_58 = arith.constant 0 : i32
      %dma_wait3A_59 = arith.constant 0 : i32
      %dma_wait3A_60 = tpu.memref_slice %arg8[%dma_wait3A_58, %dma_wait3A_59] : memref<640x32xf32, #tpu.memory_space<vmem>> -> memref<128x32xf32, #tpu.memory_space<vmem>>
      tpu.wait_dma2 semaphore(%run_scoped3A : memref<!tpu.dma_semaphore, #tpu.memory_space<semaphore_mem>>) src(%dma_wait3A_60 : memref<128x32xf32, #tpu.memory_space<vmem>>) dst(%dma_wait3A_57 : memref<128x32xf32, #tpu.memory_space<vmem_shared>>)
      tpu.yield
    }) : () -> ()
    %add3A_14 = arith.constant 512 : i32
    %add3A_15 = arith.addi %mul3A_0, %add3A_14 : i32
    "tpu.region"() ({
      %run_scoped3A = tpu.sem_alloc : memref<!tpu.dma_semaphore, #tpu.memory_space<semaphore_mem>>
      %dma_start3A = arith.constant 0 : i32
      %dma_start3A_42 = arith.constant 0 : i32
      %dma_start3A_43 = tpu.memref_slice %arg8[%dma_start3A, %dma_start3A_42] : memref<640x32xf32, #tpu.memory_space<vmem>> -> memref<128x32xf32, #tpu.memory_space<vmem>>
      %dma_start3A_44 = arith.constant 0 : i32
      %dma_start3A_45 = tpu.memref_slice %arg9[%add3A_15, %dma_start3A_44] : memref<10240x32xf32, #tpu.memory_space<vmem_shared>> -> memref<128x32xf32, #tpu.memory_space<vmem_shared>>
      %dma_start3A_46 = arith.constant 0 : i32
      %dma_start3A_47 = tpu.memref_slice %arg9[%add3A_15, %dma_start3A_46] : memref<10240x32xf32, #tpu.memory_space<vmem_shared>> -> memref<128x32xf32, #tpu.memory_space<vmem_shared>>
      %dma_start3A_48 = arith.constant 0 : i32
      %dma_start3A_49 = arith.constant 0 : i32
      %dma_start3A_50 = tpu.memref_slice %arg8[%dma_start3A_48, %dma_start3A_49] : memref<640x32xf32, #tpu.memory_space<vmem>> -> memref<128x32xf32, #tpu.memory_space<vmem>>
      tpu.enqueue_dma source(%dma_start3A_50 : memref<128x32xf32, #tpu.memory_space<vmem>>) target(%dma_start3A_47 : memref<128x32xf32, #tpu.memory_space<vmem_shared>>) target_semaphore(%run_scoped3A : memref<!tpu.dma_semaphore, #tpu.memory_space<semaphore_mem>>)
      %dma_wait3A_51 = arith.constant 0 : i32
      %dma_wait3A_52 = arith.constant 0 : i32
      %dma_wait3A_53 = tpu.memref_slice %arg8[%dma_wait3A_51, %dma_wait3A_52] : memref<640x32xf32, #tpu.memory_space<vmem>> -> memref<128x32xf32, #tpu.memory_space<vmem>>
      %dma_wait3A_54 = arith.constant 0 : i32
      %dma_wait3A_55 = tpu.memref_slice %arg9[%add3A_15, %dma_wait3A_54] : memref<10240x32xf32, #tpu.memory_space<vmem_shared>> -> memref<128x32xf32, #tpu.memory_space<vmem_shared>>
      %dma_wait3A_56 = arith.constant 0 : i32
      %dma_wait3A_57 = tpu.memref_slice %arg9[%add3A_15, %dma_wait3A_56] : memref<10240x32xf32, #tpu.memory_space<vmem_shared>> -> memref<128x32xf32, #tpu.memory_space<vmem_shared>>
      %dma_wait3A_58 = arith.constant 0 : i32
      %dma_wait3A_59 = arith.constant 0 : i32
      %dma_wait3A_60 = tpu.memref_slice %arg8[%dma_wait3A_58, %dma_wait3A_59] : memref<640x32xf32, #tpu.memory_space<vmem>> -> memref<128x32xf32, #tpu.memory_space<vmem>>
      tpu.wait_dma2 semaphore(%run_scoped3A : memref<!tpu.dma_semaphore, #tpu.memory_space<semaphore_mem>>) src(%dma_wait3A_60 : memref<128x32xf32, #tpu.memory_space<vmem>>) dst(%dma_wait3A_57 : memref<128x32xf32, #tpu.memory_space<vmem_shared>>)
      tpu.yield
    }) : () -> ()
    %barrier3A = arith.constant 0 : index
    tpu.barrier barrier_id(%barrier3A)
    "tpu.region"() ({
      %run_scoped3A = tpu.sem_alloc : memref<!tpu.dma_semaphore, #tpu.memory_space<semaphore_mem>>
      %dma_start3A = arith.constant 0 : i32
      %dma_start3A_42 = arith.constant 0 : i32
      %dma_start3A_43 = tpu.memref_slice %arg3[%arg1, %dma_start3A, %dma_start3A_42] : memref<16x157x128xi32, #tpu.memory_space<hbm>> -> memref<1x157x128xi32, #tpu.memory_space<hbm>>
      %dma_start3A_44 = tpu.memref_squeeze %dma_start3A_43 : memref<1x157x128xi32, #tpu.memory_space<hbm>> -> memref<157x128xi32, #tpu.memory_space<hbm>>
      %dma_start3A_45 = arith.constant 0 : i32
      %dma_start3A_46 = arith.constant 0 : i32
      %dma_start3A_47 = tpu.memref_slice %arg3[%arg1, %dma_start3A_45, %dma_start3A_46] : memref<16x157x128xi32, #tpu.memory_space<hbm>> -> memref<1x157x128xi32, #tpu.memory_space<hbm>>
      %dma_start3A_48 = tpu.memref_squeeze %dma_start3A_47 : memref<1x157x128xi32, #tpu.memory_space<hbm>> -> memref<157x128xi32, #tpu.memory_space<hbm>>
      tpu.enqueue_dma source(%dma_start3A_48 : memref<157x128xi32, #tpu.memory_space<hbm>>) target(%arg6 : memref<157x128xi32, #tpu.memory_space<vmem>>) target_semaphore(%run_scoped3A : memref<!tpu.dma_semaphore, #tpu.memory_space<semaphore_mem>>)
      %dma_wait3A_49 = arith.constant 0 : i32
      %dma_wait3A_50 = arith.constant 0 : i32
      %dma_wait3A_51 = tpu.memref_slice %arg3[%arg1, %dma_wait3A_49, %dma_wait3A_50] : memref<16x157x128xi32, #tpu.memory_space<hbm>> -> memref<1x157x128xi32, #tpu.memory_space<hbm>>
      %dma_wait3A_52 = tpu.memref_squeeze %dma_wait3A_51 : memref<1x157x128xi32, #tpu.memory_space<hbm>> -> memref<157x128xi32, #tpu.memory_space<hbm>>
      %dma_wait3A_53 = arith.constant 0 : i32
      %dma_wait3A_54 = arith.constant 0 : i32
      %dma_wait3A_55 = tpu.memref_slice %arg3[%arg1, %dma_wait3A_53, %dma_wait3A_54] : memref<16x157x128xi32, #tpu.memory_space<hbm>> -> memref<1x157x128xi32, #tpu.memory_space<hbm>>
      %dma_wait3A_56 = tpu.memref_squeeze %dma_wait3A_55 : memref<1x157x128xi32, #tpu.memory_space<hbm>> -> memref<157x128xi32, #tpu.memory_space<hbm>>
      tpu.wait_dma2 semaphore(%run_scoped3A : memref<!tpu.dma_semaphore, #tpu.memory_space<semaphore_mem>>) src(%dma_wait3A_56 : memref<157x128xi32, #tpu.memory_space<hbm>>) dst(%arg6 : memref<157x128xi32, #tpu.memory_space<vmem>>)
      tpu.yield
    }) : () -> ()
    "tpu.region"() ({
      %run_scoped3A = tpu.sem_alloc : memref<!tpu.dma_semaphore, #tpu.memory_space<semaphore_mem>>
      %dma_start3A = arith.constant 0 : i32
      %dma_start3A_42 = arith.constant 0 : i32
      %dma_start3A_43 = tpu.memref_slice %arg4[%arg1, %dma_start3A, %dma_start3A_42] : memref<16x157x128xi32, #tpu.memory_space<hbm>> -> memref<1x157x128xi32, #tpu.memory_space<hbm>>
      %dma_start3A_44 = tpu.memref_squeeze %dma_start3A_43 : memref<1x157x128xi32, #tpu.memory_space<hbm>> -> memref<157x128xi32, #tpu.memory_space<hbm>>
      %dma_start3A_45 = arith.constant 0 : i32
      %dma_start3A_46 = arith.constant 0 : i32
      %dma_start3A_47 = tpu.memref_slice %arg4[%arg1, %dma_start3A_45, %dma_start3A_46] : memref<16x157x128xi32, #tpu.memory_space<hbm>> -> memref<1x157x128xi32, #tpu.memory_space<hbm>>
      %dma_start3A_48 = tpu.memref_squeeze %dma_start3A_47 : memref<1x157x128xi32, #tpu.memory_space<hbm>> -> memref<157x128xi32, #tpu.memory_space<hbm>>
      tpu.enqueue_dma source(%dma_start3A_48 : memref<157x128xi32, #tpu.memory_space<hbm>>) target(%arg7 : memref<157x128xi32, #tpu.memory_space<vmem>>) target_semaphore(%run_scoped3A : memref<!tpu.dma_semaphore, #tpu.memory_space<semaphore_mem>>)
      %dma_wait3A_49 = arith.constant 0 : i32
      %dma_wait3A_50 = arith.constant 0 : i32
      %dma_wait3A_51 = tpu.memref_slice %arg4[%arg1, %dma_wait3A_49, %dma_wait3A_50] : memref<16x157x128xi32, #tpu.memory_space<hbm>> -> memref<1x157x128xi32, #tpu.memory_space<hbm>>
      %dma_wait3A_52 = tpu.memref_squeeze %dma_wait3A_51 : memref<1x157x128xi32, #tpu.memory_space<hbm>> -> memref<157x128xi32, #tpu.memory_space<hbm>>
      %dma_wait3A_53 = arith.constant 0 : i32
      %dma_wait3A_54 = arith.constant 0 : i32
      %dma_wait3A_55 = tpu.memref_slice %arg4[%arg1, %dma_wait3A_53, %dma_wait3A_54] : memref<16x157x128xi32, #tpu.memory_space<hbm>> -> memref<1x157x128xi32, #tpu.memory_space<hbm>>
      %dma_wait3A_56 = tpu.memref_squeeze %dma_wait3A_55 : memref<1x157x128xi32, #tpu.memory_space<hbm>> -> memref<157x128xi32, #tpu.memory_space<hbm>>
      tpu.wait_dma2 semaphore(%run_scoped3A : memref<!tpu.dma_semaphore, #tpu.memory_space<semaphore_mem>>) src(%dma_wait3A_56 : memref<157x128xi32, #tpu.memory_space<hbm>>) dst(%arg7 : memref<157x128xi32, #tpu.memory_space<vmem>>)
      tpu.yield
    }) : () -> ()
    %scan3A_16 = arith.constant 0 : i32
    %scan3A_17 = arith.constant 0 : i32
    %scan3A_18 = arith.constant 160 : i32
    %scan3A_19 = arith.addi %scan3A_17, %scan3A_18 : i32
    %scan3A_20 = arith.constant 1 : i32
    scf.for %scan3A_42 = %scan3A_17 to %scan3A_19 step %scan3A_20  : i32 {
      %sub3A = arith.constant 3 : i32
      %sub3A_43 = arith.subi %scan3A_42, %sub3A : i32
      %ge3A = arith.constant 3 : i32
      %ge3A_44 = arith.cmpi sge, %scan3A_42, %ge3A : i32
      %convert_element_type3A = arith.extui %ge3A_44 : i1 to i32
      %cond3A = arith.constant 0 : i32
      %cond3A_45 = arith.cmpi ne, %convert_element_type3A, %cond3A : i32
      scf.if %cond3A_45 {
        %jit3A = arith.constant 5 : i32
        %eq3A = arith.constant 0 : i32
        %eq3A_50 = arith.cmpi eq, %jit3A, %eq3A : i32
        %jit3A_51 = arith.constant 1 : i32
        %select_n3A = arith.select %eq3A_50, %jit3A_51, %jit3A : i32
        %rem3A = arith.remsi %sub3A_43, %select_n3A : i32
        %ne3A = arith.constant 0 : i32
        %ne3A_52 = arith.cmpi ne, %rem3A, %ne3A : i32
        %lt3A_53 = arith.constant 0 : i32
        %lt3A_54 = arith.cmpi slt, %rem3A, %lt3A_53 : i32
        %lt3A_55 = arith.constant 0 : i32
        %lt3A_56 = arith.cmpi slt, %select_n3A, %lt3A_55 : i32
        %ne3A_57 = arith.xori %lt3A_54, %lt3A_56 : i1
        %and3A = arith.andi %ne3A_57, %ne3A_52 : i1
        %add3A_58 = arith.addi %rem3A, %select_n3A : i32
        %select_n3A_59 = arith.select %and3A, %add3A_58, %rem3A : i32
        %mul3A_60 = arith.constant 128 : i32
        %mul3A_61 = arith.muli %select_n3A_59, %mul3A_60 : i32
        %dma_wait3A_62 = arith.constant 0 : i32
        %dma_wait3A_63 = arith.constant 0 : i32
        %dma_wait3A_64 = tpu.memref_slice %arg8[%mul3A_61, %dma_wait3A_63] : memref<640x32xf32, #tpu.memory_space<vmem>> -> memref<128x32xf32, #tpu.memory_space<vmem>>
        %dma_wait3A_65 = arith.constant 0 : i32
        %dma_wait3A_66 = tpu.memref_slice %arg6[%dma_wait3A_62, %dma_wait3A_65] : memref<157x128xi32, #tpu.memory_space<vmem>> -> memref<1x128xi32, #tpu.memory_space<vmem>>
        %dma_wait3A_67 = tpu.memref_squeeze %dma_wait3A_66 : memref<1x128xi32, #tpu.memory_space<vmem>> -> memref<128xi32, #tpu.memory_space<vmem>>
        %dma_wait3A_68 = arith.constant 0 : i32
        %dma_wait3A_69 = arith.constant 0 : i32
        %dma_wait3A_70 = tpu.memref_slice %arg2[%arg0, %dma_wait3A_68, %dma_wait3A_69] : memref<2x10000x32xf32, #tpu.memory_space<hbm>> -> memref<1x10000x32xf32, #tpu.memory_space<hbm>>
        %dma_wait3A_71 = tpu.memref_squeeze %dma_wait3A_70 : memref<1x10000x32xf32, #tpu.memory_space<hbm>> -> memref<10000x32xf32, #tpu.memory_space<hbm>>
        %dma_wait3A_72 = arith.constant 0 : i32
        %dma_wait3A_73 = arith.constant 0 : i32
        %dma_wait3A_74 = tpu.memref_slice %dma_wait3A_71[%dma_wait3A_72, %dma_wait3A_73] : memref<10000x32xf32, #tpu.memory_space<hbm>> -> memref<10000x32xf32, #tpu.memory_space<hbm>>
        tpu.wait_indirect_dma semaphore(%arg10 : memref<!tpu.dma_semaphore, #tpu.memory_space<semaphore_mem>>) src(%dma_wait3A_74 : memref<10000x32xf32, #tpu.memory_space<hbm>>) dst(%dma_wait3A_64 : memref<128x32xf32, #tpu.memory_space<vmem>>)
        %ge3A_75 = arith.constant 2 : i32
        %ge3A_76 = arith.cmpi sge, %sub3A_43, %ge3A_75 : i32
        %convert_element_type3A_77 = arith.extui %ge3A_76 : i1 to i32
        %cond3A_78 = arith.constant 0 : i32
        %cond3A_79 = arith.cmpi ne, %convert_element_type3A_77, %cond3A_78 : i32
        scf.if %cond3A_79 {
          %dma_wait3A_105 = arith.constant 0 : i32
          %dma_wait3A_106 = arith.constant 0 : i32
          %dma_wait3A_107 = arith.constant 0 : i32
          %dma_wait3A_108 = tpu.memref_slice %arg8[%dma_wait3A_106, %dma_wait3A_107] : memref<640x32xf32, #tpu.memory_space<vmem>> -> memref<128x32xf32, #tpu.memory_space<vmem>>
          %dma_wait3A_109 = arith.constant 0 : i32
          %dma_wait3A_110 = tpu.memref_slice %arg7[%dma_wait3A_105, %dma_wait3A_109] : memref<157x128xi32, #tpu.memory_space<vmem>> -> memref<1x128xi32, #tpu.memory_space<vmem>>
          %dma_wait3A_111 = tpu.memref_squeeze %dma_wait3A_110 : memref<1x128xi32, #tpu.memory_space<vmem>> -> memref<128xi32, #tpu.memory_space<vmem>>
          %dma_wait3A_112 = arith.constant 0 : i32
          %dma_wait3A_113 = arith.constant 0 : i32
          %dma_wait3A_114 = tpu.memref_slice %arg9[%dma_wait3A_112, %dma_wait3A_113] : memref<10240x32xf32, #tpu.memory_space<vmem_shared>> -> memref<10240x32xf32, #tpu.memory_space<vmem_shared>>
          tpu.wait_indirect_dma semaphore(%arg11 : memref<!tpu.dma_semaphore, #tpu.memory_space<semaphore_mem>>) src(%dma_wait3A_108 : memref<128x32xf32, #tpu.memory_space<vmem>>) dst(%dma_wait3A_114 : memref<10240x32xf32, #tpu.memory_space<vmem_shared>>)
        } else {
        }
        %jit3A_80 = arith.constant 5 : i32
        %eq3A_81 = arith.constant 0 : i32
        %eq3A_82 = arith.cmpi eq, %jit3A_80, %eq3A_81 : i32
        %jit3A_83 = arith.constant 1 : i32
        %select_n3A_84 = arith.select %eq3A_82, %jit3A_83, %jit3A_80 : i32
        %rem3A_85 = arith.remsi %sub3A_43, %select_n3A_84 : i32
        %ne3A_86 = arith.constant 0 : i32
        %ne3A_87 = arith.cmpi ne, %rem3A_85, %ne3A_86 : i32
        %lt3A_88 = arith.constant 0 : i32
        %lt3A_89 = arith.cmpi slt, %rem3A_85, %lt3A_88 : i32
        %lt3A_90 = arith.constant 0 : i32
        %lt3A_91 = arith.cmpi slt, %select_n3A_84, %lt3A_90 : i32
        %ne3A_92 = arith.xori %lt3A_89, %lt3A_91 : i1
        %and3A_93 = arith.andi %ne3A_92, %ne3A_87 : i1
        %add3A_94 = arith.addi %rem3A_85, %select_n3A_84 : i32
        %select_n3A_95 = arith.select %and3A_93, %add3A_94, %rem3A_85 : i32
        %mul3A_96 = arith.constant 128 : i32
        %mul3A_97 = arith.muli %select_n3A_95, %mul3A_96 : i32
        %dma_start3A = arith.constant 0 : i32
        %dma_start3A_98 = tpu.memref_slice %arg8[%mul3A_97, %dma_start3A] : memref<640x32xf32, #tpu.memory_space<vmem>> -> memref<128x32xf32, #tpu.memory_space<vmem>>
        %dma_start3A_99 = arith.constant 0 : i32
        %dma_start3A_100 = tpu.memref_slice %arg7[%sub3A_43, %dma_start3A_99] : memref<157x128xi32, #tpu.memory_space<vmem>> -> memref<1x128xi32, #tpu.memory_space<vmem>>
        %dma_start3A_101 = tpu.memref_squeeze %dma_start3A_100 : memref<1x128xi32, #tpu.memory_space<vmem>> -> memref<128xi32, #tpu.memory_space<vmem>>
        %dma_start3A_102 = arith.constant 0 : i32
        %dma_start3A_103 = arith.constant 0 : i32
        %dma_start3A_104 = tpu.memref_slice %arg9[%dma_start3A_102, %dma_start3A_103] : memref<10240x32xf32, #tpu.memory_space<vmem_shared>> -> memref<10240x32xf32, #tpu.memory_space<vmem_shared>>
        tpu.enqueue_indirect_dma source(%dma_start3A_98 : memref<128x32xf32, #tpu.memory_space<vmem>>) target(%dma_start3A_104 : memref<10240x32xf32, #tpu.memory_space<vmem_shared>>) offsets(%dma_start3A_101 : memref<128xi32, #tpu.memory_space<vmem>>) semaphore(%arg11 : memref<!tpu.dma_semaphore, #tpu.memory_space<semaphore_mem>>) {add = true}
      } else {
      }
      %lt3A = arith.constant 157 : i32
      %lt3A_46 = arith.cmpi slt, %scan3A_42, %lt3A : i32
      %convert_element_type3A_47 = arith.extui %lt3A_46 : i1 to i32
      %cond3A_48 = arith.constant 0 : i32
      %cond3A_49 = arith.cmpi ne, %convert_element_type3A_47, %cond3A_48 : i32
      scf.if %cond3A_49 {
        %jit3A = arith.constant 5 : i32
        %eq3A = arith.constant 0 : i32
        %eq3A_50 = arith.cmpi eq, %jit3A, %eq3A : i32
        %jit3A_51 = arith.constant 1 : i32
        %select_n3A = arith.select %eq3A_50, %jit3A_51, %jit3A : i32
        %rem3A = arith.remsi %scan3A_42, %select_n3A : i32
        %ne3A = arith.constant 0 : i32
        %ne3A_52 = arith.cmpi ne, %rem3A, %ne3A : i32
        %lt3A_53 = arith.constant 0 : i32
        %lt3A_54 = arith.cmpi slt, %rem3A, %lt3A_53 : i32
        %lt3A_55 = arith.constant 0 : i32
        %lt3A_56 = arith.cmpi slt, %select_n3A, %lt3A_55 : i32
        %ne3A_57 = arith.xori %lt3A_54, %lt3A_56 : i1
        %and3A = arith.andi %ne3A_57, %ne3A_52 : i1
        %add3A_58 = arith.addi %rem3A, %select_n3A : i32
        %select_n3A_59 = arith.select %and3A, %add3A_58, %rem3A : i32
        %mul3A_60 = arith.constant 128 : i32
        %mul3A_61 = arith.muli %select_n3A_59, %mul3A_60 : i32
        %dma_start3A = arith.constant 0 : i32
        %dma_start3A_62 = tpu.memref_slice %arg8[%mul3A_61, %dma_start3A] : memref<640x32xf32, #tpu.memory_space<vmem>> -> memref<128x32xf32, #tpu.memory_space<vmem>>
        %dma_start3A_63 = arith.constant 0 : i32
        %dma_start3A_64 = tpu.memref_slice %arg6[%scan3A_42, %dma_start3A_63] : memref<157x128xi32, #tpu.memory_space<vmem>> -> memref<1x128xi32, #tpu.memory_space<vmem>>
        %dma_start3A_65 = tpu.memref_squeeze %dma_start3A_64 : memref<1x128xi32, #tpu.memory_space<vmem>> -> memref<128xi32, #tpu.memory_space<vmem>>
        %dma_start3A_66 = arith.constant 0 : i32
        %dma_start3A_67 = arith.constant 0 : i32
        %dma_start3A_68 = tpu.memref_slice %arg2[%arg0, %dma_start3A_66, %dma_start3A_67] : memref<2x10000x32xf32, #tpu.memory_space<hbm>> -> memref<1x10000x32xf32, #tpu.memory_space<hbm>>
        %dma_start3A_69 = tpu.memref_squeeze %dma_start3A_68 : memref<1x10000x32xf32, #tpu.memory_space<hbm>> -> memref<10000x32xf32, #tpu.memory_space<hbm>>
        %dma_start3A_70 = arith.constant 0 : i32
        %dma_start3A_71 = arith.constant 0 : i32
        %dma_start3A_72 = tpu.memref_slice %dma_start3A_69[%dma_start3A_70, %dma_start3A_71] : memref<10000x32xf32, #tpu.memory_space<hbm>> -> memref<10000x32xf32, #tpu.memory_space<hbm>>
        tpu.enqueue_indirect_dma source(%dma_start3A_72 : memref<10000x32xf32, #tpu.memory_space<hbm>>) target(%dma_start3A_62 : memref<128x32xf32, #tpu.memory_space<vmem>>) offsets(%dma_start3A_65 : memref<128xi32, #tpu.memory_space<vmem>>) semaphore(%arg10 : memref<!tpu.dma_semaphore, #tpu.memory_space<semaphore_mem>>)
      } else {
      }
    }
    %scan3A_21 = arith.constant 160 : i32
    %dma_wait3A = arith.constant 0 : i32
    %dma_wait3A_22 = arith.constant 0 : i32
    %dma_wait3A_23 = arith.constant 0 : i32
    %dma_wait3A_24 = tpu.memref_slice %arg8[%dma_wait3A_22, %dma_wait3A_23] : memref<640x32xf32, #tpu.memory_space<vmem>> -> memref<128x32xf32, #tpu.memory_space<vmem>>
    %dma_wait3A_25 = arith.constant 0 : i32
    %dma_wait3A_26 = tpu.memref_slice %arg7[%dma_wait3A, %dma_wait3A_25] : memref<157x128xi32, #tpu.memory_space<vmem>> -> memref<1x128xi32, #tpu.memory_space<vmem>>
    %dma_wait3A_27 = tpu.memref_squeeze %dma_wait3A_26 : memref<1x128xi32, #tpu.memory_space<vmem>> -> memref<128xi32, #tpu.memory_space<vmem>>
    %dma_wait3A_28 = arith.constant 0 : i32
    %dma_wait3A_29 = arith.constant 0 : i32
    %dma_wait3A_30 = tpu.memref_slice %arg9[%dma_wait3A_28, %dma_wait3A_29] : memref<10240x32xf32, #tpu.memory_space<vmem_shared>> -> memref<10240x32xf32, #tpu.memory_space<vmem_shared>>
    tpu.wait_indirect_dma semaphore(%arg11 : memref<!tpu.dma_semaphore, #tpu.memory_space<semaphore_mem>>) src(%dma_wait3A_24 : memref<128x32xf32, #tpu.memory_space<vmem>>) dst(%dma_wait3A_30 : memref<10240x32xf32, #tpu.memory_space<vmem_shared>>)
    %dma_wait3A_31 = arith.constant 0 : i32
    %dma_wait3A_32 = arith.constant 0 : i32
    %dma_wait3A_33 = arith.constant 0 : i32
    %dma_wait3A_34 = tpu.memref_slice %arg8[%dma_wait3A_32, %dma_wait3A_33] : memref<640x32xf32, #tpu.memory_space<vmem>> -> memref<128x32xf32, #tpu.memory_space<vmem>>
    %dma_wait3A_35 = arith.constant 0 : i32
    %dma_wait3A_36 = tpu.memref_slice %arg7[%dma_wait3A_31, %dma_wait3A_35] : memref<157x128xi32, #tpu.memory_space<vmem>> -> memref<1x128xi32, #tpu.memory_space<vmem>>
    %dma_wait3A_37 = tpu.memref_squeeze %dma_wait3A_36 : memref<1x128xi32, #tpu.memory_space<vmem>> -> memref<128xi32, #tpu.memory_space<vmem>>
    %dma_wait3A_38 = arith.constant 0 : i32
    %dma_wait3A_39 = arith.constant 0 : i32
    %dma_wait3A_40 = tpu.memref_slice %arg9[%dma_wait3A_38, %dma_wait3A_39] : memref<10240x32xf32, #tpu.memory_space<vmem_shared>> -> memref<10240x32xf32, #tpu.memory_space<vmem_shared>>
    tpu.wait_indirect_dma semaphore(%arg11 : memref<!tpu.dma_semaphore, #tpu.memory_space<semaphore_mem>>) src(%dma_wait3A_34 : memref<128x32xf32, #tpu.memory_space<vmem>>) dst(%dma_wait3A_40 : memref<10240x32xf32, #tpu.memory_space<vmem_shared>>)
    %barrier3A_41 = arith.constant 0 : index
    tpu.barrier barrier_id(%barrier3A_41)
    "tpu.region"() ({
      %run_scoped3A = tpu.sem_alloc : memref<!tpu.dma_semaphore, #tpu.memory_space<semaphore_mem>>
      %dma_start3A = arith.constant 0 : i32
      %dma_start3A_42 = tpu.memref_slice %arg5[%arg0, %mul3A_0, %dma_start3A] : memref<2x10240x32xf32, #tpu.memory_space<hbm>> -> memref<1x640x32xf32, #tpu.memory_space<hbm>>
      %dma_start3A_43 = tpu.memref_squeeze %dma_start3A_42 : memref<1x640x32xf32, #tpu.memory_space<hbm>> -> memref<640x32xf32, #tpu.memory_space<hbm>>
      %dma_start3A_44 = arith.constant 0 : i32
      %dma_start3A_45 = tpu.memref_slice %arg9[%mul3A_0, %dma_start3A_44] : memref<10240x32xf32, #tpu.memory_space<vmem_shared>> -> memref<640x32xf32, #tpu.memory_space<vmem_shared>>
      tpu.enqueue_dma source(%dma_start3A_45 : memref<640x32xf32, #tpu.memory_space<vmem_shared>>) target(%dma_start3A_43 : memref<640x32xf32, #tpu.memory_space<hbm>>) target_semaphore(%run_scoped3A : memref<!tpu.dma_semaphore, #tpu.memory_space<semaphore_mem>>)
      %dma_wait3A_46 = arith.constant 0 : i32
      %dma_wait3A_47 = tpu.memref_slice %arg5[%arg0, %mul3A_0, %dma_wait3A_46] : memref<2x10240x32xf32, #tpu.memory_space<hbm>> -> memref<1x640x32xf32, #tpu.memory_space<hbm>>
      %dma_wait3A_48 = tpu.memref_squeeze %dma_wait3A_47 : memref<1x640x32xf32, #tpu.memory_space<hbm>> -> memref<640x32xf32, #tpu.memory_space<hbm>>
      %dma_wait3A_49 = arith.constant 0 : i32
      %dma_wait3A_50 = tpu.memref_slice %arg9[%mul3A_0, %dma_wait3A_49] : memref<10240x32xf32, #tpu.memory_space<vmem_shared>> -> memref<640x32xf32, #tpu.memory_space<vmem_shared>>
      tpu.wait_dma2 semaphore(%run_scoped3A : memref<!tpu.dma_semaphore, #tpu.memory_space<semaphore_mem>>) src(%dma_wait3A_50 : memref<640x32xf32, #tpu.memory_space<vmem_shared>>) dst(%dma_wait3A_48 : memref<640x32xf32, #tpu.memory_space<hbm>>)
      tpu.yield
    }) : () -> ()
    return
  }
}

#map = affine_map<(d0, d1) -> (0, 0)>
#map1 = affine_map<(d0, d1) -> (0, 0, 0)>
#map2 = affine_map<(d0, d1) -> (0)>
module attributes {stable_mosaic.version = 14 : i64} {
  func.func @_decode(%arg0: i32, %arg1: i32, %arg2: memref<10000x64xf32, #tpu.memory_space<hbm>>, %arg3: memref<32x25x128xi32, #tpu.memory_space<hbm>>, %arg4: memref<32x25x128xi32, #tpu.memory_space<hbm>>, %arg5: memref<102400xf32, #tpu.memory_space<hbm>>, %arg6: memref<25x128xi32, #tpu.memory_space<vmem>>, %arg7: memref<25x128xi32, #tpu.memory_space<vmem>>, %arg8: memref<512x64xf32, #tpu.memory_space<vmem>>, %arg9: memref<512x64xf32, #tpu.memory_space<vmem>>, %arg10: memref<3200xf32, #tpu.memory_space<vmem>>, %arg11: memref<!tpu.dma_semaphore, #tpu.memory_space<semaphore_mem>>, %arg12: memref<!tpu.dma_semaphore, #tpu.memory_space<semaphore_mem>>) attributes {dimension_semantics = [#tpu.dimension_semantics<core_parallel>, #tpu.dimension_semantics<subcore_parallel>], iteration_bounds = array<i64: 2, 16>, scalar_prefetch = 0 : i64, scratch_operands = 7 : i64, tpu.core_type = #tpu.core_type<sc_vector_subcore>, window_params = [{transform_indices = #map}, {transform_indices = #map1}, {transform_indices = #map1}, {transform_indices = #map2}]} {
    %mul3A = arith.constant 16 : i32
    %mul3A_0 = arith.muli %arg0, %mul3A : i32
    %add3A = arith.addi %mul3A_0, %arg1 : i32
    %mul3A_1 = arith.constant 25 : i32
    %mul3A_2 = arith.muli %add3A, %mul3A_1 : i32
    "tpu.region"() ({
      %run_scoped3A = tpu.sem_alloc : memref<!tpu.dma_semaphore, #tpu.memory_space<semaphore_mem>>
      %dma_start3A = arith.constant 0 : i32
      %dma_start3A_10 = arith.constant 0 : i32
      %dma_start3A_11 = tpu.memref_slice %arg3[%add3A, %dma_start3A, %dma_start3A_10] : memref<32x25x128xi32, #tpu.memory_space<hbm>> -> memref<1x25x128xi32, #tpu.memory_space<hbm>>
      %dma_start3A_12 = tpu.memref_squeeze %dma_start3A_11 : memref<1x25x128xi32, #tpu.memory_space<hbm>> -> memref<25x128xi32, #tpu.memory_space<hbm>>
      %dma_start3A_13 = arith.constant 0 : i32
      %dma_start3A_14 = arith.constant 0 : i32
      %dma_start3A_15 = tpu.memref_slice %arg3[%add3A, %dma_start3A_13, %dma_start3A_14] : memref<32x25x128xi32, #tpu.memory_space<hbm>> -> memref<1x25x128xi32, #tpu.memory_space<hbm>>
      %dma_start3A_16 = tpu.memref_squeeze %dma_start3A_15 : memref<1x25x128xi32, #tpu.memory_space<hbm>> -> memref<25x128xi32, #tpu.memory_space<hbm>>
      tpu.enqueue_dma source(%dma_start3A_16 : memref<25x128xi32, #tpu.memory_space<hbm>>) target(%arg6 : memref<25x128xi32, #tpu.memory_space<vmem>>) target_semaphore(%run_scoped3A : memref<!tpu.dma_semaphore, #tpu.memory_space<semaphore_mem>>)
      %dma_wait3A = arith.constant 0 : i32
      %dma_wait3A_17 = arith.constant 0 : i32
      %dma_wait3A_18 = tpu.memref_slice %arg3[%add3A, %dma_wait3A, %dma_wait3A_17] : memref<32x25x128xi32, #tpu.memory_space<hbm>> -> memref<1x25x128xi32, #tpu.memory_space<hbm>>
      %dma_wait3A_19 = tpu.memref_squeeze %dma_wait3A_18 : memref<1x25x128xi32, #tpu.memory_space<hbm>> -> memref<25x128xi32, #tpu.memory_space<hbm>>
      %dma_wait3A_20 = arith.constant 0 : i32
      %dma_wait3A_21 = arith.constant 0 : i32
      %dma_wait3A_22 = tpu.memref_slice %arg3[%add3A, %dma_wait3A_20, %dma_wait3A_21] : memref<32x25x128xi32, #tpu.memory_space<hbm>> -> memref<1x25x128xi32, #tpu.memory_space<hbm>>
      %dma_wait3A_23 = tpu.memref_squeeze %dma_wait3A_22 : memref<1x25x128xi32, #tpu.memory_space<hbm>> -> memref<25x128xi32, #tpu.memory_space<hbm>>
      tpu.wait_dma2 semaphore(%run_scoped3A : memref<!tpu.dma_semaphore, #tpu.memory_space<semaphore_mem>>) src(%dma_wait3A_23 : memref<25x128xi32, #tpu.memory_space<hbm>>) dst(%arg6 : memref<25x128xi32, #tpu.memory_space<vmem>>)
      tpu.yield
    }) : () -> ()
    "tpu.region"() ({
      %run_scoped3A = tpu.sem_alloc : memref<!tpu.dma_semaphore, #tpu.memory_space<semaphore_mem>>
      %dma_start3A = arith.constant 0 : i32
      %dma_start3A_10 = arith.constant 0 : i32
      %dma_start3A_11 = tpu.memref_slice %arg4[%add3A, %dma_start3A, %dma_start3A_10] : memref<32x25x128xi32, #tpu.memory_space<hbm>> -> memref<1x25x128xi32, #tpu.memory_space<hbm>>
      %dma_start3A_12 = tpu.memref_squeeze %dma_start3A_11 : memref<1x25x128xi32, #tpu.memory_space<hbm>> -> memref<25x128xi32, #tpu.memory_space<hbm>>
      %dma_start3A_13 = arith.constant 0 : i32
      %dma_start3A_14 = arith.constant 0 : i32
      %dma_start3A_15 = tpu.memref_slice %arg4[%add3A, %dma_start3A_13, %dma_start3A_14] : memref<32x25x128xi32, #tpu.memory_space<hbm>> -> memref<1x25x128xi32, #tpu.memory_space<hbm>>
      %dma_start3A_16 = tpu.memref_squeeze %dma_start3A_15 : memref<1x25x128xi32, #tpu.memory_space<hbm>> -> memref<25x128xi32, #tpu.memory_space<hbm>>
      tpu.enqueue_dma source(%dma_start3A_16 : memref<25x128xi32, #tpu.memory_space<hbm>>) target(%arg7 : memref<25x128xi32, #tpu.memory_space<vmem>>) target_semaphore(%run_scoped3A : memref<!tpu.dma_semaphore, #tpu.memory_space<semaphore_mem>>)
      %dma_wait3A = arith.constant 0 : i32
      %dma_wait3A_17 = arith.constant 0 : i32
      %dma_wait3A_18 = tpu.memref_slice %arg4[%add3A, %dma_wait3A, %dma_wait3A_17] : memref<32x25x128xi32, #tpu.memory_space<hbm>> -> memref<1x25x128xi32, #tpu.memory_space<hbm>>
      %dma_wait3A_19 = tpu.memref_squeeze %dma_wait3A_18 : memref<1x25x128xi32, #tpu.memory_space<hbm>> -> memref<25x128xi32, #tpu.memory_space<hbm>>
      %dma_wait3A_20 = arith.constant 0 : i32
      %dma_wait3A_21 = arith.constant 0 : i32
      %dma_wait3A_22 = tpu.memref_slice %arg4[%add3A, %dma_wait3A_20, %dma_wait3A_21] : memref<32x25x128xi32, #tpu.memory_space<hbm>> -> memref<1x25x128xi32, #tpu.memory_space<hbm>>
      %dma_wait3A_23 = tpu.memref_squeeze %dma_wait3A_22 : memref<1x25x128xi32, #tpu.memory_space<hbm>> -> memref<25x128xi32, #tpu.memory_space<hbm>>
      tpu.wait_dma2 semaphore(%run_scoped3A : memref<!tpu.dma_semaphore, #tpu.memory_space<semaphore_mem>>) src(%dma_wait3A_23 : memref<25x128xi32, #tpu.memory_space<hbm>>) dst(%arg7 : memref<25x128xi32, #tpu.memory_space<vmem>>)
      tpu.yield
    }) : () -> ()
    %scan3A = arith.constant 0 : i32
    %scan3A_3 = arith.constant 0 : i32
    %scan3A_4 = arith.constant 28 : i32
    %scan3A_5 = arith.addi %scan3A_3, %scan3A_4 : i32
    %scan3A_6 = arith.constant 1 : i32
    scf.for %scan3A_10 = %scan3A_3 to %scan3A_5 step %scan3A_6  : i32 {
      %sub3A = arith.constant 3 : i32
      %sub3A_11 = arith.subi %scan3A_10, %sub3A : i32
      %ge3A = arith.constant 3 : i32
      %ge3A_12 = arith.cmpi sge, %scan3A_10, %ge3A : i32
      %convert_element_type3A = arith.extui %ge3A_12 : i1 to i32
      %cond3A = arith.constant 0 : i32
      %cond3A_13 = arith.cmpi ne, %convert_element_type3A, %cond3A : i32
      scf.if %cond3A_13 {
        %jit3A = arith.constant 4 : i32
        %eq3A = arith.constant 0 : i32
        %eq3A_18 = arith.cmpi eq, %jit3A, %eq3A : i32
        %jit3A_19 = arith.constant 1 : i32
        %select_n3A = arith.select %eq3A_18, %jit3A_19, %jit3A : i32
        %rem3A = arith.remsi %sub3A_11, %select_n3A : i32
        %ne3A = arith.constant 0 : i32
        %ne3A_20 = arith.cmpi ne, %rem3A, %ne3A : i32
        %lt3A_21 = arith.constant 0 : i32
        %lt3A_22 = arith.cmpi slt, %rem3A, %lt3A_21 : i32
        %lt3A_23 = arith.constant 0 : i32
        %lt3A_24 = arith.cmpi slt, %select_n3A, %lt3A_23 : i32
        %ne3A_25 = arith.xori %lt3A_22, %lt3A_24 : i1
        %and3A = arith.andi %ne3A_25, %ne3A_20 : i1
        %add3A_26 = arith.addi %rem3A, %select_n3A : i32
        %select_n3A_27 = arith.select %and3A, %add3A_26, %rem3A : i32
        %mul3A_28 = arith.constant 128 : i32
        %mul3A_29 = arith.muli %select_n3A_27, %mul3A_28 : i32
        %dma_wait3A = arith.constant 0 : i32
        %dma_wait3A_30 = arith.constant 0 : i32
        %dma_wait3A_31 = tpu.memref_slice %arg8[%mul3A_29, %dma_wait3A_30] : memref<512x64xf32, #tpu.memory_space<vmem>> -> memref<128x64xf32, #tpu.memory_space<vmem>>
        %dma_wait3A_32 = arith.constant 0 : i32
        %dma_wait3A_33 = tpu.memref_slice %arg6[%dma_wait3A, %dma_wait3A_32] : memref<25x128xi32, #tpu.memory_space<vmem>> -> memref<1x128xi32, #tpu.memory_space<vmem>>
        %dma_wait3A_34 = tpu.memref_squeeze %dma_wait3A_33 : memref<1x128xi32, #tpu.memory_space<vmem>> -> memref<128xi32, #tpu.memory_space<vmem>>
        %dma_wait3A_35 = arith.constant 0 : i32
        %dma_wait3A_36 = arith.constant 0 : i32
        %dma_wait3A_37 = tpu.memref_slice %arg2[%dma_wait3A_35, %dma_wait3A_36] : memref<10000x64xf32, #tpu.memory_space<hbm>> -> memref<10000x64xf32, #tpu.memory_space<hbm>>
        tpu.wait_indirect_dma semaphore(%arg11 : memref<!tpu.dma_semaphore, #tpu.memory_space<semaphore_mem>>) src(%dma_wait3A_37 : memref<10000x64xf32, #tpu.memory_space<hbm>>) dst(%dma_wait3A_31 : memref<128x64xf32, #tpu.memory_space<vmem>>)
        %dma_wait3A_38 = arith.constant 0 : i32
        %dma_wait3A_39 = arith.constant 0 : i32
        %dma_wait3A_40 = tpu.memref_slice %arg9[%mul3A_29, %dma_wait3A_39] : memref<512x64xf32, #tpu.memory_space<vmem>> -> memref<128x64xf32, #tpu.memory_space<vmem>>
        %dma_wait3A_41 = arith.constant 0 : i32
        %dma_wait3A_42 = tpu.memref_slice %arg7[%dma_wait3A_38, %dma_wait3A_41] : memref<25x128xi32, #tpu.memory_space<vmem>> -> memref<1x128xi32, #tpu.memory_space<vmem>>
        %dma_wait3A_43 = tpu.memref_squeeze %dma_wait3A_42 : memref<1x128xi32, #tpu.memory_space<vmem>> -> memref<128xi32, #tpu.memory_space<vmem>>
        %dma_wait3A_44 = arith.constant 0 : i32
        %dma_wait3A_45 = arith.constant 0 : i32
        %dma_wait3A_46 = tpu.memref_slice %arg2[%dma_wait3A_44, %dma_wait3A_45] : memref<10000x64xf32, #tpu.memory_space<hbm>> -> memref<10000x64xf32, #tpu.memory_space<hbm>>
        tpu.wait_indirect_dma semaphore(%arg12 : memref<!tpu.dma_semaphore, #tpu.memory_space<semaphore_mem>>) src(%dma_wait3A_46 : memref<10000x64xf32, #tpu.memory_space<hbm>>) dst(%dma_wait3A_40 : memref<128x64xf32, #tpu.memory_space<vmem>>)
        %jit3A_47 = arith.constant 4 : i32
        %eq3A_48 = arith.constant 0 : i32
        %eq3A_49 = arith.cmpi eq, %jit3A_47, %eq3A_48 : i32
        %jit3A_50 = arith.constant 1 : i32
        %select_n3A_51 = arith.select %eq3A_49, %jit3A_50, %jit3A_47 : i32
        %rem3A_52 = arith.remsi %sub3A_11, %select_n3A_51 : i32
        %ne3A_53 = arith.constant 0 : i32
        %ne3A_54 = arith.cmpi ne, %rem3A_52, %ne3A_53 : i32
        %lt3A_55 = arith.constant 0 : i32
        %lt3A_56 = arith.cmpi slt, %rem3A_52, %lt3A_55 : i32
        %lt3A_57 = arith.constant 0 : i32
        %lt3A_58 = arith.cmpi slt, %select_n3A_51, %lt3A_57 : i32
        %ne3A_59 = arith.xori %lt3A_56, %lt3A_58 : i1
        %and3A_60 = arith.andi %ne3A_59, %ne3A_54 : i1
        %add3A_61 = arith.addi %rem3A_52, %select_n3A_51 : i32
        %select_n3A_62 = arith.select %and3A_60, %add3A_61, %rem3A_52 : i32
        %mul3A_63 = arith.constant 128 : i32
        %mul3A_64 = arith.muli %select_n3A_62, %mul3A_63 : i32
        %iota3A = tpu.iota {dimensions = array<i32: 0>} : vector<16xi32>
        %scan3A_65 = arith.constant 0 : i32
        %scan3A_66 = arith.constant 0 : i32
        %scan3A_67 = arith.constant 8 : i32
        %scan3A_68 = arith.addi %scan3A_66, %scan3A_67 : i32
        %scan3A_69 = arith.constant 1 : i32
        scf.for %scan3A_71 = %scan3A_66 to %scan3A_68 step %scan3A_69  : i32 {
          %mul3A_72 = arith.constant 16 : i32
          %mul3A_73 = arith.muli %scan3A_71, %mul3A_72 : i32
          %add3A_74 = arith.addi %mul3A_64, %mul3A_73 : i32
          %broadcast_in_dim3A = arith.constant 0.000000e+00 : f32
          %broadcast_in_dim3A_75 = vector.broadcast %broadcast_in_dim3A : f32 to vector<16xf32>
          %add3A_76 = arith.constant 0 : i32
          %add3A_77 = arith.addi %add3A_74, %add3A_76 : i32
          %get3A = arith.index_cast %add3A_77 : i32 to index
          %get3A_78 = arith.constant 0 : index
          %get3A_79 = tpu.vector_load %arg8[%get3A, %get3A_78] {strides = array<i32>} : memref<512x64xf32, #tpu.memory_space<vmem>>, vector<16xf32>,
          %add3A_80 = arith.constant 0 : i32
          %add3A_81 = arith.addi %add3A_74, %add3A_80 : i32
          %get3A_82 = arith.index_cast %add3A_81 : i32 to index
          %get3A_83 = arith.constant 0 : index
          %get3A_84 = tpu.vector_load %arg9[%get3A_82, %get3A_83] {strides = array<i32>} : memref<512x64xf32, #tpu.memory_space<vmem>>, vector<16xf32>,
          %mul3A_85 = arith.mulf %get3A_79, %get3A_84 : vector<16xf32>
          %add3A_86 = arith.constant 0 : i32
          %add3A_87 = arith.addi %add3A_74, %add3A_86 : i32
          %get3A_88 = arith.index_cast %add3A_87 : i32 to index
          %get3A_89 = arith.constant 16 : index
          %get3A_90 = tpu.vector_load %arg8[%get3A_88, %get3A_89] {strides = array<i32>} : memref<512x64xf32, #tpu.memory_space<vmem>>, vector<16xf32>,
          %add3A_91 = arith.constant 0 : i32
          %add3A_92 = arith.addi %add3A_74, %add3A_91 : i32
          %get3A_93 = arith.index_cast %add3A_92 : i32 to index
          %get3A_94 = arith.constant 16 : index
          %get3A_95 = tpu.vector_load %arg9[%get3A_93, %get3A_94] {strides = array<i32>} : memref<512x64xf32, #tpu.memory_space<vmem>>, vector<16xf32>,
          %mul3A_96 = arith.mulf %get3A_90, %get3A_95 : vector<16xf32>
          %add3A_97 = arith.addf %mul3A_85, %mul3A_96 : vector<16xf32>
          %add3A_98 = arith.constant 0 : i32
          %add3A_99 = arith.addi %add3A_74, %add3A_98 : i32
          %get3A_100 = arith.index_cast %add3A_99 : i32 to index
          %get3A_101 = arith.constant 32 : index
          %get3A_102 = tpu.vector_load %arg8[%get3A_100, %get3A_101] {strides = array<i32>} : memref<512x64xf32, #tpu.memory_space<vmem>>, vector<16xf32>,
          %add3A_103 = arith.constant 0 : i32
          %add3A_104 = arith.addi %add3A_74, %add3A_103 : i32
          %get3A_105 = arith.index_cast %add3A_104 : i32 to index
          %get3A_106 = arith.constant 32 : index
          %get3A_107 = tpu.vector_load %arg9[%get3A_105, %get3A_106] {strides = array<i32>} : memref<512x64xf32, #tpu.memory_space<vmem>>, vector<16xf32>,
          %mul3A_108 = arith.mulf %get3A_102, %get3A_107 : vector<16xf32>
          %add3A_109 = arith.addf %add3A_97, %mul3A_108 : vector<16xf32>
          %add3A_110 = arith.constant 0 : i32
          %add3A_111 = arith.addi %add3A_74, %add3A_110 : i32
          %get3A_112 = arith.index_cast %add3A_111 : i32 to index
          %get3A_113 = arith.constant 48 : index
          %get3A_114 = tpu.vector_load %arg8[%get3A_112, %get3A_113] {strides = array<i32>} : memref<512x64xf32, #tpu.memory_space<vmem>>, vector<16xf32>,
          %add3A_115 = arith.constant 0 : i32
          %add3A_116 = arith.addi %add3A_74, %add3A_115 : i32
          %get3A_117 = arith.index_cast %add3A_116 : i32 to index
          %get3A_118 = arith.constant 48 : index
          %get3A_119 = tpu.vector_load %arg9[%get3A_117, %get3A_118] {strides = array<i32>} : memref<512x64xf32, #tpu.memory_space<vmem>>, vector<16xf32>,
          %mul3A_120 = arith.mulf %get3A_114, %get3A_119 : vector<16xf32>
          %add3A_121 = arith.addf %add3A_109, %mul3A_120 : vector<16xf32>
          %reduce_sum3A = arith.constant true
          %reduce_sum3A_122 = vector.broadcast %reduce_sum3A : i1 to vector<16xi1>
          %reduce_sum3A_123 = tpu.scan <sum>, %add3A_121 masked %reduce_sum3A_122 : vector<16xf32>, vector<16xi1> -> vector<16xf32>
          %reduce_sum3A_124 = vector.extract %reduce_sum3A_123[15] : f32 from vector<16xf32>
          %eq3A_125 = arith.constant 0 : i32
          %eq3A_126 = vector.broadcast %eq3A_125 : i32 to vector<16xi32>
          %eq3A_127 = arith.cmpi eq, %iota3A, %eq3A_126 : vector<16xi32>
          %broadcast_in_dim3A_128 = vector.broadcast %reduce_sum3A_124 : f32 to vector<16xf32>
          %select_n3A_129 = arith.select %eq3A_127, %broadcast_in_dim3A_128, %broadcast_in_dim3A_75 : vector<16xi1>, vector<16xf32>
          %add3A_130 = arith.constant 1 : i32
          %add3A_131 = arith.addi %add3A_74, %add3A_130 : i32
          %get3A_132 = arith.index_cast %add3A_131 : i32 to index
          %get3A_133 = arith.constant 0 : index
          %get3A_134 = tpu.vector_load %arg8[%get3A_132, %get3A_133] {strides = array<i32>} : memref<512x64xf32, #tpu.memory_space<vmem>>, vector<16xf32>,
          %add3A_135 = arith.constant 1 : i32
          %add3A_136 = arith.addi %add3A_74, %add3A_135 : i32
          %get3A_137 = arith.index_cast %add3A_136 : i32 to index
          %get3A_138 = arith.constant 0 : index
          %get3A_139 = tpu.vector_load %arg9[%get3A_137, %get3A_138] {strides = array<i32>} : memref<512x64xf32, #tpu.memory_space<vmem>>, vector<16xf32>,
          %mul3A_140 = arith.mulf %get3A_134, %get3A_139 : vector<16xf32>
          %add3A_141 = arith.constant 1 : i32
          %add3A_142 = arith.addi %add3A_74, %add3A_141 : i32
          %get3A_143 = arith.index_cast %add3A_142 : i32 to index
          %get3A_144 = arith.constant 16 : index
          %get3A_145 = tpu.vector_load %arg8[%get3A_143, %get3A_144] {strides = array<i32>} : memref<512x64xf32, #tpu.memory_space<vmem>>, vector<16xf32>,
          %add3A_146 = arith.constant 1 : i32
          %add3A_147 = arith.addi %add3A_74, %add3A_146 : i32
          %get3A_148 = arith.index_cast %add3A_147 : i32 to index
          %get3A_149 = arith.constant 16 : index
          %get3A_150 = tpu.vector_load %arg9[%get3A_148, %get3A_149] {strides = array<i32>} : memref<512x64xf32, #tpu.memory_space<vmem>>, vector<16xf32>,
          %mul3A_151 = arith.mulf %get3A_145, %get3A_150 : vector<16xf32>
          %add3A_152 = arith.addf %mul3A_140, %mul3A_151 : vector<16xf32>
          %add3A_153 = arith.constant 1 : i32
          %add3A_154 = arith.addi %add3A_74, %add3A_153 : i32
          %get3A_155 = arith.index_cast %add3A_154 : i32 to index
          %get3A_156 = arith.constant 32 : index
          %get3A_157 = tpu.vector_load %arg8[%get3A_155, %get3A_156] {strides = array<i32>} : memref<512x64xf32, #tpu.memory_space<vmem>>, vector<16xf32>,
          %add3A_158 = arith.constant 1 : i32
          %add3A_159 = arith.addi %add3A_74, %add3A_158 : i32
          %get3A_160 = arith.index_cast %add3A_159 : i32 to index
          %get3A_161 = arith.constant 32 : index
          %get3A_162 = tpu.vector_load %arg9[%get3A_160, %get3A_161] {strides = array<i32>} : memref<512x64xf32, #tpu.memory_space<vmem>>, vector<16xf32>,
          %mul3A_163 = arith.mulf %get3A_157, %get3A_162 : vector<16xf32>
          %add3A_164 = arith.addf %add3A_152, %mul3A_163 : vector<16xf32>
          %add3A_165 = arith.constant 1 : i32
          %add3A_166 = arith.addi %add3A_74, %add3A_165 : i32
          %get3A_167 = arith.index_cast %add3A_166 : i32 to index
          %get3A_168 = arith.constant 48 : index
          %get3A_169 = tpu.vector_load %arg8[%get3A_167, %get3A_168] {strides = array<i32>} : memref<512x64xf32, #tpu.memory_space<vmem>>, vector<16xf32>,
          %add3A_170 = arith.constant 1 : i32
          %add3A_171 = arith.addi %add3A_74, %add3A_170 : i32
          %get3A_172 = arith.index_cast %add3A_171 : i32 to index
          %get3A_173 = arith.constant 48 : index
          %get3A_174 = tpu.vector_load %arg9[%get3A_172, %get3A_173] {strides = array<i32>} : memref<512x64xf32, #tpu.memory_space<vmem>>, vector<16xf32>,
          %mul3A_175 = arith.mulf %get3A_169, %get3A_174 : vector<16xf32>
          %add3A_176 = arith.addf %add3A_164, %mul3A_175 : vector<16xf32>
          %reduce_sum3A_177 = arith.constant true
          %reduce_sum3A_178 = vector.broadcast %reduce_sum3A_177 : i1 to vector<16xi1>
          %reduce_sum3A_179 = tpu.scan <sum>, %add3A_176 masked %reduce_sum3A_178 : vector<16xf32>, vector<16xi1> -> vector<16xf32>
          %reduce_sum3A_180 = vector.extract %reduce_sum3A_179[15] : f32 from vector<16xf32>
          %eq3A_181 = arith.constant 1 : i32
          %eq3A_182 = vector.broadcast %eq3A_181 : i32 to vector<16xi32>
          %eq3A_183 = arith.cmpi eq, %iota3A, %eq3A_182 : vector<16xi32>
          %broadcast_in_dim3A_184 = vector.broadcast %reduce_sum3A_180 : f32 to vector<16xf32>
          %select_n3A_185 = arith.select %eq3A_183, %broadcast_in_dim3A_184, %select_n3A_129 : vector<16xi1>, vector<16xf32>
          %add3A_186 = arith.constant 2 : i32
          %add3A_187 = arith.addi %add3A_74, %add3A_186 : i32
          %get3A_188 = arith.index_cast %add3A_187 : i32 to index
          %get3A_189 = arith.constant 0 : index
          %get3A_190 = tpu.vector_load %arg8[%get3A_188, %get3A_189] {strides = array<i32>} : memref<512x64xf32, #tpu.memory_space<vmem>>, vector<16xf32>,
          %add3A_191 = arith.constant 2 : i32
          %add3A_192 = arith.addi %add3A_74, %add3A_191 : i32
          %get3A_193 = arith.index_cast %add3A_192 : i32 to index
          %get3A_194 = arith.constant 0 : index
          %get3A_195 = tpu.vector_load %arg9[%get3A_193, %get3A_194] {strides = array<i32>} : memref<512x64xf32, #tpu.memory_space<vmem>>, vector<16xf32>,
          %mul3A_196 = arith.mulf %get3A_190, %get3A_195 : vector<16xf32>
          %add3A_197 = arith.constant 2 : i32
          %add3A_198 = arith.addi %add3A_74, %add3A_197 : i32
          %get3A_199 = arith.index_cast %add3A_198 : i32 to index
          %get3A_200 = arith.constant 16 : index
          %get3A_201 = tpu.vector_load %arg8[%get3A_199, %get3A_200] {strides = array<i32>} : memref<512x64xf32, #tpu.memory_space<vmem>>, vector<16xf32>,
          %add3A_202 = arith.constant 2 : i32
          %add3A_203 = arith.addi %add3A_74, %add3A_202 : i32
          %get3A_204 = arith.index_cast %add3A_203 : i32 to index
          %get3A_205 = arith.constant 16 : index
          %get3A_206 = tpu.vector_load %arg9[%get3A_204, %get3A_205] {strides = array<i32>} : memref<512x64xf32, #tpu.memory_space<vmem>>, vector<16xf32>,
          %mul3A_207 = arith.mulf %get3A_201, %get3A_206 : vector<16xf32>
          %add3A_208 = arith.addf %mul3A_196, %mul3A_207 : vector<16xf32>
          %add3A_209 = arith.constant 2 : i32
          %add3A_210 = arith.addi %add3A_74, %add3A_209 : i32
          %get3A_211 = arith.index_cast %add3A_210 : i32 to index
          %get3A_212 = arith.constant 32 : index
          %get3A_213 = tpu.vector_load %arg8[%get3A_211, %get3A_212] {strides = array<i32>} : memref<512x64xf32, #tpu.memory_space<vmem>>, vector<16xf32>,
          %add3A_214 = arith.constant 2 : i32
          %add3A_215 = arith.addi %add3A_74, %add3A_214 : i32
          %get3A_216 = arith.index_cast %add3A_215 : i32 to index
          %get3A_217 = arith.constant 32 : index
          %get3A_218 = tpu.vector_load %arg9[%get3A_216, %get3A_217] {strides = array<i32>} : memref<512x64xf32, #tpu.memory_space<vmem>>, vector<16xf32>,
          %mul3A_219 = arith.mulf %get3A_213, %get3A_218 : vector<16xf32>
          %add3A_220 = arith.addf %add3A_208, %mul3A_219 : vector<16xf32>
          %add3A_221 = arith.constant 2 : i32
          %add3A_222 = arith.addi %add3A_74, %add3A_221 : i32
          %get3A_223 = arith.index_cast %add3A_222 : i32 to index
          %get3A_224 = arith.constant 48 : index
          %get3A_225 = tpu.vector_load %arg8[%get3A_223, %get3A_224] {strides = array<i32>} : memref<512x64xf32, #tpu.memory_space<vmem>>, vector<16xf32>,
          %add3A_226 = arith.constant 2 : i32
          %add3A_227 = arith.addi %add3A_74, %add3A_226 : i32
          %get3A_228 = arith.index_cast %add3A_227 : i32 to index
          %get3A_229 = arith.constant 48 : index
          %get3A_230 = tpu.vector_load %arg9[%get3A_228, %get3A_229] {strides = array<i32>} : memref<512x64xf32, #tpu.memory_space<vmem>>, vector<16xf32>,
          %mul3A_231 = arith.mulf %get3A_225, %get3A_230 : vector<16xf32>
          %add3A_232 = arith.addf %add3A_220, %mul3A_231 : vector<16xf32>
          %reduce_sum3A_233 = arith.constant true
          %reduce_sum3A_234 = vector.broadcast %reduce_sum3A_233 : i1 to vector<16xi1>
          %reduce_sum3A_235 = tpu.scan <sum>, %add3A_232 masked %reduce_sum3A_234 : vector<16xf32>, vector<16xi1> -> vector<16xf32>
          %reduce_sum3A_236 = vector.extract %reduce_sum3A_235[15] : f32 from vector<16xf32>
          %eq3A_237 = arith.constant 2 : i32
          %eq3A_238 = vector.broadcast %eq3A_237 : i32 to vector<16xi32>
          %eq3A_239 = arith.cmpi eq, %iota3A, %eq3A_238 : vector<16xi32>
          %broadcast_in_dim3A_240 = vector.broadcast %reduce_sum3A_236 : f32 to vector<16xf32>
          %select_n3A_241 = arith.select %eq3A_239, %broadcast_in_dim3A_240, %select_n3A_185 : vector<16xi1>, vector<16xf32>
          %add3A_242 = arith.constant 3 : i32
          %add3A_243 = arith.addi %add3A_74, %add3A_242 : i32
          %get3A_244 = arith.index_cast %add3A_243 : i32 to index
          %get3A_245 = arith.constant 0 : index
          %get3A_246 = tpu.vector_load %arg8[%get3A_244, %get3A_245] {strides = array<i32>} : memref<512x64xf32, #tpu.memory_space<vmem>>, vector<16xf32>,
          %add3A_247 = arith.constant 3 : i32
          %add3A_248 = arith.addi %add3A_74, %add3A_247 : i32
          %get3A_249 = arith.index_cast %add3A_248 : i32 to index
          %get3A_250 = arith.constant 0 : index
          %get3A_251 = tpu.vector_load %arg9[%get3A_249, %get3A_250] {strides = array<i32>} : memref<512x64xf32, #tpu.memory_space<vmem>>, vector<16xf32>,
          %mul3A_252 = arith.mulf %get3A_246, %get3A_251 : vector<16xf32>
          %add3A_253 = arith.constant 3 : i32
          %add3A_254 = arith.addi %add3A_74, %add3A_253 : i32
          %get3A_255 = arith.index_cast %add3A_254 : i32 to index
          %get3A_256 = arith.constant 16 : index
          %get3A_257 = tpu.vector_load %arg8[%get3A_255, %get3A_256] {strides = array<i32>} : memref<512x64xf32, #tpu.memory_space<vmem>>, vector<16xf32>,
          %add3A_258 = arith.constant 3 : i32
          %add3A_259 = arith.addi %add3A_74, %add3A_258 : i32
          %get3A_260 = arith.index_cast %add3A_259 : i32 to index
          %get3A_261 = arith.constant 16 : index
          %get3A_262 = tpu.vector_load %arg9[%get3A_260, %get3A_261] {strides = array<i32>} : memref<512x64xf32, #tpu.memory_space<vmem>>, vector<16xf32>,
          %mul3A_263 = arith.mulf %get3A_257, %get3A_262 : vector<16xf32>
          %add3A_264 = arith.addf %mul3A_252, %mul3A_263 : vector<16xf32>
          %add3A_265 = arith.constant 3 : i32
          %add3A_266 = arith.addi %add3A_74, %add3A_265 : i32
          %get3A_267 = arith.index_cast %add3A_266 : i32 to index
          %get3A_268 = arith.constant 32 : index
          %get3A_269 = tpu.vector_load %arg8[%get3A_267, %get3A_268] {strides = array<i32>} : memref<512x64xf32, #tpu.memory_space<vmem>>, vector<16xf32>,
          %add3A_270 = arith.constant 3 : i32
          %add3A_271 = arith.addi %add3A_74, %add3A_270 : i32
          %get3A_272 = arith.index_cast %add3A_271 : i32 to index
          %get3A_273 = arith.constant 32 : index
          %get3A_274 = tpu.vector_load %arg9[%get3A_272, %get3A_273] {strides = array<i32>} : memref<512x64xf32, #tpu.memory_space<vmem>>, vector<16xf32>,
          %mul3A_275 = arith.mulf %get3A_269, %get3A_274 : vector<16xf32>
          %add3A_276 = arith.addf %add3A_264, %mul3A_275 : vector<16xf32>
          %add3A_277 = arith.constant 3 : i32
          %add3A_278 = arith.addi %add3A_74, %add3A_277 : i32
          %get3A_279 = arith.index_cast %add3A_278 : i32 to index
          %get3A_280 = arith.constant 48 : index
          %get3A_281 = tpu.vector_load %arg8[%get3A_279, %get3A_280] {strides = array<i32>} : memref<512x64xf32, #tpu.memory_space<vmem>>, vector<16xf32>,
          %add3A_282 = arith.constant 3 : i32
          %add3A_283 = arith.addi %add3A_74, %add3A_282 : i32
          %get3A_284 = arith.index_cast %add3A_283 : i32 to index
          %get3A_285 = arith.constant 48 : index
          %get3A_286 = tpu.vector_load %arg9[%get3A_284, %get3A_285] {strides = array<i32>} : memref<512x64xf32, #tpu.memory_space<vmem>>, vector<16xf32>,
          %mul3A_287 = arith.mulf %get3A_281, %get3A_286 : vector<16xf32>
          %add3A_288 = arith.addf %add3A_276, %mul3A_287 : vector<16xf32>
          %reduce_sum3A_289 = arith.constant true
          %reduce_sum3A_290 = vector.broadcast %reduce_sum3A_289 : i1 to vector<16xi1>
          %reduce_sum3A_291 = tpu.scan <sum>, %add3A_288 masked %reduce_sum3A_290 : vector<16xf32>, vector<16xi1> -> vector<16xf32>
          %reduce_sum3A_292 = vector.extract %reduce_sum3A_291[15] : f32 from vector<16xf32>
          %eq3A_293 = arith.constant 3 : i32
          %eq3A_294 = vector.broadcast %eq3A_293 : i32 to vector<16xi32>
          %eq3A_295 = arith.cmpi eq, %iota3A, %eq3A_294 : vector<16xi32>
          %broadcast_in_dim3A_296 = vector.broadcast %reduce_sum3A_292 : f32 to vector<16xf32>
          %select_n3A_297 = arith.select %eq3A_295, %broadcast_in_dim3A_296, %select_n3A_241 : vector<16xi1>, vector<16xf32>
          %add3A_298 = arith.constant 4 : i32
          %add3A_299 = arith.addi %add3A_74, %add3A_298 : i32
          %get3A_300 = arith.index_cast %add3A_299 : i32 to index
          %get3A_301 = arith.constant 0 : index
          %get3A_302 = tpu.vector_load %arg8[%get3A_300, %get3A_301] {strides = array<i32>} : memref<512x64xf32, #tpu.memory_space<vmem>>, vector<16xf32>,
          %add3A_303 = arith.constant 4 : i32
          %add3A_304 = arith.addi %add3A_74, %add3A_303 : i32
          %get3A_305 = arith.index_cast %add3A_304 : i32 to index
          %get3A_306 = arith.constant 0 : index
          %get3A_307 = tpu.vector_load %arg9[%get3A_305, %get3A_306] {strides = array<i32>} : memref<512x64xf32, #tpu.memory_space<vmem>>, vector<16xf32>,
          %mul3A_308 = arith.mulf %get3A_302, %get3A_307 : vector<16xf32>
          %add3A_309 = arith.constant 4 : i32
          %add3A_310 = arith.addi %add3A_74, %add3A_309 : i32
          %get3A_311 = arith.index_cast %add3A_310 : i32 to index
          %get3A_312 = arith.constant 16 : index
          %get3A_313 = tpu.vector_load %arg8[%get3A_311, %get3A_312] {strides = array<i32>} : memref<512x64xf32, #tpu.memory_space<vmem>>, vector<16xf32>,
          %add3A_314 = arith.constant 4 : i32
          %add3A_315 = arith.addi %add3A_74, %add3A_314 : i32
          %get3A_316 = arith.index_cast %add3A_315 : i32 to index
          %get3A_317 = arith.constant 16 : index
          %get3A_318 = tpu.vector_load %arg9[%get3A_316, %get3A_317] {strides = array<i32>} : memref<512x64xf32, #tpu.memory_space<vmem>>, vector<16xf32>,
          %mul3A_319 = arith.mulf %get3A_313, %get3A_318 : vector<16xf32>
          %add3A_320 = arith.addf %mul3A_308, %mul3A_319 : vector<16xf32>
          %add3A_321 = arith.constant 4 : i32
          %add3A_322 = arith.addi %add3A_74, %add3A_321 : i32
          %get3A_323 = arith.index_cast %add3A_322 : i32 to index
          %get3A_324 = arith.constant 32 : index
          %get3A_325 = tpu.vector_load %arg8[%get3A_323, %get3A_324] {strides = array<i32>} : memref<512x64xf32, #tpu.memory_space<vmem>>, vector<16xf32>,
          %add3A_326 = arith.constant 4 : i32
          %add3A_327 = arith.addi %add3A_74, %add3A_326 : i32
          %get3A_328 = arith.index_cast %add3A_327 : i32 to index
          %get3A_329 = arith.constant 32 : index
          %get3A_330 = tpu.vector_load %arg9[%get3A_328, %get3A_329] {strides = array<i32>} : memref<512x64xf32, #tpu.memory_space<vmem>>, vector<16xf32>,
          %mul3A_331 = arith.mulf %get3A_325, %get3A_330 : vector<16xf32>
          %add3A_332 = arith.addf %add3A_320, %mul3A_331 : vector<16xf32>
          %add3A_333 = arith.constant 4 : i32
          %add3A_334 = arith.addi %add3A_74, %add3A_333 : i32
          %get3A_335 = arith.index_cast %add3A_334 : i32 to index
          %get3A_336 = arith.constant 48 : index
          %get3A_337 = tpu.vector_load %arg8[%get3A_335, %get3A_336] {strides = array<i32>} : memref<512x64xf32, #tpu.memory_space<vmem>>, vector<16xf32>,
          %add3A_338 = arith.constant 4 : i32
          %add3A_339 = arith.addi %add3A_74, %add3A_338 : i32
          %get3A_340 = arith.index_cast %add3A_339 : i32 to index
          %get3A_341 = arith.constant 48 : index
          %get3A_342 = tpu.vector_load %arg9[%get3A_340, %get3A_341] {strides = array<i32>} : memref<512x64xf32, #tpu.memory_space<vmem>>, vector<16xf32>,
          %mul3A_343 = arith.mulf %get3A_337, %get3A_342 : vector<16xf32>
          %add3A_344 = arith.addf %add3A_332, %mul3A_343 : vector<16xf32>
          %reduce_sum3A_345 = arith.constant true
          %reduce_sum3A_346 = vector.broadcast %reduce_sum3A_345 : i1 to vector<16xi1>
          %reduce_sum3A_347 = tpu.scan <sum>, %add3A_344 masked %reduce_sum3A_346 : vector<16xf32>, vector<16xi1> -> vector<16xf32>
          %reduce_sum3A_348 = vector.extract %reduce_sum3A_347[15] : f32 from vector<16xf32>
          %eq3A_349 = arith.constant 4 : i32
          %eq3A_350 = vector.broadcast %eq3A_349 : i32 to vector<16xi32>
          %eq3A_351 = arith.cmpi eq, %iota3A, %eq3A_350 : vector<16xi32>
          %broadcast_in_dim3A_352 = vector.broadcast %reduce_sum3A_348 : f32 to vector<16xf32>
          %select_n3A_353 = arith.select %eq3A_351, %broadcast_in_dim3A_352, %select_n3A_297 : vector<16xi1>, vector<16xf32>
          %add3A_354 = arith.constant 5 : i32
          %add3A_355 = arith.addi %add3A_74, %add3A_354 : i32
          %get3A_356 = arith.index_cast %add3A_355 : i32 to index
          %get3A_357 = arith.constant 0 : index
          %get3A_358 = tpu.vector_load %arg8[%get3A_356, %get3A_357] {strides = array<i32>} : memref<512x64xf32, #tpu.memory_space<vmem>>, vector<16xf32>,
          %add3A_359 = arith.constant 5 : i32
          %add3A_360 = arith.addi %add3A_74, %add3A_359 : i32
          %get3A_361 = arith.index_cast %add3A_360 : i32 to index
          %get3A_362 = arith.constant 0 : index
          %get3A_363 = tpu.vector_load %arg9[%get3A_361, %get3A_362] {strides = array<i32>} : memref<512x64xf32, #tpu.memory_space<vmem>>, vector<16xf32>,
          %mul3A_364 = arith.mulf %get3A_358, %get3A_363 : vector<16xf32>
          %add3A_365 = arith.constant 5 : i32
          %add3A_366 = arith.addi %add3A_74, %add3A_365 : i32
          %get3A_367 = arith.index_cast %add3A_366 : i32 to index
          %get3A_368 = arith.constant 16 : index
          %get3A_369 = tpu.vector_load %arg8[%get3A_367, %get3A_368] {strides = array<i32>} : memref<512x64xf32, #tpu.memory_space<vmem>>, vector<16xf32>,
          %add3A_370 = arith.constant 5 : i32
          %add3A_371 = arith.addi %add3A_74, %add3A_370 : i32
          %get3A_372 = arith.index_cast %add3A_371 : i32 to index
          %get3A_373 = arith.constant 16 : index
          %get3A_374 = tpu.vector_load %arg9[%get3A_372, %get3A_373] {strides = array<i32>} : memref<512x64xf32, #tpu.memory_space<vmem>>, vector<16xf32>,
          %mul3A_375 = arith.mulf %get3A_369, %get3A_374 : vector<16xf32>
          %add3A_376 = arith.addf %mul3A_364, %mul3A_375 : vector<16xf32>
          %add3A_377 = arith.constant 5 : i32
          %add3A_378 = arith.addi %add3A_74, %add3A_377 : i32
          %get3A_379 = arith.index_cast %add3A_378 : i32 to index
          %get3A_380 = arith.constant 32 : index
          %get3A_381 = tpu.vector_load %arg8[%get3A_379, %get3A_380] {strides = array<i32>} : memref<512x64xf32, #tpu.memory_space<vmem>>, vector<16xf32>,
          %add3A_382 = arith.constant 5 : i32
          %add3A_383 = arith.addi %add3A_74, %add3A_382 : i32
          %get3A_384 = arith.index_cast %add3A_383 : i32 to index
          %get3A_385 = arith.constant 32 : index
          %get3A_386 = tpu.vector_load %arg9[%get3A_384, %get3A_385] {strides = array<i32>} : memref<512x64xf32, #tpu.memory_space<vmem>>, vector<16xf32>,
          %mul3A_387 = arith.mulf %get3A_381, %get3A_386 : vector<16xf32>
          %add3A_388 = arith.addf %add3A_376, %mul3A_387 : vector<16xf32>
          %add3A_389 = arith.constant 5 : i32
          %add3A_390 = arith.addi %add3A_74, %add3A_389 : i32
          %get3A_391 = arith.index_cast %add3A_390 : i32 to index
          %get3A_392 = arith.constant 48 : index
          %get3A_393 = tpu.vector_load %arg8[%get3A_391, %get3A_392] {strides = array<i32>} : memref<512x64xf32, #tpu.memory_space<vmem>>, vector<16xf32>,
          %add3A_394 = arith.constant 5 : i32
          %add3A_395 = arith.addi %add3A_74, %add3A_394 : i32
          %get3A_396 = arith.index_cast %add3A_395 : i32 to index
          %get3A_397 = arith.constant 48 : index
          %get3A_398 = tpu.vector_load %arg9[%get3A_396, %get3A_397] {strides = array<i32>} : memref<512x64xf32, #tpu.memory_space<vmem>>, vector<16xf32>,
          %mul3A_399 = arith.mulf %get3A_393, %get3A_398 : vector<16xf32>
          %add3A_400 = arith.addf %add3A_388, %mul3A_399 : vector<16xf32>
          %reduce_sum3A_401 = arith.constant true
          %reduce_sum3A_402 = vector.broadcast %reduce_sum3A_401 : i1 to vector<16xi1>
          %reduce_sum3A_403 = tpu.scan <sum>, %add3A_400 masked %reduce_sum3A_402 : vector<16xf32>, vector<16xi1> -> vector<16xf32>
          %reduce_sum3A_404 = vector.extract %reduce_sum3A_403[15] : f32 from vector<16xf32>
          %eq3A_405 = arith.constant 5 : i32
          %eq3A_406 = vector.broadcast %eq3A_405 : i32 to vector<16xi32>
          %eq3A_407 = arith.cmpi eq, %iota3A, %eq3A_406 : vector<16xi32>
          %broadcast_in_dim3A_408 = vector.broadcast %reduce_sum3A_404 : f32 to vector<16xf32>
          %select_n3A_409 = arith.select %eq3A_407, %broadcast_in_dim3A_408, %select_n3A_353 : vector<16xi1>, vector<16xf32>
          %add3A_410 = arith.constant 6 : i32
          %add3A_411 = arith.addi %add3A_74, %add3A_410 : i32
          %get3A_412 = arith.index_cast %add3A_411 : i32 to index
          %get3A_413 = arith.constant 0 : index
          %get3A_414 = tpu.vector_load %arg8[%get3A_412, %get3A_413] {strides = array<i32>} : memref<512x64xf32, #tpu.memory_space<vmem>>, vector<16xf32>,
          %add3A_415 = arith.constant 6 : i32
          %add3A_416 = arith.addi %add3A_74, %add3A_415 : i32
          %get3A_417 = arith.index_cast %add3A_416 : i32 to index
          %get3A_418 = arith.constant 0 : index
          %get3A_419 = tpu.vector_load %arg9[%get3A_417, %get3A_418] {strides = array<i32>} : memref<512x64xf32, #tpu.memory_space<vmem>>, vector<16xf32>,
          %mul3A_420 = arith.mulf %get3A_414, %get3A_419 : vector<16xf32>
          %add3A_421 = arith.constant 6 : i32
          %add3A_422 = arith.addi %add3A_74, %add3A_421 : i32
          %get3A_423 = arith.index_cast %add3A_422 : i32 to index
          %get3A_424 = arith.constant 16 : index
          %get3A_425 = tpu.vector_load %arg8[%get3A_423, %get3A_424] {strides = array<i32>} : memref<512x64xf32, #tpu.memory_space<vmem>>, vector<16xf32>,
          %add3A_426 = arith.constant 6 : i32
          %add3A_427 = arith.addi %add3A_74, %add3A_426 : i32
          %get3A_428 = arith.index_cast %add3A_427 : i32 to index
          %get3A_429 = arith.constant 16 : index
          %get3A_430 = tpu.vector_load %arg9[%get3A_428, %get3A_429] {strides = array<i32>} : memref<512x64xf32, #tpu.memory_space<vmem>>, vector<16xf32>,
          %mul3A_431 = arith.mulf %get3A_425, %get3A_430 : vector<16xf32>
          %add3A_432 = arith.addf %mul3A_420, %mul3A_431 : vector<16xf32>
          %add3A_433 = arith.constant 6 : i32
          %add3A_434 = arith.addi %add3A_74, %add3A_433 : i32
          %get3A_435 = arith.index_cast %add3A_434 : i32 to index
          %get3A_436 = arith.constant 32 : index
          %get3A_437 = tpu.vector_load %arg8[%get3A_435, %get3A_436] {strides = array<i32>} : memref<512x64xf32, #tpu.memory_space<vmem>>, vector<16xf32>,
          %add3A_438 = arith.constant 6 : i32
          %add3A_439 = arith.addi %add3A_74, %add3A_438 : i32
          %get3A_440 = arith.index_cast %add3A_439 : i32 to index
          %get3A_441 = arith.constant 32 : index
          %get3A_442 = tpu.vector_load %arg9[%get3A_440, %get3A_441] {strides = array<i32>} : memref<512x64xf32, #tpu.memory_space<vmem>>, vector<16xf32>,
          %mul3A_443 = arith.mulf %get3A_437, %get3A_442 : vector<16xf32>
          %add3A_444 = arith.addf %add3A_432, %mul3A_443 : vector<16xf32>
          %add3A_445 = arith.constant 6 : i32
          %add3A_446 = arith.addi %add3A_74, %add3A_445 : i32
          %get3A_447 = arith.index_cast %add3A_446 : i32 to index
          %get3A_448 = arith.constant 48 : index
          %get3A_449 = tpu.vector_load %arg8[%get3A_447, %get3A_448] {strides = array<i32>} : memref<512x64xf32, #tpu.memory_space<vmem>>, vector<16xf32>,
          %add3A_450 = arith.constant 6 : i32
          %add3A_451 = arith.addi %add3A_74, %add3A_450 : i32
          %get3A_452 = arith.index_cast %add3A_451 : i32 to index
          %get3A_453 = arith.constant 48 : index
          %get3A_454 = tpu.vector_load %arg9[%get3A_452, %get3A_453] {strides = array<i32>} : memref<512x64xf32, #tpu.memory_space<vmem>>, vector<16xf32>,
          %mul3A_455 = arith.mulf %get3A_449, %get3A_454 : vector<16xf32>
          %add3A_456 = arith.addf %add3A_444, %mul3A_455 : vector<16xf32>
          %reduce_sum3A_457 = arith.constant true
          %reduce_sum3A_458 = vector.broadcast %reduce_sum3A_457 : i1 to vector<16xi1>
          %reduce_sum3A_459 = tpu.scan <sum>, %add3A_456 masked %reduce_sum3A_458 : vector<16xf32>, vector<16xi1> -> vector<16xf32>
          %reduce_sum3A_460 = vector.extract %reduce_sum3A_459[15] : f32 from vector<16xf32>
          %eq3A_461 = arith.constant 6 : i32
          %eq3A_462 = vector.broadcast %eq3A_461 : i32 to vector<16xi32>
          %eq3A_463 = arith.cmpi eq, %iota3A, %eq3A_462 : vector<16xi32>
          %broadcast_in_dim3A_464 = vector.broadcast %reduce_sum3A_460 : f32 to vector<16xf32>
          %select_n3A_465 = arith.select %eq3A_463, %broadcast_in_dim3A_464, %select_n3A_409 : vector<16xi1>, vector<16xf32>
          %add3A_466 = arith.constant 7 : i32
          %add3A_467 = arith.addi %add3A_74, %add3A_466 : i32
          %get3A_468 = arith.index_cast %add3A_467 : i32 to index
          %get3A_469 = arith.constant 0 : index
          %get3A_470 = tpu.vector_load %arg8[%get3A_468, %get3A_469] {strides = array<i32>} : memref<512x64xf32, #tpu.memory_space<vmem>>, vector<16xf32>,
          %add3A_471 = arith.constant 7 : i32
          %add3A_472 = arith.addi %add3A_74, %add3A_471 : i32
          %get3A_473 = arith.index_cast %add3A_472 : i32 to index
          %get3A_474 = arith.constant 0 : index
          %get3A_475 = tpu.vector_load %arg9[%get3A_473, %get3A_474] {strides = array<i32>} : memref<512x64xf32, #tpu.memory_space<vmem>>, vector<16xf32>,
          %mul3A_476 = arith.mulf %get3A_470, %get3A_475 : vector<16xf32>
          %add3A_477 = arith.constant 7 : i32
          %add3A_478 = arith.addi %add3A_74, %add3A_477 : i32
          %get3A_479 = arith.index_cast %add3A_478 : i32 to index
          %get3A_480 = arith.constant 16 : index
          %get3A_481 = tpu.vector_load %arg8[%get3A_479, %get3A_480] {strides = array<i32>} : memref<512x64xf32, #tpu.memory_space<vmem>>, vector<16xf32>,
          %add3A_482 = arith.constant 7 : i32
          %add3A_483 = arith.addi %add3A_74, %add3A_482 : i32
          %get3A_484 = arith.index_cast %add3A_483 : i32 to index
          %get3A_485 = arith.constant 16 : index
          %get3A_486 = tpu.vector_load %arg9[%get3A_484, %get3A_485] {strides = array<i32>} : memref<512x64xf32, #tpu.memory_space<vmem>>, vector<16xf32>,
          %mul3A_487 = arith.mulf %get3A_481, %get3A_486 : vector<16xf32>
          %add3A_488 = arith.addf %mul3A_476, %mul3A_487 : vector<16xf32>
          %add3A_489 = arith.constant 7 : i32
          %add3A_490 = arith.addi %add3A_74, %add3A_489 : i32
          %get3A_491 = arith.index_cast %add3A_490 : i32 to index
          %get3A_492 = arith.constant 32 : index
          %get3A_493 = tpu.vector_load %arg8[%get3A_491, %get3A_492] {strides = array<i32>} : memref<512x64xf32, #tpu.memory_space<vmem>>, vector<16xf32>,
          %add3A_494 = arith.constant 7 : i32
          %add3A_495 = arith.addi %add3A_74, %add3A_494 : i32
          %get3A_496 = arith.index_cast %add3A_495 : i32 to index
          %get3A_497 = arith.constant 32 : index
          %get3A_498 = tpu.vector_load %arg9[%get3A_496, %get3A_497] {strides = array<i32>} : memref<512x64xf32, #tpu.memory_space<vmem>>, vector<16xf32>,
          %mul3A_499 = arith.mulf %get3A_493, %get3A_498 : vector<16xf32>
          %add3A_500 = arith.addf %add3A_488, %mul3A_499 : vector<16xf32>
          %add3A_501 = arith.constant 7 : i32
          %add3A_502 = arith.addi %add3A_74, %add3A_501 : i32
          %get3A_503 = arith.index_cast %add3A_502 : i32 to index
          %get3A_504 = arith.constant 48 : index
          %get3A_505 = tpu.vector_load %arg8[%get3A_503, %get3A_504] {strides = array<i32>} : memref<512x64xf32, #tpu.memory_space<vmem>>, vector<16xf32>,
          %add3A_506 = arith.constant 7 : i32
          %add3A_507 = arith.addi %add3A_74, %add3A_506 : i32
          %get3A_508 = arith.index_cast %add3A_507 : i32 to index
          %get3A_509 = arith.constant 48 : index
          %get3A_510 = tpu.vector_load %arg9[%get3A_508, %get3A_509] {strides = array<i32>} : memref<512x64xf32, #tpu.memory_space<vmem>>, vector<16xf32>,
          %mul3A_511 = arith.mulf %get3A_505, %get3A_510 : vector<16xf32>
          %add3A_512 = arith.addf %add3A_500, %mul3A_511 : vector<16xf32>
          %reduce_sum3A_513 = arith.constant true
          %reduce_sum3A_514 = vector.broadcast %reduce_sum3A_513 : i1 to vector<16xi1>
          %reduce_sum3A_515 = tpu.scan <sum>, %add3A_512 masked %reduce_sum3A_514 : vector<16xf32>, vector<16xi1> -> vector<16xf32>
          %reduce_sum3A_516 = vector.extract %reduce_sum3A_515[15] : f32 from vector<16xf32>
          %eq3A_517 = arith.constant 7 : i32
          %eq3A_518 = vector.broadcast %eq3A_517 : i32 to vector<16xi32>
          %eq3A_519 = arith.cmpi eq, %iota3A, %eq3A_518 : vector<16xi32>
          %broadcast_in_dim3A_520 = vector.broadcast %reduce_sum3A_516 : f32 to vector<16xf32>
          %select_n3A_521 = arith.select %eq3A_519, %broadcast_in_dim3A_520, %select_n3A_465 : vector<16xi1>, vector<16xf32>
          %add3A_522 = arith.constant 8 : i32
          %add3A_523 = arith.addi %add3A_74, %add3A_522 : i32
          %get3A_524 = arith.index_cast %add3A_523 : i32 to index
          %get3A_525 = arith.constant 0 : index
          %get3A_526 = tpu.vector_load %arg8[%get3A_524, %get3A_525] {strides = array<i32>} : memref<512x64xf32, #tpu.memory_space<vmem>>, vector<16xf32>,
          %add3A_527 = arith.constant 8 : i32
          %add3A_528 = arith.addi %add3A_74, %add3A_527 : i32
          %get3A_529 = arith.index_cast %add3A_528 : i32 to index
          %get3A_530 = arith.constant 0 : index
          %get3A_531 = tpu.vector_load %arg9[%get3A_529, %get3A_530] {strides = array<i32>} : memref<512x64xf32, #tpu.memory_space<vmem>>, vector<16xf32>,
          %mul3A_532 = arith.mulf %get3A_526, %get3A_531 : vector<16xf32>
          %add3A_533 = arith.constant 8 : i32
          %add3A_534 = arith.addi %add3A_74, %add3A_533 : i32
          %get3A_535 = arith.index_cast %add3A_534 : i32 to index
          %get3A_536 = arith.constant 16 : index
          %get3A_537 = tpu.vector_load %arg8[%get3A_535, %get3A_536] {strides = array<i32>} : memref<512x64xf32, #tpu.memory_space<vmem>>, vector<16xf32>,
          %add3A_538 = arith.constant 8 : i32
          %add3A_539 = arith.addi %add3A_74, %add3A_538 : i32
          %get3A_540 = arith.index_cast %add3A_539 : i32 to index
          %get3A_541 = arith.constant 16 : index
          %get3A_542 = tpu.vector_load %arg9[%get3A_540, %get3A_541] {strides = array<i32>} : memref<512x64xf32, #tpu.memory_space<vmem>>, vector<16xf32>,
          %mul3A_543 = arith.mulf %get3A_537, %get3A_542 : vector<16xf32>
          %add3A_544 = arith.addf %mul3A_532, %mul3A_543 : vector<16xf32>
          %add3A_545 = arith.constant 8 : i32
          %add3A_546 = arith.addi %add3A_74, %add3A_545 : i32
          %get3A_547 = arith.index_cast %add3A_546 : i32 to index
          %get3A_548 = arith.constant 32 : index
          %get3A_549 = tpu.vector_load %arg8[%get3A_547, %get3A_548] {strides = array<i32>} : memref<512x64xf32, #tpu.memory_space<vmem>>, vector<16xf32>,
          %add3A_550 = arith.constant 8 : i32
          %add3A_551 = arith.addi %add3A_74, %add3A_550 : i32
          %get3A_552 = arith.index_cast %add3A_551 : i32 to index
          %get3A_553 = arith.constant 32 : index
          %get3A_554 = tpu.vector_load %arg9[%get3A_552, %get3A_553] {strides = array<i32>} : memref<512x64xf32, #tpu.memory_space<vmem>>, vector<16xf32>,
          %mul3A_555 = arith.mulf %get3A_549, %get3A_554 : vector<16xf32>
          %add3A_556 = arith.addf %add3A_544, %mul3A_555 : vector<16xf32>
          %add3A_557 = arith.constant 8 : i32
          %add3A_558 = arith.addi %add3A_74, %add3A_557 : i32
          %get3A_559 = arith.index_cast %add3A_558 : i32 to index
          %get3A_560 = arith.constant 48 : index
          %get3A_561 = tpu.vector_load %arg8[%get3A_559, %get3A_560] {strides = array<i32>} : memref<512x64xf32, #tpu.memory_space<vmem>>, vector<16xf32>,
          %add3A_562 = arith.constant 8 : i32
          %add3A_563 = arith.addi %add3A_74, %add3A_562 : i32
          %get3A_564 = arith.index_cast %add3A_563 : i32 to index
          %get3A_565 = arith.constant 48 : index
          %get3A_566 = tpu.vector_load %arg9[%get3A_564, %get3A_565] {strides = array<i32>} : memref<512x64xf32, #tpu.memory_space<vmem>>, vector<16xf32>,
          %mul3A_567 = arith.mulf %get3A_561, %get3A_566 : vector<16xf32>
          %add3A_568 = arith.addf %add3A_556, %mul3A_567 : vector<16xf32>
          %reduce_sum3A_569 = arith.constant true
          %reduce_sum3A_570 = vector.broadcast %reduce_sum3A_569 : i1 to vector<16xi1>
          %reduce_sum3A_571 = tpu.scan <sum>, %add3A_568 masked %reduce_sum3A_570 : vector<16xf32>, vector<16xi1> -> vector<16xf32>
          %reduce_sum3A_572 = vector.extract %reduce_sum3A_571[15] : f32 from vector<16xf32>
          %eq3A_573 = arith.constant 8 : i32
          %eq3A_574 = vector.broadcast %eq3A_573 : i32 to vector<16xi32>
          %eq3A_575 = arith.cmpi eq, %iota3A, %eq3A_574 : vector<16xi32>
          %broadcast_in_dim3A_576 = vector.broadcast %reduce_sum3A_572 : f32 to vector<16xf32>
          %select_n3A_577 = arith.select %eq3A_575, %broadcast_in_dim3A_576, %select_n3A_521 : vector<16xi1>, vector<16xf32>
          %add3A_578 = arith.constant 9 : i32
          %add3A_579 = arith.addi %add3A_74, %add3A_578 : i32
          %get3A_580 = arith.index_cast %add3A_579 : i32 to index
          %get3A_581 = arith.constant 0 : index
          %get3A_582 = tpu.vector_load %arg8[%get3A_580, %get3A_581] {strides = array<i32>} : memref<512x64xf32, #tpu.memory_space<vmem>>, vector<16xf32>,
          %add3A_583 = arith.constant 9 : i32
          %add3A_584 = arith.addi %add3A_74, %add3A_583 : i32
          %get3A_585 = arith.index_cast %add3A_584 : i32 to index
          %get3A_586 = arith.constant 0 : index
          %get3A_587 = tpu.vector_load %arg9[%get3A_585, %get3A_586] {strides = array<i32>} : memref<512x64xf32, #tpu.memory_space<vmem>>, vector<16xf32>,
          %mul3A_588 = arith.mulf %get3A_582, %get3A_587 : vector<16xf32>
          %add3A_589 = arith.constant 9 : i32
          %add3A_590 = arith.addi %add3A_74, %add3A_589 : i32
          %get3A_591 = arith.index_cast %add3A_590 : i32 to index
          %get3A_592 = arith.constant 16 : index
          %get3A_593 = tpu.vector_load %arg8[%get3A_591, %get3A_592] {strides = array<i32>} : memref<512x64xf32, #tpu.memory_space<vmem>>, vector<16xf32>,
          %add3A_594 = arith.constant 9 : i32
          %add3A_595 = arith.addi %add3A_74, %add3A_594 : i32
          %get3A_596 = arith.index_cast %add3A_595 : i32 to index
          %get3A_597 = arith.constant 16 : index
          %get3A_598 = tpu.vector_load %arg9[%get3A_596, %get3A_597] {strides = array<i32>} : memref<512x64xf32, #tpu.memory_space<vmem>>, vector<16xf32>,
          %mul3A_599 = arith.mulf %get3A_593, %get3A_598 : vector<16xf32>
          %add3A_600 = arith.addf %mul3A_588, %mul3A_599 : vector<16xf32>
          %add3A_601 = arith.constant 9 : i32
          %add3A_602 = arith.addi %add3A_74, %add3A_601 : i32
          %get3A_603 = arith.index_cast %add3A_602 : i32 to index
          %get3A_604 = arith.constant 32 : index
          %get3A_605 = tpu.vector_load %arg8[%get3A_603, %get3A_604] {strides = array<i32>} : memref<512x64xf32, #tpu.memory_space<vmem>>, vector<16xf32>,
          %add3A_606 = arith.constant 9 : i32
          %add3A_607 = arith.addi %add3A_74, %add3A_606 : i32
          %get3A_608 = arith.index_cast %add3A_607 : i32 to index
          %get3A_609 = arith.constant 32 : index
          %get3A_610 = tpu.vector_load %arg9[%get3A_608, %get3A_609] {strides = array<i32>} : memref<512x64xf32, #tpu.memory_space<vmem>>, vector<16xf32>,
          %mul3A_611 = arith.mulf %get3A_605, %get3A_610 : vector<16xf32>
          %add3A_612 = arith.addf %add3A_600, %mul3A_611 : vector<16xf32>
          %add3A_613 = arith.constant 9 : i32
          %add3A_614 = arith.addi %add3A_74, %add3A_613 : i32
          %get3A_615 = arith.index_cast %add3A_614 : i32 to index
          %get3A_616 = arith.constant 48 : index
          %get3A_617 = tpu.vector_load %arg8[%get3A_615, %get3A_616] {strides = array<i32>} : memref<512x64xf32, #tpu.memory_space<vmem>>, vector<16xf32>,
          %add3A_618 = arith.constant 9 : i32
          %add3A_619 = arith.addi %add3A_74, %add3A_618 : i32
          %get3A_620 = arith.index_cast %add3A_619 : i32 to index
          %get3A_621 = arith.constant 48 : index
          %get3A_622 = tpu.vector_load %arg9[%get3A_620, %get3A_621] {strides = array<i32>} : memref<512x64xf32, #tpu.memory_space<vmem>>, vector<16xf32>,
          %mul3A_623 = arith.mulf %get3A_617, %get3A_622 : vector<16xf32>
          %add3A_624 = arith.addf %add3A_612, %mul3A_623 : vector<16xf32>
          %reduce_sum3A_625 = arith.constant true
          %reduce_sum3A_626 = vector.broadcast %reduce_sum3A_625 : i1 to vector<16xi1>
          %reduce_sum3A_627 = tpu.scan <sum>, %add3A_624 masked %reduce_sum3A_626 : vector<16xf32>, vector<16xi1> -> vector<16xf32>
          %reduce_sum3A_628 = vector.extract %reduce_sum3A_627[15] : f32 from vector<16xf32>
          %eq3A_629 = arith.constant 9 : i32
          %eq3A_630 = vector.broadcast %eq3A_629 : i32 to vector<16xi32>
          %eq3A_631 = arith.cmpi eq, %iota3A, %eq3A_630 : vector<16xi32>
          %broadcast_in_dim3A_632 = vector.broadcast %reduce_sum3A_628 : f32 to vector<16xf32>
          %select_n3A_633 = arith.select %eq3A_631, %broadcast_in_dim3A_632, %select_n3A_577 : vector<16xi1>, vector<16xf32>
          %add3A_634 = arith.constant 10 : i32
          %add3A_635 = arith.addi %add3A_74, %add3A_634 : i32
          %get3A_636 = arith.index_cast %add3A_635 : i32 to index
          %get3A_637 = arith.constant 0 : index
          %get3A_638 = tpu.vector_load %arg8[%get3A_636, %get3A_637] {strides = array<i32>} : memref<512x64xf32, #tpu.memory_space<vmem>>, vector<16xf32>,
          %add3A_639 = arith.constant 10 : i32
          %add3A_640 = arith.addi %add3A_74, %add3A_639 : i32
          %get3A_641 = arith.index_cast %add3A_640 : i32 to index
          %get3A_642 = arith.constant 0 : index
          %get3A_643 = tpu.vector_load %arg9[%get3A_641, %get3A_642] {strides = array<i32>} : memref<512x64xf32, #tpu.memory_space<vmem>>, vector<16xf32>,
          %mul3A_644 = arith.mulf %get3A_638, %get3A_643 : vector<16xf32>
          %add3A_645 = arith.constant 10 : i32
          %add3A_646 = arith.addi %add3A_74, %add3A_645 : i32
          %get3A_647 = arith.index_cast %add3A_646 : i32 to index
          %get3A_648 = arith.constant 16 : index
          %get3A_649 = tpu.vector_load %arg8[%get3A_647, %get3A_648] {strides = array<i32>} : memref<512x64xf32, #tpu.memory_space<vmem>>, vector<16xf32>,
          %add3A_650 = arith.constant 10 : i32
          %add3A_651 = arith.addi %add3A_74, %add3A_650 : i32
          %get3A_652 = arith.index_cast %add3A_651 : i32 to index
          %get3A_653 = arith.constant 16 : index
          %get3A_654 = tpu.vector_load %arg9[%get3A_652, %get3A_653] {strides = array<i32>} : memref<512x64xf32, #tpu.memory_space<vmem>>, vector<16xf32>,
          %mul3A_655 = arith.mulf %get3A_649, %get3A_654 : vector<16xf32>
          %add3A_656 = arith.addf %mul3A_644, %mul3A_655 : vector<16xf32>
          %add3A_657 = arith.constant 10 : i32
          %add3A_658 = arith.addi %add3A_74, %add3A_657 : i32
          %get3A_659 = arith.index_cast %add3A_658 : i32 to index
          %get3A_660 = arith.constant 32 : index
          %get3A_661 = tpu.vector_load %arg8[%get3A_659, %get3A_660] {strides = array<i32>} : memref<512x64xf32, #tpu.memory_space<vmem>>, vector<16xf32>,
          %add3A_662 = arith.constant 10 : i32
          %add3A_663 = arith.addi %add3A_74, %add3A_662 : i32
          %get3A_664 = arith.index_cast %add3A_663 : i32 to index
          %get3A_665 = arith.constant 32 : index
          %get3A_666 = tpu.vector_load %arg9[%get3A_664, %get3A_665] {strides = array<i32>} : memref<512x64xf32, #tpu.memory_space<vmem>>, vector<16xf32>,
          %mul3A_667 = arith.mulf %get3A_661, %get3A_666 : vector<16xf32>
          %add3A_668 = arith.addf %add3A_656, %mul3A_667 : vector<16xf32>
          %add3A_669 = arith.constant 10 : i32
          %add3A_670 = arith.addi %add3A_74, %add3A_669 : i32
          %get3A_671 = arith.index_cast %add3A_670 : i32 to index
          %get3A_672 = arith.constant 48 : index
          %get3A_673 = tpu.vector_load %arg8[%get3A_671, %get3A_672] {strides = array<i32>} : memref<512x64xf32, #tpu.memory_space<vmem>>, vector<16xf32>,
          %add3A_674 = arith.constant 10 : i32
          %add3A_675 = arith.addi %add3A_74, %add3A_674 : i32
          %get3A_676 = arith.index_cast %add3A_675 : i32 to index
          %get3A_677 = arith.constant 48 : index
          %get3A_678 = tpu.vector_load %arg9[%get3A_676, %get3A_677] {strides = array<i32>} : memref<512x64xf32, #tpu.memory_space<vmem>>, vector<16xf32>,
          %mul3A_679 = arith.mulf %get3A_673, %get3A_678 : vector<16xf32>
          %add3A_680 = arith.addf %add3A_668, %mul3A_679 : vector<16xf32>
          %reduce_sum3A_681 = arith.constant true
          %reduce_sum3A_682 = vector.broadcast %reduce_sum3A_681 : i1 to vector<16xi1>
          %reduce_sum3A_683 = tpu.scan <sum>, %add3A_680 masked %reduce_sum3A_682 : vector<16xf32>, vector<16xi1> -> vector<16xf32>
          %reduce_sum3A_684 = vector.extract %reduce_sum3A_683[15] : f32 from vector<16xf32>
          %eq3A_685 = arith.constant 10 : i32
          %eq3A_686 = vector.broadcast %eq3A_685 : i32 to vector<16xi32>
          %eq3A_687 = arith.cmpi eq, %iota3A, %eq3A_686 : vector<16xi32>
          %broadcast_in_dim3A_688 = vector.broadcast %reduce_sum3A_684 : f32 to vector<16xf32>
          %select_n3A_689 = arith.select %eq3A_687, %broadcast_in_dim3A_688, %select_n3A_633 : vector<16xi1>, vector<16xf32>
          %add3A_690 = arith.constant 11 : i32
          %add3A_691 = arith.addi %add3A_74, %add3A_690 : i32
          %get3A_692 = arith.index_cast %add3A_691 : i32 to index
          %get3A_693 = arith.constant 0 : index
          %get3A_694 = tpu.vector_load %arg8[%get3A_692, %get3A_693] {strides = array<i32>} : memref<512x64xf32, #tpu.memory_space<vmem>>, vector<16xf32>,
          %add3A_695 = arith.constant 11 : i32
          %add3A_696 = arith.addi %add3A_74, %add3A_695 : i32
          %get3A_697 = arith.index_cast %add3A_696 : i32 to index
          %get3A_698 = arith.constant 0 : index
          %get3A_699 = tpu.vector_load %arg9[%get3A_697, %get3A_698] {strides = array<i32>} : memref<512x64xf32, #tpu.memory_space<vmem>>, vector<16xf32>,
          %mul3A_700 = arith.mulf %get3A_694, %get3A_699 : vector<16xf32>
          %add3A_701 = arith.constant 11 : i32
          %add3A_702 = arith.addi %add3A_74, %add3A_701 : i32
          %get3A_703 = arith.index_cast %add3A_702 : i32 to index
          %get3A_704 = arith.constant 16 : index
          %get3A_705 = tpu.vector_load %arg8[%get3A_703, %get3A_704] {strides = array<i32>} : memref<512x64xf32, #tpu.memory_space<vmem>>, vector<16xf32>,
          %add3A_706 = arith.constant 11 : i32
          %add3A_707 = arith.addi %add3A_74, %add3A_706 : i32
          %get3A_708 = arith.index_cast %add3A_707 : i32 to index
          %get3A_709 = arith.constant 16 : index
          %get3A_710 = tpu.vector_load %arg9[%get3A_708, %get3A_709] {strides = array<i32>} : memref<512x64xf32, #tpu.memory_space<vmem>>, vector<16xf32>,
          %mul3A_711 = arith.mulf %get3A_705, %get3A_710 : vector<16xf32>
          %add3A_712 = arith.addf %mul3A_700, %mul3A_711 : vector<16xf32>
          %add3A_713 = arith.constant 11 : i32
          %add3A_714 = arith.addi %add3A_74, %add3A_713 : i32
          %get3A_715 = arith.index_cast %add3A_714 : i32 to index
          %get3A_716 = arith.constant 32 : index
          %get3A_717 = tpu.vector_load %arg8[%get3A_715, %get3A_716] {strides = array<i32>} : memref<512x64xf32, #tpu.memory_space<vmem>>, vector<16xf32>,
          %add3A_718 = arith.constant 11 : i32
          %add3A_719 = arith.addi %add3A_74, %add3A_718 : i32
          %get3A_720 = arith.index_cast %add3A_719 : i32 to index
          %get3A_721 = arith.constant 32 : index
          %get3A_722 = tpu.vector_load %arg9[%get3A_720, %get3A_721] {strides = array<i32>} : memref<512x64xf32, #tpu.memory_space<vmem>>, vector<16xf32>,
          %mul3A_723 = arith.mulf %get3A_717, %get3A_722 : vector<16xf32>
          %add3A_724 = arith.addf %add3A_712, %mul3A_723 : vector<16xf32>
          %add3A_725 = arith.constant 11 : i32
          %add3A_726 = arith.addi %add3A_74, %add3A_725 : i32
          %get3A_727 = arith.index_cast %add3A_726 : i32 to index
          %get3A_728 = arith.constant 48 : index
          %get3A_729 = tpu.vector_load %arg8[%get3A_727, %get3A_728] {strides = array<i32>} : memref<512x64xf32, #tpu.memory_space<vmem>>, vector<16xf32>,
          %add3A_730 = arith.constant 11 : i32
          %add3A_731 = arith.addi %add3A_74, %add3A_730 : i32
          %get3A_732 = arith.index_cast %add3A_731 : i32 to index
          %get3A_733 = arith.constant 48 : index
          %get3A_734 = tpu.vector_load %arg9[%get3A_732, %get3A_733] {strides = array<i32>} : memref<512x64xf32, #tpu.memory_space<vmem>>, vector<16xf32>,
          %mul3A_735 = arith.mulf %get3A_729, %get3A_734 : vector<16xf32>
          %add3A_736 = arith.addf %add3A_724, %mul3A_735 : vector<16xf32>
          %reduce_sum3A_737 = arith.constant true
          %reduce_sum3A_738 = vector.broadcast %reduce_sum3A_737 : i1 to vector<16xi1>
          %reduce_sum3A_739 = tpu.scan <sum>, %add3A_736 masked %reduce_sum3A_738 : vector<16xf32>, vector<16xi1> -> vector<16xf32>
          %reduce_sum3A_740 = vector.extract %reduce_sum3A_739[15] : f32 from vector<16xf32>
          %eq3A_741 = arith.constant 11 : i32
          %eq3A_742 = vector.broadcast %eq3A_741 : i32 to vector<16xi32>
          %eq3A_743 = arith.cmpi eq, %iota3A, %eq3A_742 : vector<16xi32>
          %broadcast_in_dim3A_744 = vector.broadcast %reduce_sum3A_740 : f32 to vector<16xf32>
          %select_n3A_745 = arith.select %eq3A_743, %broadcast_in_dim3A_744, %select_n3A_689 : vector<16xi1>, vector<16xf32>
          %add3A_746 = arith.constant 12 : i32
          %add3A_747 = arith.addi %add3A_74, %add3A_746 : i32
          %get3A_748 = arith.index_cast %add3A_747 : i32 to index
          %get3A_749 = arith.constant 0 : index
          %get3A_750 = tpu.vector_load %arg8[%get3A_748, %get3A_749] {strides = array<i32>} : memref<512x64xf32, #tpu.memory_space<vmem>>, vector<16xf32>,
          %add3A_751 = arith.constant 12 : i32
          %add3A_752 = arith.addi %add3A_74, %add3A_751 : i32
          %get3A_753 = arith.index_cast %add3A_752 : i32 to index
          %get3A_754 = arith.constant 0 : index
          %get3A_755 = tpu.vector_load %arg9[%get3A_753, %get3A_754] {strides = array<i32>} : memref<512x64xf32, #tpu.memory_space<vmem>>, vector<16xf32>,
          %mul3A_756 = arith.mulf %get3A_750, %get3A_755 : vector<16xf32>
          %add3A_757 = arith.constant 12 : i32
          %add3A_758 = arith.addi %add3A_74, %add3A_757 : i32
          %get3A_759 = arith.index_cast %add3A_758 : i32 to index
          %get3A_760 = arith.constant 16 : index
          %get3A_761 = tpu.vector_load %arg8[%get3A_759, %get3A_760] {strides = array<i32>} : memref<512x64xf32, #tpu.memory_space<vmem>>, vector<16xf32>,
          %add3A_762 = arith.constant 12 : i32
          %add3A_763 = arith.addi %add3A_74, %add3A_762 : i32
          %get3A_764 = arith.index_cast %add3A_763 : i32 to index
          %get3A_765 = arith.constant 16 : index
          %get3A_766 = tpu.vector_load %arg9[%get3A_764, %get3A_765] {strides = array<i32>} : memref<512x64xf32, #tpu.memory_space<vmem>>, vector<16xf32>,
          %mul3A_767 = arith.mulf %get3A_761, %get3A_766 : vector<16xf32>
          %add3A_768 = arith.addf %mul3A_756, %mul3A_767 : vector<16xf32>
          %add3A_769 = arith.constant 12 : i32
          %add3A_770 = arith.addi %add3A_74, %add3A_769 : i32
          %get3A_771 = arith.index_cast %add3A_770 : i32 to index
          %get3A_772 = arith.constant 32 : index
          %get3A_773 = tpu.vector_load %arg8[%get3A_771, %get3A_772] {strides = array<i32>} : memref<512x64xf32, #tpu.memory_space<vmem>>, vector<16xf32>,
          %add3A_774 = arith.constant 12 : i32
          %add3A_775 = arith.addi %add3A_74, %add3A_774 : i32
          %get3A_776 = arith.index_cast %add3A_775 : i32 to index
          %get3A_777 = arith.constant 32 : index
          %get3A_778 = tpu.vector_load %arg9[%get3A_776, %get3A_777] {strides = array<i32>} : memref<512x64xf32, #tpu.memory_space<vmem>>, vector<16xf32>,
          %mul3A_779 = arith.mulf %get3A_773, %get3A_778 : vector<16xf32>
          %add3A_780 = arith.addf %add3A_768, %mul3A_779 : vector<16xf32>
          %add3A_781 = arith.constant 12 : i32
          %add3A_782 = arith.addi %add3A_74, %add3A_781 : i32
          %get3A_783 = arith.index_cast %add3A_782 : i32 to index
          %get3A_784 = arith.constant 48 : index
          %get3A_785 = tpu.vector_load %arg8[%get3A_783, %get3A_784] {strides = array<i32>} : memref<512x64xf32, #tpu.memory_space<vmem>>, vector<16xf32>,
          %add3A_786 = arith.constant 12 : i32
          %add3A_787 = arith.addi %add3A_74, %add3A_786 : i32
          %get3A_788 = arith.index_cast %add3A_787 : i32 to index
          %get3A_789 = arith.constant 48 : index
          %get3A_790 = tpu.vector_load %arg9[%get3A_788, %get3A_789] {strides = array<i32>} : memref<512x64xf32, #tpu.memory_space<vmem>>, vector<16xf32>,
          %mul3A_791 = arith.mulf %get3A_785, %get3A_790 : vector<16xf32>
          %add3A_792 = arith.addf %add3A_780, %mul3A_791 : vector<16xf32>
          %reduce_sum3A_793 = arith.constant true
          %reduce_sum3A_794 = vector.broadcast %reduce_sum3A_793 : i1 to vector<16xi1>
          %reduce_sum3A_795 = tpu.scan <sum>, %add3A_792 masked %reduce_sum3A_794 : vector<16xf32>, vector<16xi1> -> vector<16xf32>
          %reduce_sum3A_796 = vector.extract %reduce_sum3A_795[15] : f32 from vector<16xf32>
          %eq3A_797 = arith.constant 12 : i32
          %eq3A_798 = vector.broadcast %eq3A_797 : i32 to vector<16xi32>
          %eq3A_799 = arith.cmpi eq, %iota3A, %eq3A_798 : vector<16xi32>
          %broadcast_in_dim3A_800 = vector.broadcast %reduce_sum3A_796 : f32 to vector<16xf32>
          %select_n3A_801 = arith.select %eq3A_799, %broadcast_in_dim3A_800, %select_n3A_745 : vector<16xi1>, vector<16xf32>
          %add3A_802 = arith.constant 13 : i32
          %add3A_803 = arith.addi %add3A_74, %add3A_802 : i32
          %get3A_804 = arith.index_cast %add3A_803 : i32 to index
          %get3A_805 = arith.constant 0 : index
          %get3A_806 = tpu.vector_load %arg8[%get3A_804, %get3A_805] {strides = array<i32>} : memref<512x64xf32, #tpu.memory_space<vmem>>, vector<16xf32>,
          %add3A_807 = arith.constant 13 : i32
          %add3A_808 = arith.addi %add3A_74, %add3A_807 : i32
          %get3A_809 = arith.index_cast %add3A_808 : i32 to index
          %get3A_810 = arith.constant 0 : index
          %get3A_811 = tpu.vector_load %arg9[%get3A_809, %get3A_810] {strides = array<i32>} : memref<512x64xf32, #tpu.memory_space<vmem>>, vector<16xf32>,
          %mul3A_812 = arith.mulf %get3A_806, %get3A_811 : vector<16xf32>
          %add3A_813 = arith.constant 13 : i32
          %add3A_814 = arith.addi %add3A_74, %add3A_813 : i32
          %get3A_815 = arith.index_cast %add3A_814 : i32 to index
          %get3A_816 = arith.constant 16 : index
          %get3A_817 = tpu.vector_load %arg8[%get3A_815, %get3A_816] {strides = array<i32>} : memref<512x64xf32, #tpu.memory_space<vmem>>, vector<16xf32>,
          %add3A_818 = arith.constant 13 : i32
          %add3A_819 = arith.addi %add3A_74, %add3A_818 : i32
          %get3A_820 = arith.index_cast %add3A_819 : i32 to index
          %get3A_821 = arith.constant 16 : index
          %get3A_822 = tpu.vector_load %arg9[%get3A_820, %get3A_821] {strides = array<i32>} : memref<512x64xf32, #tpu.memory_space<vmem>>, vector<16xf32>,
          %mul3A_823 = arith.mulf %get3A_817, %get3A_822 : vector<16xf32>
          %add3A_824 = arith.addf %mul3A_812, %mul3A_823 : vector<16xf32>
          %add3A_825 = arith.constant 13 : i32
          %add3A_826 = arith.addi %add3A_74, %add3A_825 : i32
          %get3A_827 = arith.index_cast %add3A_826 : i32 to index
          %get3A_828 = arith.constant 32 : index
          %get3A_829 = tpu.vector_load %arg8[%get3A_827, %get3A_828] {strides = array<i32>} : memref<512x64xf32, #tpu.memory_space<vmem>>, vector<16xf32>,
          %add3A_830 = arith.constant 13 : i32
          %add3A_831 = arith.addi %add3A_74, %add3A_830 : i32
          %get3A_832 = arith.index_cast %add3A_831 : i32 to index
          %get3A_833 = arith.constant 32 : index
          %get3A_834 = tpu.vector_load %arg9[%get3A_832, %get3A_833] {strides = array<i32>} : memref<512x64xf32, #tpu.memory_space<vmem>>, vector<16xf32>,
          %mul3A_835 = arith.mulf %get3A_829, %get3A_834 : vector<16xf32>
          %add3A_836 = arith.addf %add3A_824, %mul3A_835 : vector<16xf32>
          %add3A_837 = arith.constant 13 : i32
          %add3A_838 = arith.addi %add3A_74, %add3A_837 : i32
          %get3A_839 = arith.index_cast %add3A_838 : i32 to index
          %get3A_840 = arith.constant 48 : index
          %get3A_841 = tpu.vector_load %arg8[%get3A_839, %get3A_840] {strides = array<i32>} : memref<512x64xf32, #tpu.memory_space<vmem>>, vector<16xf32>,
          %add3A_842 = arith.constant 13 : i32
          %add3A_843 = arith.addi %add3A_74, %add3A_842 : i32
          %get3A_844 = arith.index_cast %add3A_843 : i32 to index
          %get3A_845 = arith.constant 48 : index
          %get3A_846 = tpu.vector_load %arg9[%get3A_844, %get3A_845] {strides = array<i32>} : memref<512x64xf32, #tpu.memory_space<vmem>>, vector<16xf32>,
          %mul3A_847 = arith.mulf %get3A_841, %get3A_846 : vector<16xf32>
          %add3A_848 = arith.addf %add3A_836, %mul3A_847 : vector<16xf32>
          %reduce_sum3A_849 = arith.constant true
          %reduce_sum3A_850 = vector.broadcast %reduce_sum3A_849 : i1 to vector<16xi1>
          %reduce_sum3A_851 = tpu.scan <sum>, %add3A_848 masked %reduce_sum3A_850 : vector<16xf32>, vector<16xi1> -> vector<16xf32>
          %reduce_sum3A_852 = vector.extract %reduce_sum3A_851[15] : f32 from vector<16xf32>
          %eq3A_853 = arith.constant 13 : i32
          %eq3A_854 = vector.broadcast %eq3A_853 : i32 to vector<16xi32>
          %eq3A_855 = arith.cmpi eq, %iota3A, %eq3A_854 : vector<16xi32>
          %broadcast_in_dim3A_856 = vector.broadcast %reduce_sum3A_852 : f32 to vector<16xf32>
          %select_n3A_857 = arith.select %eq3A_855, %broadcast_in_dim3A_856, %select_n3A_801 : vector<16xi1>, vector<16xf32>
          %add3A_858 = arith.constant 14 : i32
          %add3A_859 = arith.addi %add3A_74, %add3A_858 : i32
          %get3A_860 = arith.index_cast %add3A_859 : i32 to index
          %get3A_861 = arith.constant 0 : index
          %get3A_862 = tpu.vector_load %arg8[%get3A_860, %get3A_861] {strides = array<i32>} : memref<512x64xf32, #tpu.memory_space<vmem>>, vector<16xf32>,
          %add3A_863 = arith.constant 14 : i32
          %add3A_864 = arith.addi %add3A_74, %add3A_863 : i32
          %get3A_865 = arith.index_cast %add3A_864 : i32 to index
          %get3A_866 = arith.constant 0 : index
          %get3A_867 = tpu.vector_load %arg9[%get3A_865, %get3A_866] {strides = array<i32>} : memref<512x64xf32, #tpu.memory_space<vmem>>, vector<16xf32>,
          %mul3A_868 = arith.mulf %get3A_862, %get3A_867 : vector<16xf32>
          %add3A_869 = arith.constant 14 : i32
          %add3A_870 = arith.addi %add3A_74, %add3A_869 : i32
          %get3A_871 = arith.index_cast %add3A_870 : i32 to index
          %get3A_872 = arith.constant 16 : index
          %get3A_873 = tpu.vector_load %arg8[%get3A_871, %get3A_872] {strides = array<i32>} : memref<512x64xf32, #tpu.memory_space<vmem>>, vector<16xf32>,
          %add3A_874 = arith.constant 14 : i32
          %add3A_875 = arith.addi %add3A_74, %add3A_874 : i32
          %get3A_876 = arith.index_cast %add3A_875 : i32 to index
          %get3A_877 = arith.constant 16 : index
          %get3A_878 = tpu.vector_load %arg9[%get3A_876, %get3A_877] {strides = array<i32>} : memref<512x64xf32, #tpu.memory_space<vmem>>, vector<16xf32>,
          %mul3A_879 = arith.mulf %get3A_873, %get3A_878 : vector<16xf32>
          %add3A_880 = arith.addf %mul3A_868, %mul3A_879 : vector<16xf32>
          %add3A_881 = arith.constant 14 : i32
          %add3A_882 = arith.addi %add3A_74, %add3A_881 : i32
          %get3A_883 = arith.index_cast %add3A_882 : i32 to index
          %get3A_884 = arith.constant 32 : index
          %get3A_885 = tpu.vector_load %arg8[%get3A_883, %get3A_884] {strides = array<i32>} : memref<512x64xf32, #tpu.memory_space<vmem>>, vector<16xf32>,
          %add3A_886 = arith.constant 14 : i32
          %add3A_887 = arith.addi %add3A_74, %add3A_886 : i32
          %get3A_888 = arith.index_cast %add3A_887 : i32 to index
          %get3A_889 = arith.constant 32 : index
          %get3A_890 = tpu.vector_load %arg9[%get3A_888, %get3A_889] {strides = array<i32>} : memref<512x64xf32, #tpu.memory_space<vmem>>, vector<16xf32>,
          %mul3A_891 = arith.mulf %get3A_885, %get3A_890 : vector<16xf32>
          %add3A_892 = arith.addf %add3A_880, %mul3A_891 : vector<16xf32>
          %add3A_893 = arith.constant 14 : i32
          %add3A_894 = arith.addi %add3A_74, %add3A_893 : i32
          %get3A_895 = arith.index_cast %add3A_894 : i32 to index
          %get3A_896 = arith.constant 48 : index
          %get3A_897 = tpu.vector_load %arg8[%get3A_895, %get3A_896] {strides = array<i32>} : memref<512x64xf32, #tpu.memory_space<vmem>>, vector<16xf32>,
          %add3A_898 = arith.constant 14 : i32
          %add3A_899 = arith.addi %add3A_74, %add3A_898 : i32
          %get3A_900 = arith.index_cast %add3A_899 : i32 to index
          %get3A_901 = arith.constant 48 : index
          %get3A_902 = tpu.vector_load %arg9[%get3A_900, %get3A_901] {strides = array<i32>} : memref<512x64xf32, #tpu.memory_space<vmem>>, vector<16xf32>,
          %mul3A_903 = arith.mulf %get3A_897, %get3A_902 : vector<16xf32>
          %add3A_904 = arith.addf %add3A_892, %mul3A_903 : vector<16xf32>
          %reduce_sum3A_905 = arith.constant true
          %reduce_sum3A_906 = vector.broadcast %reduce_sum3A_905 : i1 to vector<16xi1>
          %reduce_sum3A_907 = tpu.scan <sum>, %add3A_904 masked %reduce_sum3A_906 : vector<16xf32>, vector<16xi1> -> vector<16xf32>
          %reduce_sum3A_908 = vector.extract %reduce_sum3A_907[15] : f32 from vector<16xf32>
          %eq3A_909 = arith.constant 14 : i32
          %eq3A_910 = vector.broadcast %eq3A_909 : i32 to vector<16xi32>
          %eq3A_911 = arith.cmpi eq, %iota3A, %eq3A_910 : vector<16xi32>
          %broadcast_in_dim3A_912 = vector.broadcast %reduce_sum3A_908 : f32 to vector<16xf32>
          %select_n3A_913 = arith.select %eq3A_911, %broadcast_in_dim3A_912, %select_n3A_857 : vector<16xi1>, vector<16xf32>
          %add3A_914 = arith.constant 15 : i32
          %add3A_915 = arith.addi %add3A_74, %add3A_914 : i32
          %get3A_916 = arith.index_cast %add3A_915 : i32 to index
          %get3A_917 = arith.constant 0 : index
          %get3A_918 = tpu.vector_load %arg8[%get3A_916, %get3A_917] {strides = array<i32>} : memref<512x64xf32, #tpu.memory_space<vmem>>, vector<16xf32>,
          %add3A_919 = arith.constant 15 : i32
          %add3A_920 = arith.addi %add3A_74, %add3A_919 : i32
          %get3A_921 = arith.index_cast %add3A_920 : i32 to index
          %get3A_922 = arith.constant 0 : index
          %get3A_923 = tpu.vector_load %arg9[%get3A_921, %get3A_922] {strides = array<i32>} : memref<512x64xf32, #tpu.memory_space<vmem>>, vector<16xf32>,
          %mul3A_924 = arith.mulf %get3A_918, %get3A_923 : vector<16xf32>
          %add3A_925 = arith.constant 15 : i32
          %add3A_926 = arith.addi %add3A_74, %add3A_925 : i32
          %get3A_927 = arith.index_cast %add3A_926 : i32 to index
          %get3A_928 = arith.constant 16 : index
          %get3A_929 = tpu.vector_load %arg8[%get3A_927, %get3A_928] {strides = array<i32>} : memref<512x64xf32, #tpu.memory_space<vmem>>, vector<16xf32>,
          %add3A_930 = arith.constant 15 : i32
          %add3A_931 = arith.addi %add3A_74, %add3A_930 : i32
          %get3A_932 = arith.index_cast %add3A_931 : i32 to index
          %get3A_933 = arith.constant 16 : index
          %get3A_934 = tpu.vector_load %arg9[%get3A_932, %get3A_933] {strides = array<i32>} : memref<512x64xf32, #tpu.memory_space<vmem>>, vector<16xf32>,
          %mul3A_935 = arith.mulf %get3A_929, %get3A_934 : vector<16xf32>
          %add3A_936 = arith.addf %mul3A_924, %mul3A_935 : vector<16xf32>
          %add3A_937 = arith.constant 15 : i32
          %add3A_938 = arith.addi %add3A_74, %add3A_937 : i32
          %get3A_939 = arith.index_cast %add3A_938 : i32 to index
          %get3A_940 = arith.constant 32 : index
          %get3A_941 = tpu.vector_load %arg8[%get3A_939, %get3A_940] {strides = array<i32>} : memref<512x64xf32, #tpu.memory_space<vmem>>, vector<16xf32>,
          %add3A_942 = arith.constant 15 : i32
          %add3A_943 = arith.addi %add3A_74, %add3A_942 : i32
          %get3A_944 = arith.index_cast %add3A_943 : i32 to index
          %get3A_945 = arith.constant 32 : index
          %get3A_946 = tpu.vector_load %arg9[%get3A_944, %get3A_945] {strides = array<i32>} : memref<512x64xf32, #tpu.memory_space<vmem>>, vector<16xf32>,
          %mul3A_947 = arith.mulf %get3A_941, %get3A_946 : vector<16xf32>
          %add3A_948 = arith.addf %add3A_936, %mul3A_947 : vector<16xf32>
          %add3A_949 = arith.constant 15 : i32
          %add3A_950 = arith.addi %add3A_74, %add3A_949 : i32
          %get3A_951 = arith.index_cast %add3A_950 : i32 to index
          %get3A_952 = arith.constant 48 : index
          %get3A_953 = tpu.vector_load %arg8[%get3A_951, %get3A_952] {strides = array<i32>} : memref<512x64xf32, #tpu.memory_space<vmem>>, vector<16xf32>,
          %add3A_954 = arith.constant 15 : i32
          %add3A_955 = arith.addi %add3A_74, %add3A_954 : i32
          %get3A_956 = arith.index_cast %add3A_955 : i32 to index
          %get3A_957 = arith.constant 48 : index
          %get3A_958 = tpu.vector_load %arg9[%get3A_956, %get3A_957] {strides = array<i32>} : memref<512x64xf32, #tpu.memory_space<vmem>>, vector<16xf32>,
          %mul3A_959 = arith.mulf %get3A_953, %get3A_958 : vector<16xf32>
          %add3A_960 = arith.addf %add3A_948, %mul3A_959 : vector<16xf32>
          %reduce_sum3A_961 = arith.constant true
          %reduce_sum3A_962 = vector.broadcast %reduce_sum3A_961 : i1 to vector<16xi1>
          %reduce_sum3A_963 = tpu.scan <sum>, %add3A_960 masked %reduce_sum3A_962 : vector<16xf32>, vector<16xi1> -> vector<16xf32>
          %reduce_sum3A_964 = vector.extract %reduce_sum3A_963[15] : f32 from vector<16xf32>
          %eq3A_965 = arith.constant 15 : i32
          %eq3A_966 = vector.broadcast %eq3A_965 : i32 to vector<16xi32>
          %eq3A_967 = arith.cmpi eq, %iota3A, %eq3A_966 : vector<16xi32>
          %broadcast_in_dim3A_968 = vector.broadcast %reduce_sum3A_964 : f32 to vector<16xf32>
          %select_n3A_969 = arith.select %eq3A_967, %broadcast_in_dim3A_968, %select_n3A_913 : vector<16xi1>, vector<16xf32>
          %mul3A_970 = arith.constant 128 : i32
          %mul3A_971 = arith.muli %sub3A_11, %mul3A_970 : i32
          %mul3A_972 = arith.constant 16 : i32
          %mul3A_973 = arith.muli %scan3A_71, %mul3A_972 : i32
          %add3A_974 = arith.addi %mul3A_971, %mul3A_973 : i32
          %swap3A = arith.index_cast %add3A_974 : i32 to index
          %swap3A_975 = tpu.vector_load %arg10[%swap3A] {strides = array<i32>} : memref<3200xf32, #tpu.memory_space<vmem>>, vector<16xf32>,
          tpu.vector_store %arg10[%swap3A], %select_n3A_969 {strides = array<i32>} : memref<3200xf32, #tpu.memory_space<vmem>>, vector<16xf32>,
        }
        %scan3A_70 = arith.constant 8 : i32
      } else {
      }
      %lt3A = arith.constant 25 : i32
      %lt3A_14 = arith.cmpi slt, %scan3A_10, %lt3A : i32
      %convert_element_type3A_15 = arith.extui %lt3A_14 : i1 to i32
      %cond3A_16 = arith.constant 0 : i32
      %cond3A_17 = arith.cmpi ne, %convert_element_type3A_15, %cond3A_16 : i32
      scf.if %cond3A_17 {
        %jit3A = arith.constant 4 : i32
        %eq3A = arith.constant 0 : i32
        %eq3A_18 = arith.cmpi eq, %jit3A, %eq3A : i32
        %jit3A_19 = arith.constant 1 : i32
        %select_n3A = arith.select %eq3A_18, %jit3A_19, %jit3A : i32
        %rem3A = arith.remsi %scan3A_10, %select_n3A : i32
        %ne3A = arith.constant 0 : i32
        %ne3A_20 = arith.cmpi ne, %rem3A, %ne3A : i32
        %lt3A_21 = arith.constant 0 : i32
        %lt3A_22 = arith.cmpi slt, %rem3A, %lt3A_21 : i32
        %lt3A_23 = arith.constant 0 : i32
        %lt3A_24 = arith.cmpi slt, %select_n3A, %lt3A_23 : i32
        %ne3A_25 = arith.xori %lt3A_22, %lt3A_24 : i1
        %and3A = arith.andi %ne3A_25, %ne3A_20 : i1
        %add3A_26 = arith.addi %rem3A, %select_n3A : i32
        %select_n3A_27 = arith.select %and3A, %add3A_26, %rem3A : i32
        %mul3A_28 = arith.constant 128 : i32
        %mul3A_29 = arith.muli %select_n3A_27, %mul3A_28 : i32
        %dma_start3A = arith.constant 0 : i32
        %dma_start3A_30 = tpu.memref_slice %arg8[%mul3A_29, %dma_start3A] : memref<512x64xf32, #tpu.memory_space<vmem>> -> memref<128x64xf32, #tpu.memory_space<vmem>>
        %dma_start3A_31 = arith.constant 0 : i32
        %dma_start3A_32 = tpu.memref_slice %arg6[%scan3A_10, %dma_start3A_31] : memref<25x128xi32, #tpu.memory_space<vmem>> -> memref<1x128xi32, #tpu.memory_space<vmem>>
        %dma_start3A_33 = tpu.memref_squeeze %dma_start3A_32 : memref<1x128xi32, #tpu.memory_space<vmem>> -> memref<128xi32, #tpu.memory_space<vmem>>
        %dma_start3A_34 = arith.constant 0 : i32
        %dma_start3A_35 = arith.constant 0 : i32
        %dma_start3A_36 = tpu.memref_slice %arg2[%dma_start3A_34, %dma_start3A_35] : memref<10000x64xf32, #tpu.memory_space<hbm>> -> memref<10000x64xf32, #tpu.memory_space<hbm>>
        tpu.enqueue_indirect_dma source(%dma_start3A_36 : memref<10000x64xf32, #tpu.memory_space<hbm>>) target(%dma_start3A_30 : memref<128x64xf32, #tpu.memory_space<vmem>>) offsets(%dma_start3A_33 : memref<128xi32, #tpu.memory_space<vmem>>) semaphore(%arg11 : memref<!tpu.dma_semaphore, #tpu.memory_space<semaphore_mem>>)
        %dma_start3A_37 = arith.constant 0 : i32
        %dma_start3A_38 = tpu.memref_slice %arg9[%mul3A_29, %dma_start3A_37] : memref<512x64xf32, #tpu.memory_space<vmem>> -> memref<128x64xf32, #tpu.memory_space<vmem>>
        %dma_start3A_39 = arith.constant 0 : i32
        %dma_start3A_40 = tpu.memref_slice %arg7[%scan3A_10, %dma_start3A_39] : memref<25x128xi32, #tpu.memory_space<vmem>> -> memref<1x128xi32, #tpu.memory_space<vmem>>
        %dma_start3A_41 = tpu.memref_squeeze %dma_start3A_40 : memref<1x128xi32, #tpu.memory_space<vmem>> -> memref<128xi32, #tpu.memory_space<vmem>>
        %dma_start3A_42 = arith.constant 0 : i32
        %dma_start3A_43 = arith.constant 0 : i32
        %dma_start3A_44 = tpu.memref_slice %arg2[%dma_start3A_42, %dma_start3A_43] : memref<10000x64xf32, #tpu.memory_space<hbm>> -> memref<10000x64xf32, #tpu.memory_space<hbm>>
        tpu.enqueue_indirect_dma source(%dma_start3A_44 : memref<10000x64xf32, #tpu.memory_space<hbm>>) target(%dma_start3A_38 : memref<128x64xf32, #tpu.memory_space<vmem>>) offsets(%dma_start3A_41 : memref<128xi32, #tpu.memory_space<vmem>>) semaphore(%arg12 : memref<!tpu.dma_semaphore, #tpu.memory_space<semaphore_mem>>)
      } else {
      }
    }
    %scan3A_7 = arith.constant 28 : i32
    %mul3A_8 = arith.constant 128 : i32
    %mul3A_9 = arith.muli %mul3A_2, %mul3A_8 : i32
    "tpu.region"() ({
      %run_scoped3A = tpu.sem_alloc : memref<!tpu.dma_semaphore, #tpu.memory_space<semaphore_mem>>
      %dma_start3A = tpu.memref_slice %arg5[%mul3A_9] : memref<102400xf32, #tpu.memory_space<hbm>> -> memref<3200xf32, #tpu.memory_space<hbm>>
      %dma_start3A_10 = tpu.memref_slice %arg5[%mul3A_9] : memref<102400xf32, #tpu.memory_space<hbm>> -> memref<3200xf32, #tpu.memory_space<hbm>>
      tpu.enqueue_dma source(%arg10 : memref<3200xf32, #tpu.memory_space<vmem>>) target(%dma_start3A_10 : memref<3200xf32, #tpu.memory_space<hbm>>) target_semaphore(%run_scoped3A : memref<!tpu.dma_semaphore, #tpu.memory_space<semaphore_mem>>)
      %dma_wait3A = tpu.memref_slice %arg5[%mul3A_9] : memref<102400xf32, #tpu.memory_space<hbm>> -> memref<3200xf32, #tpu.memory_space<hbm>>
      %dma_wait3A_11 = tpu.memref_slice %arg5[%mul3A_9] : memref<102400xf32, #tpu.memory_space<hbm>> -> memref<3200xf32, #tpu.memory_space<hbm>>
      tpu.wait_dma2 semaphore(%run_scoped3A : memref<!tpu.dma_semaphore, #tpu.memory_space<semaphore_mem>>) src(%arg10 : memref<3200xf32, #tpu.memory_space<vmem>>) dst(%dma_wait3A_11 : memref<3200xf32, #tpu.memory_space<hbm>>)
      tpu.yield
    }) : () -> ()
    return
  }
}

#map = affine_map<(d0, d1) -> (0, 0, 0)>
module attributes {stable_mosaic.version = 14 : i64} {
  func.func @segsum(%arg0: i32, %arg1: i32, %arg2: memref<2x10000x72xf32, #tpu.memory_space<hbm>>, %arg3: memref<16x157x128xi32, #tpu.memory_space<hbm>>, %arg4: memref<16x157x128xi32, #tpu.memory_space<hbm>>, %arg5: memref<2x10240x72xf32, #tpu.memory_space<hbm>>, %arg6: memref<157x128xi32, #tpu.memory_space<vmem>>, %arg7: memref<157x128xi32, #tpu.memory_space<vmem>>, %arg8: memref<512x72xf32, #tpu.memory_space<vmem>>, %arg9: memref<10240x72xf32, #tpu.memory_space<vmem_shared>>, %arg10: memref<!tpu.dma_semaphore, #tpu.memory_space<semaphore_mem>>, %arg11: memref<!tpu.dma_semaphore, #tpu.memory_space<semaphore_mem>>) attributes {dimension_semantics = [#tpu.dimension_semantics<core_parallel>, #tpu.dimension_semantics<subcore_parallel>], iteration_bounds = array<i64: 2, 16>, scalar_prefetch = 0 : i64, scratch_operands = 6 : i64, tpu.core_type = #tpu.core_type<sc_vector_subcore>, window_params = [{transform_indices = #map}, {transform_indices = #map}, {transform_indices = #map}, {transform_indices = #map}]} {
    %mul3A = arith.constant 640 : i32
    %mul3A_0 = arith.muli %arg1, %mul3A : i32
    %broadcast_in_dim3A = arith.constant 0.000000e+00 : f32
    %broadcast_in_dim3A_1 = vector.broadcast %broadcast_in_dim3A : f32 to vector<16xf32>
    %scan3A = arith.constant 0 : i32
    %scan3A_2 = arith.constant 0 : i32
    %scan3A_3 = arith.constant 128 : i32
    %scan3A_4 = arith.addi %scan3A_2, %scan3A_3 : i32
    %scan3A_5 = arith.constant 1 : i32
    scf.for %scan3A_42 = %scan3A_2 to %scan3A_4 step %scan3A_5  : i32 {
      %swap3A = arith.index_cast %scan3A_42 : i32 to index
      %swap3A_43 = arith.constant 0 : index
      %swap3A_44 = tpu.vector_load %arg8[%swap3A, %swap3A_43] {strides = array<i32>} : memref<512x72xf32, #tpu.memory_space<vmem>>, vector<16xf32>,
      tpu.vector_store %arg8[%swap3A, %swap3A_43], %broadcast_in_dim3A_1 {strides = array<i32>} : memref<512x72xf32, #tpu.memory_space<vmem>>, vector<16xf32>,
      %swap3A_45 = arith.index_cast %scan3A_42 : i32 to index
      %swap3A_46 = arith.constant 16 : index
      %swap3A_47 = tpu.vector_load %arg8[%swap3A_45, %swap3A_46] {strides = array<i32>} : memref<512x72xf32, #tpu.memory_space<vmem>>, vector<16xf32>,
      tpu.vector_store %arg8[%swap3A_45, %swap3A_46], %broadcast_in_dim3A_1 {strides = array<i32>} : memref<512x72xf32, #tpu.memory_space<vmem>>, vector<16xf32>,
      %swap3A_48 = arith.index_cast %scan3A_42 : i32 to index
      %swap3A_49 = arith.constant 32 : index
      %swap3A_50 = tpu.vector_load %arg8[%swap3A_48, %swap3A_49] {strides = array<i32>} : memref<512x72xf32, #tpu.memory_space<vmem>>, vector<16xf32>,
      tpu.vector_store %arg8[%swap3A_48, %swap3A_49], %broadcast_in_dim3A_1 {strides = array<i32>} : memref<512x72xf32, #tpu.memory_space<vmem>>, vector<16xf32>,
      %swap3A_51 = arith.index_cast %scan3A_42 : i32 to index
      %swap3A_52 = arith.constant 48 : index
      %swap3A_53 = tpu.vector_load %arg8[%swap3A_51, %swap3A_52] {strides = array<i32>} : memref<512x72xf32, #tpu.memory_space<vmem>>, vector<16xf32>,
      tpu.vector_store %arg8[%swap3A_51, %swap3A_52], %broadcast_in_dim3A_1 {strides = array<i32>} : memref<512x72xf32, #tpu.memory_space<vmem>>, vector<16xf32>,
      %swap3A_54 = arith.index_cast %scan3A_42 : i32 to index
      %swap3A_55 = arith.constant 56 : index
      %swap3A_56 = tpu.vector_load %arg8[%swap3A_54, %swap3A_55] {strides = array<i32>} : memref<512x72xf32, #tpu.memory_space<vmem>>, vector<16xf32>,
      tpu.vector_store %arg8[%swap3A_54, %swap3A_55], %broadcast_in_dim3A_1 {strides = array<i32>} : memref<512x72xf32, #tpu.memory_space<vmem>>, vector<16xf32>,
    }
    %scan3A_6 = arith.constant 128 : i32
    %add3A = arith.constant 0 : i32
    %add3A_7 = arith.addi %mul3A_0, %add3A : i32
    "tpu.region"() ({
      %run_scoped3A = tpu.sem_alloc : memref<!tpu.dma_semaphore, #tpu.memory_space<semaphore_mem>>
      %dma_start3A = arith.constant 0 : i32
      %dma_start3A_42 = arith.constant 0 : i32
      %dma_start3A_43 = tpu.memref_slice %arg8[%dma_start3A, %dma_start3A_42] : memref<512x72xf32, #tpu.memory_space<vmem>> -> memref<128x72xf32, #tpu.memory_space<vmem>>
      %dma_start3A_44 = arith.constant 0 : i32
      %dma_start3A_45 = tpu.memref_slice %arg9[%add3A_7, %dma_start3A_44] : memref<10240x72xf32, #tpu.memory_space<vmem_shared>> -> memref<128x72xf32, #tpu.memory_space<vmem_shared>>
      %dma_start3A_46 = arith.constant 0 : i32
      %dma_start3A_47 = tpu.memref_slice %arg9[%add3A_7, %dma_start3A_46] : memref<10240x72xf32, #tpu.memory_space<vmem_shared>> -> memref<128x72xf32, #tpu.memory_space<vmem_shared>>
      %dma_start3A_48 = arith.constant 0 : i32
      %dma_start3A_49 = arith.constant 0 : i32
      %dma_start3A_50 = tpu.memref_slice %arg8[%dma_start3A_48, %dma_start3A_49] : memref<512x72xf32, #tpu.memory_space<vmem>> -> memref<128x72xf32, #tpu.memory_space<vmem>>
      tpu.enqueue_dma source(%dma_start3A_50 : memref<128x72xf32, #tpu.memory_space<vmem>>) target(%dma_start3A_47 : memref<128x72xf32, #tpu.memory_space<vmem_shared>>) target_semaphore(%run_scoped3A : memref<!tpu.dma_semaphore, #tpu.memory_space<semaphore_mem>>)
      %dma_wait3A_51 = arith.constant 0 : i32
      %dma_wait3A_52 = arith.constant 0 : i32
      %dma_wait3A_53 = tpu.memref_slice %arg8[%dma_wait3A_51, %dma_wait3A_52] : memref<512x72xf32, #tpu.memory_space<vmem>> -> memref<128x72xf32, #tpu.memory_space<vmem>>
      %dma_wait3A_54 = arith.constant 0 : i32
      %dma_wait3A_55 = tpu.memref_slice %arg9[%add3A_7, %dma_wait3A_54] : memref<10240x72xf32, #tpu.memory_space<vmem_shared>> -> memref<128x72xf32, #tpu.memory_space<vmem_shared>>
      %dma_wait3A_56 = arith.constant 0 : i32
      %dma_wait3A_57 = tpu.memref_slice %arg9[%add3A_7, %dma_wait3A_56] : memref<10240x72xf32, #tpu.memory_space<vmem_shared>> -> memref<128x72xf32, #tpu.memory_space<vmem_shared>>
      %dma_wait3A_58 = arith.constant 0 : i32
      %dma_wait3A_59 = arith.constant 0 : i32
      %dma_wait3A_60 = tpu.memref_slice %arg8[%dma_wait3A_58, %dma_wait3A_59] : memref<512x72xf32, #tpu.memory_space<vmem>> -> memref<128x72xf32, #tpu.memory_space<vmem>>
      tpu.wait_dma2 semaphore(%run_scoped3A : memref<!tpu.dma_semaphore, #tpu.memory_space<semaphore_mem>>) src(%dma_wait3A_60 : memref<128x72xf32, #tpu.memory_space<vmem>>) dst(%dma_wait3A_57 : memref<128x72xf32, #tpu.memory_space<vmem_shared>>)
      tpu.yield
    }) : () -> ()
    %add3A_8 = arith.constant 128 : i32
    %add3A_9 = arith.addi %mul3A_0, %add3A_8 : i32
    "tpu.region"() ({
      %run_scoped3A = tpu.sem_alloc : memref<!tpu.dma_semaphore, #tpu.memory_space<semaphore_mem>>
      %dma_start3A = arith.constant 0 : i32
      %dma_start3A_42 = arith.constant 0 : i32
      %dma_start3A_43 = tpu.memref_slice %arg8[%dma_start3A, %dma_start3A_42] : memref<512x72xf32, #tpu.memory_space<vmem>> -> memref<128x72xf32, #tpu.memory_space<vmem>>
      %dma_start3A_44 = arith.constant 0 : i32
      %dma_start3A_45 = tpu.memref_slice %arg9[%add3A_9, %dma_start3A_44] : memref<10240x72xf32, #tpu.memory_space<vmem_shared>> -> memref<128x72xf32, #tpu.memory_space<vmem_shared>>
      %dma_start3A_46 = arith.constant 0 : i32
      %dma_start3A_47 = tpu.memref_slice %arg9[%add3A_9, %dma_start3A_46] : memref<10240x72xf32, #tpu.memory_space<vmem_shared>> -> memref<128x72xf32, #tpu.memory_space<vmem_shared>>
      %dma_start3A_48 = arith.constant 0 : i32
      %dma_start3A_49 = arith.constant 0 : i32
      %dma_start3A_50 = tpu.memref_slice %arg8[%dma_start3A_48, %dma_start3A_49] : memref<512x72xf32, #tpu.memory_space<vmem>> -> memref<128x72xf32, #tpu.memory_space<vmem>>
      tpu.enqueue_dma source(%dma_start3A_50 : memref<128x72xf32, #tpu.memory_space<vmem>>) target(%dma_start3A_47 : memref<128x72xf32, #tpu.memory_space<vmem_shared>>) target_semaphore(%run_scoped3A : memref<!tpu.dma_semaphore, #tpu.memory_space<semaphore_mem>>)
      %dma_wait3A_51 = arith.constant 0 : i32
      %dma_wait3A_52 = arith.constant 0 : i32
      %dma_wait3A_53 = tpu.memref_slice %arg8[%dma_wait3A_51, %dma_wait3A_52] : memref<512x72xf32, #tpu.memory_space<vmem>> -> memref<128x72xf32, #tpu.memory_space<vmem>>
      %dma_wait3A_54 = arith.constant 0 : i32
      %dma_wait3A_55 = tpu.memref_slice %arg9[%add3A_9, %dma_wait3A_54] : memref<10240x72xf32, #tpu.memory_space<vmem_shared>> -> memref<128x72xf32, #tpu.memory_space<vmem_shared>>
      %dma_wait3A_56 = arith.constant 0 : i32
      %dma_wait3A_57 = tpu.memref_slice %arg9[%add3A_9, %dma_wait3A_56] : memref<10240x72xf32, #tpu.memory_space<vmem_shared>> -> memref<128x72xf32, #tpu.memory_space<vmem_shared>>
      %dma_wait3A_58 = arith.constant 0 : i32
      %dma_wait3A_59 = arith.constant 0 : i32
      %dma_wait3A_60 = tpu.memref_slice %arg8[%dma_wait3A_58, %dma_wait3A_59] : memref<512x72xf32, #tpu.memory_space<vmem>> -> memref<128x72xf32, #tpu.memory_space<vmem>>
      tpu.wait_dma2 semaphore(%run_scoped3A : memref<!tpu.dma_semaphore, #tpu.memory_space<semaphore_mem>>) src(%dma_wait3A_60 : memref<128x72xf32, #tpu.memory_space<vmem>>) dst(%dma_wait3A_57 : memref<128x72xf32, #tpu.memory_space<vmem_shared>>)
      tpu.yield
    }) : () -> ()
    %add3A_10 = arith.constant 256 : i32
    %add3A_11 = arith.addi %mul3A_0, %add3A_10 : i32
    "tpu.region"() ({
      %run_scoped3A = tpu.sem_alloc : memref<!tpu.dma_semaphore, #tpu.memory_space<semaphore_mem>>
      %dma_start3A = arith.constant 0 : i32
      %dma_start3A_42 = arith.constant 0 : i32
      %dma_start3A_43 = tpu.memref_slice %arg8[%dma_start3A, %dma_start3A_42] : memref<512x72xf32, #tpu.memory_space<vmem>> -> memref<128x72xf32, #tpu.memory_space<vmem>>
      %dma_start3A_44 = arith.constant 0 : i32
      %dma_start3A_45 = tpu.memref_slice %arg9[%add3A_11, %dma_start3A_44] : memref<10240x72xf32, #tpu.memory_space<vmem_shared>> -> memref<128x72xf32, #tpu.memory_space<vmem_shared>>
      %dma_start3A_46 = arith.constant 0 : i32
      %dma_start3A_47 = tpu.memref_slice %arg9[%add3A_11, %dma_start3A_46] : memref<10240x72xf32, #tpu.memory_space<vmem_shared>> -> memref<128x72xf32, #tpu.memory_space<vmem_shared>>
      %dma_start3A_48 = arith.constant 0 : i32
      %dma_start3A_49 = arith.constant 0 : i32
      %dma_start3A_50 = tpu.memref_slice %arg8[%dma_start3A_48, %dma_start3A_49] : memref<512x72xf32, #tpu.memory_space<vmem>> -> memref<128x72xf32, #tpu.memory_space<vmem>>
      tpu.enqueue_dma source(%dma_start3A_50 : memref<128x72xf32, #tpu.memory_space<vmem>>) target(%dma_start3A_47 : memref<128x72xf32, #tpu.memory_space<vmem_shared>>) target_semaphore(%run_scoped3A : memref<!tpu.dma_semaphore, #tpu.memory_space<semaphore_mem>>)
      %dma_wait3A_51 = arith.constant 0 : i32
      %dma_wait3A_52 = arith.constant 0 : i32
      %dma_wait3A_53 = tpu.memref_slice %arg8[%dma_wait3A_51, %dma_wait3A_52] : memref<512x72xf32, #tpu.memory_space<vmem>> -> memref<128x72xf32, #tpu.memory_space<vmem>>
      %dma_wait3A_54 = arith.constant 0 : i32
      %dma_wait3A_55 = tpu.memref_slice %arg9[%add3A_11, %dma_wait3A_54] : memref<10240x72xf32, #tpu.memory_space<vmem_shared>> -> memref<128x72xf32, #tpu.memory_space<vmem_shared>>
      %dma_wait3A_56 = arith.constant 0 : i32
      %dma_wait3A_57 = tpu.memref_slice %arg9[%add3A_11, %dma_wait3A_56] : memref<10240x72xf32, #tpu.memory_space<vmem_shared>> -> memref<128x72xf32, #tpu.memory_space<vmem_shared>>
      %dma_wait3A_58 = arith.constant 0 : i32
      %dma_wait3A_59 = arith.constant 0 : i32
      %dma_wait3A_60 = tpu.memref_slice %arg8[%dma_wait3A_58, %dma_wait3A_59] : memref<512x72xf32, #tpu.memory_space<vmem>> -> memref<128x72xf32, #tpu.memory_space<vmem>>
      tpu.wait_dma2 semaphore(%run_scoped3A : memref<!tpu.dma_semaphore, #tpu.memory_space<semaphore_mem>>) src(%dma_wait3A_60 : memref<128x72xf32, #tpu.memory_space<vmem>>) dst(%dma_wait3A_57 : memref<128x72xf32, #tpu.memory_space<vmem_shared>>)
      tpu.yield
    }) : () -> ()
    %add3A_12 = arith.constant 384 : i32
    %add3A_13 = arith.addi %mul3A_0, %add3A_12 : i32
    "tpu.region"() ({
      %run_scoped3A = tpu.sem_alloc : memref<!tpu.dma_semaphore, #tpu.memory_space<semaphore_mem>>
      %dma_start3A = arith.constant 0 : i32
      %dma_start3A_42 = arith.constant 0 : i32
      %dma_start3A_43 = tpu.memref_slice %arg8[%dma_start3A, %dma_start3A_42] : memref<512x72xf32, #tpu.memory_space<vmem>> -> memref<128x72xf32, #tpu.memory_space<vmem>>
      %dma_start3A_44 = arith.constant 0 : i32
      %dma_start3A_45 = tpu.memref_slice %arg9[%add3A_13, %dma_start3A_44] : memref<10240x72xf32, #tpu.memory_space<vmem_shared>> -> memref<128x72xf32, #tpu.memory_space<vmem_shared>>
      %dma_start3A_46 = arith.constant 0 : i32
      %dma_start3A_47 = tpu.memref_slice %arg9[%add3A_13, %dma_start3A_46] : memref<10240x72xf32, #tpu.memory_space<vmem_shared>> -> memref<128x72xf32, #tpu.memory_space<vmem_shared>>
      %dma_start3A_48 = arith.constant 0 : i32
      %dma_start3A_49 = arith.constant 0 : i32
      %dma_start3A_50 = tpu.memref_slice %arg8[%dma_start3A_48, %dma_start3A_49] : memref<512x72xf32, #tpu.memory_space<vmem>> -> memref<128x72xf32, #tpu.memory_space<vmem>>
      tpu.enqueue_dma source(%dma_start3A_50 : memref<128x72xf32, #tpu.memory_space<vmem>>) target(%dma_start3A_47 : memref<128x72xf32, #tpu.memory_space<vmem_shared>>) target_semaphore(%run_scoped3A : memref<!tpu.dma_semaphore, #tpu.memory_space<semaphore_mem>>)
      %dma_wait3A_51 = arith.constant 0 : i32
      %dma_wait3A_52 = arith.constant 0 : i32
      %dma_wait3A_53 = tpu.memref_slice %arg8[%dma_wait3A_51, %dma_wait3A_52] : memref<512x72xf32, #tpu.memory_space<vmem>> -> memref<128x72xf32, #tpu.memory_space<vmem>>
      %dma_wait3A_54 = arith.constant 0 : i32
      %dma_wait3A_55 = tpu.memref_slice %arg9[%add3A_13, %dma_wait3A_54] : memref<10240x72xf32, #tpu.memory_space<vmem_shared>> -> memref<128x72xf32, #tpu.memory_space<vmem_shared>>
      %dma_wait3A_56 = arith.constant 0 : i32
      %dma_wait3A_57 = tpu.memref_slice %arg9[%add3A_13, %dma_wait3A_56] : memref<10240x72xf32, #tpu.memory_space<vmem_shared>> -> memref<128x72xf32, #tpu.memory_space<vmem_shared>>
      %dma_wait3A_58 = arith.constant 0 : i32
      %dma_wait3A_59 = arith.constant 0 : i32
      %dma_wait3A_60 = tpu.memref_slice %arg8[%dma_wait3A_58, %dma_wait3A_59] : memref<512x72xf32, #tpu.memory_space<vmem>> -> memref<128x72xf32, #tpu.memory_space<vmem>>
      tpu.wait_dma2 semaphore(%run_scoped3A : memref<!tpu.dma_semaphore, #tpu.memory_space<semaphore_mem>>) src(%dma_wait3A_60 : memref<128x72xf32, #tpu.memory_space<vmem>>) dst(%dma_wait3A_57 : memref<128x72xf32, #tpu.memory_space<vmem_shared>>)
      tpu.yield
    }) : () -> ()
    %add3A_14 = arith.constant 512 : i32
    %add3A_15 = arith.addi %mul3A_0, %add3A_14 : i32
    "tpu.region"() ({
      %run_scoped3A = tpu.sem_alloc : memref<!tpu.dma_semaphore, #tpu.memory_space<semaphore_mem>>
      %dma_start3A = arith.constant 0 : i32
      %dma_start3A_42 = arith.constant 0 : i32
      %dma_start3A_43 = tpu.memref_slice %arg8[%dma_start3A, %dma_start3A_42] : memref<512x72xf32, #tpu.memory_space<vmem>> -> memref<128x72xf32, #tpu.memory_space<vmem>>
      %dma_start3A_44 = arith.constant 0 : i32
      %dma_start3A_45 = tpu.memref_slice %arg9[%add3A_15, %dma_start3A_44] : memref<10240x72xf32, #tpu.memory_space<vmem_shared>> -> memref<128x72xf32, #tpu.memory_space<vmem_shared>>
      %dma_start3A_46 = arith.constant 0 : i32
      %dma_start3A_47 = tpu.memref_slice %arg9[%add3A_15, %dma_start3A_46] : memref<10240x72xf32, #tpu.memory_space<vmem_shared>> -> memref<128x72xf32, #tpu.memory_space<vmem_shared>>
      %dma_start3A_48 = arith.constant 0 : i32
      %dma_start3A_49 = arith.constant 0 : i32
      %dma_start3A_50 = tpu.memref_slice %arg8[%dma_start3A_48, %dma_start3A_49] : memref<512x72xf32, #tpu.memory_space<vmem>> -> memref<128x72xf32, #tpu.memory_space<vmem>>
      tpu.enqueue_dma source(%dma_start3A_50 : memref<128x72xf32, #tpu.memory_space<vmem>>) target(%dma_start3A_47 : memref<128x72xf32, #tpu.memory_space<vmem_shared>>) target_semaphore(%run_scoped3A : memref<!tpu.dma_semaphore, #tpu.memory_space<semaphore_mem>>)
      %dma_wait3A_51 = arith.constant 0 : i32
      %dma_wait3A_52 = arith.constant 0 : i32
      %dma_wait3A_53 = tpu.memref_slice %arg8[%dma_wait3A_51, %dma_wait3A_52] : memref<512x72xf32, #tpu.memory_space<vmem>> -> memref<128x72xf32, #tpu.memory_space<vmem>>
      %dma_wait3A_54 = arith.constant 0 : i32
      %dma_wait3A_55 = tpu.memref_slice %arg9[%add3A_15, %dma_wait3A_54] : memref<10240x72xf32, #tpu.memory_space<vmem_shared>> -> memref<128x72xf32, #tpu.memory_space<vmem_shared>>
      %dma_wait3A_56 = arith.constant 0 : i32
      %dma_wait3A_57 = tpu.memref_slice %arg9[%add3A_15, %dma_wait3A_56] : memref<10240x72xf32, #tpu.memory_space<vmem_shared>> -> memref<128x72xf32, #tpu.memory_space<vmem_shared>>
      %dma_wait3A_58 = arith.constant 0 : i32
      %dma_wait3A_59 = arith.constant 0 : i32
      %dma_wait3A_60 = tpu.memref_slice %arg8[%dma_wait3A_58, %dma_wait3A_59] : memref<512x72xf32, #tpu.memory_space<vmem>> -> memref<128x72xf32, #tpu.memory_space<vmem>>
      tpu.wait_dma2 semaphore(%run_scoped3A : memref<!tpu.dma_semaphore, #tpu.memory_space<semaphore_mem>>) src(%dma_wait3A_60 : memref<128x72xf32, #tpu.memory_space<vmem>>) dst(%dma_wait3A_57 : memref<128x72xf32, #tpu.memory_space<vmem_shared>>)
      tpu.yield
    }) : () -> ()
    %barrier3A = arith.constant 0 : index
    tpu.barrier barrier_id(%barrier3A)
    "tpu.region"() ({
      %run_scoped3A = tpu.sem_alloc : memref<!tpu.dma_semaphore, #tpu.memory_space<semaphore_mem>>
      %dma_start3A = arith.constant 0 : i32
      %dma_start3A_42 = arith.constant 0 : i32
      %dma_start3A_43 = tpu.memref_slice %arg3[%arg1, %dma_start3A, %dma_start3A_42] : memref<16x157x128xi32, #tpu.memory_space<hbm>> -> memref<1x157x128xi32, #tpu.memory_space<hbm>>
      %dma_start3A_44 = tpu.memref_squeeze %dma_start3A_43 : memref<1x157x128xi32, #tpu.memory_space<hbm>> -> memref<157x128xi32, #tpu.memory_space<hbm>>
      %dma_start3A_45 = arith.constant 0 : i32
      %dma_start3A_46 = arith.constant 0 : i32
      %dma_start3A_47 = tpu.memref_slice %arg3[%arg1, %dma_start3A_45, %dma_start3A_46] : memref<16x157x128xi32, #tpu.memory_space<hbm>> -> memref<1x157x128xi32, #tpu.memory_space<hbm>>
      %dma_start3A_48 = tpu.memref_squeeze %dma_start3A_47 : memref<1x157x128xi32, #tpu.memory_space<hbm>> -> memref<157x128xi32, #tpu.memory_space<hbm>>
      tpu.enqueue_dma source(%dma_start3A_48 : memref<157x128xi32, #tpu.memory_space<hbm>>) target(%arg6 : memref<157x128xi32, #tpu.memory_space<vmem>>) target_semaphore(%run_scoped3A : memref<!tpu.dma_semaphore, #tpu.memory_space<semaphore_mem>>)
      %dma_wait3A_49 = arith.constant 0 : i32
      %dma_wait3A_50 = arith.constant 0 : i32
      %dma_wait3A_51 = tpu.memref_slice %arg3[%arg1, %dma_wait3A_49, %dma_wait3A_50] : memref<16x157x128xi32, #tpu.memory_space<hbm>> -> memref<1x157x128xi32, #tpu.memory_space<hbm>>
      %dma_wait3A_52 = tpu.memref_squeeze %dma_wait3A_51 : memref<1x157x128xi32, #tpu.memory_space<hbm>> -> memref<157x128xi32, #tpu.memory_space<hbm>>
      %dma_wait3A_53 = arith.constant 0 : i32
      %dma_wait3A_54 = arith.constant 0 : i32
      %dma_wait3A_55 = tpu.memref_slice %arg3[%arg1, %dma_wait3A_53, %dma_wait3A_54] : memref<16x157x128xi32, #tpu.memory_space<hbm>> -> memref<1x157x128xi32, #tpu.memory_space<hbm>>
      %dma_wait3A_56 = tpu.memref_squeeze %dma_wait3A_55 : memref<1x157x128xi32, #tpu.memory_space<hbm>> -> memref<157x128xi32, #tpu.memory_space<hbm>>
      tpu.wait_dma2 semaphore(%run_scoped3A : memref<!tpu.dma_semaphore, #tpu.memory_space<semaphore_mem>>) src(%dma_wait3A_56 : memref<157x128xi32, #tpu.memory_space<hbm>>) dst(%arg6 : memref<157x128xi32, #tpu.memory_space<vmem>>)
      tpu.yield
    }) : () -> ()
    "tpu.region"() ({
      %run_scoped3A = tpu.sem_alloc : memref<!tpu.dma_semaphore, #tpu.memory_space<semaphore_mem>>
      %dma_start3A = arith.constant 0 : i32
      %dma_start3A_42 = arith.constant 0 : i32
      %dma_start3A_43 = tpu.memref_slice %arg4[%arg1, %dma_start3A, %dma_start3A_42] : memref<16x157x128xi32, #tpu.memory_space<hbm>> -> memref<1x157x128xi32, #tpu.memory_space<hbm>>
      %dma_start3A_44 = tpu.memref_squeeze %dma_start3A_43 : memref<1x157x128xi32, #tpu.memory_space<hbm>> -> memref<157x128xi32, #tpu.memory_space<hbm>>
      %dma_start3A_45 = arith.constant 0 : i32
      %dma_start3A_46 = arith.constant 0 : i32
      %dma_start3A_47 = tpu.memref_slice %arg4[%arg1, %dma_start3A_45, %dma_start3A_46] : memref<16x157x128xi32, #tpu.memory_space<hbm>> -> memref<1x157x128xi32, #tpu.memory_space<hbm>>
      %dma_start3A_48 = tpu.memref_squeeze %dma_start3A_47 : memref<1x157x128xi32, #tpu.memory_space<hbm>> -> memref<157x128xi32, #tpu.memory_space<hbm>>
      tpu.enqueue_dma source(%dma_start3A_48 : memref<157x128xi32, #tpu.memory_space<hbm>>) target(%arg7 : memref<157x128xi32, #tpu.memory_space<vmem>>) target_semaphore(%run_scoped3A : memref<!tpu.dma_semaphore, #tpu.memory_space<semaphore_mem>>)
      %dma_wait3A_49 = arith.constant 0 : i32
      %dma_wait3A_50 = arith.constant 0 : i32
      %dma_wait3A_51 = tpu.memref_slice %arg4[%arg1, %dma_wait3A_49, %dma_wait3A_50] : memref<16x157x128xi32, #tpu.memory_space<hbm>> -> memref<1x157x128xi32, #tpu.memory_space<hbm>>
      %dma_wait3A_52 = tpu.memref_squeeze %dma_wait3A_51 : memref<1x157x128xi32, #tpu.memory_space<hbm>> -> memref<157x128xi32, #tpu.memory_space<hbm>>
      %dma_wait3A_53 = arith.constant 0 : i32
      %dma_wait3A_54 = arith.constant 0 : i32
      %dma_wait3A_55 = tpu.memref_slice %arg4[%arg1, %dma_wait3A_53, %dma_wait3A_54] : memref<16x157x128xi32, #tpu.memory_space<hbm>> -> memref<1x157x128xi32, #tpu.memory_space<hbm>>
      %dma_wait3A_56 = tpu.memref_squeeze %dma_wait3A_55 : memref<1x157x128xi32, #tpu.memory_space<hbm>> -> memref<157x128xi32, #tpu.memory_space<hbm>>
      tpu.wait_dma2 semaphore(%run_scoped3A : memref<!tpu.dma_semaphore, #tpu.memory_space<semaphore_mem>>) src(%dma_wait3A_56 : memref<157x128xi32, #tpu.memory_space<hbm>>) dst(%arg7 : memref<157x128xi32, #tpu.memory_space<vmem>>)
      tpu.yield
    }) : () -> ()
    %scan3A_16 = arith.constant 0 : i32
    %scan3A_17 = arith.constant 0 : i32
    %scan3A_18 = arith.constant 159 : i32
    %scan3A_19 = arith.addi %scan3A_17, %scan3A_18 : i32
    %scan3A_20 = arith.constant 1 : i32
    scf.for %scan3A_42 = %scan3A_17 to %scan3A_19 step %scan3A_20  : i32 {
      %sub3A = arith.constant 2 : i32
      %sub3A_43 = arith.subi %scan3A_42, %sub3A : i32
      %ge3A = arith.constant 2 : i32
      %ge3A_44 = arith.cmpi sge, %scan3A_42, %ge3A : i32
      %convert_element_type3A = arith.extui %ge3A_44 : i1 to i32
      %cond3A = arith.constant 0 : i32
      %cond3A_45 = arith.cmpi ne, %convert_element_type3A, %cond3A : i32
      scf.if %cond3A_45 {
        %jit3A = arith.constant 4 : i32
        %eq3A = arith.constant 0 : i32
        %eq3A_50 = arith.cmpi eq, %jit3A, %eq3A : i32
        %jit3A_51 = arith.constant 1 : i32
        %select_n3A = arith.select %eq3A_50, %jit3A_51, %jit3A : i32
        %rem3A = arith.remsi %sub3A_43, %select_n3A : i32
        %ne3A = arith.constant 0 : i32
        %ne3A_52 = arith.cmpi ne, %rem3A, %ne3A : i32
        %lt3A_53 = arith.constant 0 : i32
        %lt3A_54 = arith.cmpi slt, %rem3A, %lt3A_53 : i32
        %lt3A_55 = arith.constant 0 : i32
        %lt3A_56 = arith.cmpi slt, %select_n3A, %lt3A_55 : i32
        %ne3A_57 = arith.xori %lt3A_54, %lt3A_56 : i1
        %and3A = arith.andi %ne3A_57, %ne3A_52 : i1
        %add3A_58 = arith.addi %rem3A, %select_n3A : i32
        %select_n3A_59 = arith.select %and3A, %add3A_58, %rem3A : i32
        %mul3A_60 = arith.constant 128 : i32
        %mul3A_61 = arith.muli %select_n3A_59, %mul3A_60 : i32
        %dma_wait3A_62 = arith.constant 0 : i32
        %dma_wait3A_63 = arith.constant 0 : i32
        %dma_wait3A_64 = tpu.memref_slice %arg8[%mul3A_61, %dma_wait3A_63] : memref<512x72xf32, #tpu.memory_space<vmem>> -> memref<128x72xf32, #tpu.memory_space<vmem>>
        %dma_wait3A_65 = arith.constant 0 : i32
        %dma_wait3A_66 = tpu.memref_slice %arg6[%dma_wait3A_62, %dma_wait3A_65] : memref<157x128xi32, #tpu.memory_space<vmem>> -> memref<1x128xi32, #tpu.memory_space<vmem>>
        %dma_wait3A_67 = tpu.memref_squeeze %dma_wait3A_66 : memref<1x128xi32, #tpu.memory_space<vmem>> -> memref<128xi32, #tpu.memory_space<vmem>>
        %dma_wait3A_68 = arith.constant 0 : i32
        %dma_wait3A_69 = arith.constant 0 : i32
        %dma_wait3A_70 = tpu.memref_slice %arg2[%arg0, %dma_wait3A_68, %dma_wait3A_69] : memref<2x10000x72xf32, #tpu.memory_space<hbm>> -> memref<1x10000x72xf32, #tpu.memory_space<hbm>>
        %dma_wait3A_71 = tpu.memref_squeeze %dma_wait3A_70 : memref<1x10000x72xf32, #tpu.memory_space<hbm>> -> memref<10000x72xf32, #tpu.memory_space<hbm>>
        %dma_wait3A_72 = arith.constant 0 : i32
        %dma_wait3A_73 = arith.constant 0 : i32
        %dma_wait3A_74 = tpu.memref_slice %dma_wait3A_71[%dma_wait3A_72, %dma_wait3A_73] : memref<10000x72xf32, #tpu.memory_space<hbm>> -> memref<10000x72xf32, #tpu.memory_space<hbm>>
        tpu.wait_indirect_dma semaphore(%arg10 : memref<!tpu.dma_semaphore, #tpu.memory_space<semaphore_mem>>) src(%dma_wait3A_74 : memref<10000x72xf32, #tpu.memory_space<hbm>>) dst(%dma_wait3A_64 : memref<128x72xf32, #tpu.memory_space<vmem>>)
        %ge3A_75 = arith.constant 2 : i32
        %ge3A_76 = arith.cmpi sge, %sub3A_43, %ge3A_75 : i32
        %convert_element_type3A_77 = arith.extui %ge3A_76 : i1 to i32
        %cond3A_78 = arith.constant 0 : i32
        %cond3A_79 = arith.cmpi ne, %convert_element_type3A_77, %cond3A_78 : i32
        scf.if %cond3A_79 {
          %dma_wait3A_105 = arith.constant 0 : i32
          %dma_wait3A_106 = arith.constant 0 : i32
          %dma_wait3A_107 = arith.constant 0 : i32
          %dma_wait3A_108 = tpu.memref_slice %arg8[%dma_wait3A_106, %dma_wait3A_107] : memref<512x72xf32, #tpu.memory_space<vmem>> -> memref<128x72xf32, #tpu.memory_space<vmem>>
          %dma_wait3A_109 = arith.constant 0 : i32
          %dma_wait3A_110 = tpu.memref_slice %arg7[%dma_wait3A_105, %dma_wait3A_109] : memref<157x128xi32, #tpu.memory_space<vmem>> -> memref<1x128xi32, #tpu.memory_space<vmem>>
          %dma_wait3A_111 = tpu.memref_squeeze %dma_wait3A_110 : memref<1x128xi32, #tpu.memory_space<vmem>> -> memref<128xi32, #tpu.memory_space<vmem>>
          %dma_wait3A_112 = arith.constant 0 : i32
          %dma_wait3A_113 = arith.constant 0 : i32
          %dma_wait3A_114 = tpu.memref_slice %arg9[%dma_wait3A_112, %dma_wait3A_113] : memref<10240x72xf32, #tpu.memory_space<vmem_shared>> -> memref<10240x72xf32, #tpu.memory_space<vmem_shared>>
          tpu.wait_indirect_dma semaphore(%arg11 : memref<!tpu.dma_semaphore, #tpu.memory_space<semaphore_mem>>) src(%dma_wait3A_108 : memref<128x72xf32, #tpu.memory_space<vmem>>) dst(%dma_wait3A_114 : memref<10240x72xf32, #tpu.memory_space<vmem_shared>>)
        } else {
        }
        %jit3A_80 = arith.constant 4 : i32
        %eq3A_81 = arith.constant 0 : i32
        %eq3A_82 = arith.cmpi eq, %jit3A_80, %eq3A_81 : i32
        %jit3A_83 = arith.constant 1 : i32
        %select_n3A_84 = arith.select %eq3A_82, %jit3A_83, %jit3A_80 : i32
        %rem3A_85 = arith.remsi %sub3A_43, %select_n3A_84 : i32
        %ne3A_86 = arith.constant 0 : i32
        %ne3A_87 = arith.cmpi ne, %rem3A_85, %ne3A_86 : i32
        %lt3A_88 = arith.constant 0 : i32
        %lt3A_89 = arith.cmpi slt, %rem3A_85, %lt3A_88 : i32
        %lt3A_90 = arith.constant 0 : i32
        %lt3A_91 = arith.cmpi slt, %select_n3A_84, %lt3A_90 : i32
        %ne3A_92 = arith.xori %lt3A_89, %lt3A_91 : i1
        %and3A_93 = arith.andi %ne3A_92, %ne3A_87 : i1
        %add3A_94 = arith.addi %rem3A_85, %select_n3A_84 : i32
        %select_n3A_95 = arith.select %and3A_93, %add3A_94, %rem3A_85 : i32
        %mul3A_96 = arith.constant 128 : i32
        %mul3A_97 = arith.muli %select_n3A_95, %mul3A_96 : i32
        %dma_start3A = arith.constant 0 : i32
        %dma_start3A_98 = tpu.memref_slice %arg8[%mul3A_97, %dma_start3A] : memref<512x72xf32, #tpu.memory_space<vmem>> -> memref<128x72xf32, #tpu.memory_space<vmem>>
        %dma_start3A_99 = arith.constant 0 : i32
        %dma_start3A_100 = tpu.memref_slice %arg7[%sub3A_43, %dma_start3A_99] : memref<157x128xi32, #tpu.memory_space<vmem>> -> memref<1x128xi32, #tpu.memory_space<vmem>>
        %dma_start3A_101 = tpu.memref_squeeze %dma_start3A_100 : memref<1x128xi32, #tpu.memory_space<vmem>> -> memref<128xi32, #tpu.memory_space<vmem>>
        %dma_start3A_102 = arith.constant 0 : i32
        %dma_start3A_103 = arith.constant 0 : i32
        %dma_start3A_104 = tpu.memref_slice %arg9[%dma_start3A_102, %dma_start3A_103] : memref<10240x72xf32, #tpu.memory_space<vmem_shared>> -> memref<10240x72xf32, #tpu.memory_space<vmem_shared>>
        tpu.enqueue_indirect_dma source(%dma_start3A_98 : memref<128x72xf32, #tpu.memory_space<vmem>>) target(%dma_start3A_104 : memref<10240x72xf32, #tpu.memory_space<vmem_shared>>) offsets(%dma_start3A_101 : memref<128xi32, #tpu.memory_space<vmem>>) semaphore(%arg11 : memref<!tpu.dma_semaphore, #tpu.memory_space<semaphore_mem>>) {add = true}
      } else {
      }
      %lt3A = arith.constant 157 : i32
      %lt3A_46 = arith.cmpi slt, %scan3A_42, %lt3A : i32
      %convert_element_type3A_47 = arith.extui %lt3A_46 : i1 to i32
      %cond3A_48 = arith.constant 0 : i32
      %cond3A_49 = arith.cmpi ne, %convert_element_type3A_47, %cond3A_48 : i32
      scf.if %cond3A_49 {
        %jit3A = arith.constant 4 : i32
        %eq3A = arith.constant 0 : i32
        %eq3A_50 = arith.cmpi eq, %jit3A, %eq3A : i32
        %jit3A_51 = arith.constant 1 : i32
        %select_n3A = arith.select %eq3A_50, %jit3A_51, %jit3A : i32
        %rem3A = arith.remsi %scan3A_42, %select_n3A : i32
        %ne3A = arith.constant 0 : i32
        %ne3A_52 = arith.cmpi ne, %rem3A, %ne3A : i32
        %lt3A_53 = arith.constant 0 : i32
        %lt3A_54 = arith.cmpi slt, %rem3A, %lt3A_53 : i32
        %lt3A_55 = arith.constant 0 : i32
        %lt3A_56 = arith.cmpi slt, %select_n3A, %lt3A_55 : i32
        %ne3A_57 = arith.xori %lt3A_54, %lt3A_56 : i1
        %and3A = arith.andi %ne3A_57, %ne3A_52 : i1
        %add3A_58 = arith.addi %rem3A, %select_n3A : i32
        %select_n3A_59 = arith.select %and3A, %add3A_58, %rem3A : i32
        %mul3A_60 = arith.constant 128 : i32
        %mul3A_61 = arith.muli %select_n3A_59, %mul3A_60 : i32
        %dma_start3A = arith.constant 0 : i32
        %dma_start3A_62 = tpu.memref_slice %arg8[%mul3A_61, %dma_start3A] : memref<512x72xf32, #tpu.memory_space<vmem>> -> memref<128x72xf32, #tpu.memory_space<vmem>>
        %dma_start3A_63 = arith.constant 0 : i32
        %dma_start3A_64 = tpu.memref_slice %arg6[%scan3A_42, %dma_start3A_63] : memref<157x128xi32, #tpu.memory_space<vmem>> -> memref<1x128xi32, #tpu.memory_space<vmem>>
        %dma_start3A_65 = tpu.memref_squeeze %dma_start3A_64 : memref<1x128xi32, #tpu.memory_space<vmem>> -> memref<128xi32, #tpu.memory_space<vmem>>
        %dma_start3A_66 = arith.constant 0 : i32
        %dma_start3A_67 = arith.constant 0 : i32
        %dma_start3A_68 = tpu.memref_slice %arg2[%arg0, %dma_start3A_66, %dma_start3A_67] : memref<2x10000x72xf32, #tpu.memory_space<hbm>> -> memref<1x10000x72xf32, #tpu.memory_space<hbm>>
        %dma_start3A_69 = tpu.memref_squeeze %dma_start3A_68 : memref<1x10000x72xf32, #tpu.memory_space<hbm>> -> memref<10000x72xf32, #tpu.memory_space<hbm>>
        %dma_start3A_70 = arith.constant 0 : i32
        %dma_start3A_71 = arith.constant 0 : i32
        %dma_start3A_72 = tpu.memref_slice %dma_start3A_69[%dma_start3A_70, %dma_start3A_71] : memref<10000x72xf32, #tpu.memory_space<hbm>> -> memref<10000x72xf32, #tpu.memory_space<hbm>>
        tpu.enqueue_indirect_dma source(%dma_start3A_72 : memref<10000x72xf32, #tpu.memory_space<hbm>>) target(%dma_start3A_62 : memref<128x72xf32, #tpu.memory_space<vmem>>) offsets(%dma_start3A_65 : memref<128xi32, #tpu.memory_space<vmem>>) semaphore(%arg10 : memref<!tpu.dma_semaphore, #tpu.memory_space<semaphore_mem>>)
      } else {
      }
    }
    %scan3A_21 = arith.constant 159 : i32
    %dma_wait3A = arith.constant 0 : i32
    %dma_wait3A_22 = arith.constant 0 : i32
    %dma_wait3A_23 = arith.constant 0 : i32
    %dma_wait3A_24 = tpu.memref_slice %arg8[%dma_wait3A_22, %dma_wait3A_23] : memref<512x72xf32, #tpu.memory_space<vmem>> -> memref<128x72xf32, #tpu.memory_space<vmem>>
    %dma_wait3A_25 = arith.constant 0 : i32
    %dma_wait3A_26 = tpu.memref_slice %arg7[%dma_wait3A, %dma_wait3A_25] : memref<157x128xi32, #tpu.memory_space<vmem>> -> memref<1x128xi32, #tpu.memory_space<vmem>>
    %dma_wait3A_27 = tpu.memref_squeeze %dma_wait3A_26 : memref<1x128xi32, #tpu.memory_space<vmem>> -> memref<128xi32, #tpu.memory_space<vmem>>
    %dma_wait3A_28 = arith.constant 0 : i32
    %dma_wait3A_29 = arith.constant 0 : i32
    %dma_wait3A_30 = tpu.memref_slice %arg9[%dma_wait3A_28, %dma_wait3A_29] : memref<10240x72xf32, #tpu.memory_space<vmem_shared>> -> memref<10240x72xf32, #tpu.memory_space<vmem_shared>>
    tpu.wait_indirect_dma semaphore(%arg11 : memref<!tpu.dma_semaphore, #tpu.memory_space<semaphore_mem>>) src(%dma_wait3A_24 : memref<128x72xf32, #tpu.memory_space<vmem>>) dst(%dma_wait3A_30 : memref<10240x72xf32, #tpu.memory_space<vmem_shared>>)
    %dma_wait3A_31 = arith.constant 0 : i32
    %dma_wait3A_32 = arith.constant 0 : i32
    %dma_wait3A_33 = arith.constant 0 : i32
    %dma_wait3A_34 = tpu.memref_slice %arg8[%dma_wait3A_32, %dma_wait3A_33] : memref<512x72xf32, #tpu.memory_space<vmem>> -> memref<128x72xf32, #tpu.memory_space<vmem>>
    %dma_wait3A_35 = arith.constant 0 : i32
    %dma_wait3A_36 = tpu.memref_slice %arg7[%dma_wait3A_31, %dma_wait3A_35] : memref<157x128xi32, #tpu.memory_space<vmem>> -> memref<1x128xi32, #tpu.memory_space<vmem>>
    %dma_wait3A_37 = tpu.memref_squeeze %dma_wait3A_36 : memref<1x128xi32, #tpu.memory_space<vmem>> -> memref<128xi32, #tpu.memory_space<vmem>>
    %dma_wait3A_38 = arith.constant 0 : i32
    %dma_wait3A_39 = arith.constant 0 : i32
    %dma_wait3A_40 = tpu.memref_slice %arg9[%dma_wait3A_38, %dma_wait3A_39] : memref<10240x72xf32, #tpu.memory_space<vmem_shared>> -> memref<10240x72xf32, #tpu.memory_space<vmem_shared>>
    tpu.wait_indirect_dma semaphore(%arg11 : memref<!tpu.dma_semaphore, #tpu.memory_space<semaphore_mem>>) src(%dma_wait3A_34 : memref<128x72xf32, #tpu.memory_space<vmem>>) dst(%dma_wait3A_40 : memref<10240x72xf32, #tpu.memory_space<vmem_shared>>)
    %barrier3A_41 = arith.constant 0 : index
    tpu.barrier barrier_id(%barrier3A_41)
    "tpu.region"() ({
      %run_scoped3A = tpu.sem_alloc : memref<!tpu.dma_semaphore, #tpu.memory_space<semaphore_mem>>
      %dma_start3A = arith.constant 0 : i32
      %dma_start3A_42 = tpu.memref_slice %arg5[%arg0, %mul3A_0, %dma_start3A] : memref<2x10240x72xf32, #tpu.memory_space<hbm>> -> memref<1x640x72xf32, #tpu.memory_space<hbm>>
      %dma_start3A_43 = tpu.memref_squeeze %dma_start3A_42 : memref<1x640x72xf32, #tpu.memory_space<hbm>> -> memref<640x72xf32, #tpu.memory_space<hbm>>
      %dma_start3A_44 = arith.constant 0 : i32
      %dma_start3A_45 = tpu.memref_slice %arg9[%mul3A_0, %dma_start3A_44] : memref<10240x72xf32, #tpu.memory_space<vmem_shared>> -> memref<640x72xf32, #tpu.memory_space<vmem_shared>>
      tpu.enqueue_dma source(%dma_start3A_45 : memref<640x72xf32, #tpu.memory_space<vmem_shared>>) target(%dma_start3A_43 : memref<640x72xf32, #tpu.memory_space<hbm>>) target_semaphore(%run_scoped3A : memref<!tpu.dma_semaphore, #tpu.memory_space<semaphore_mem>>)
      %dma_wait3A_46 = arith.constant 0 : i32
      %dma_wait3A_47 = tpu.memref_slice %arg5[%arg0, %mul3A_0, %dma_wait3A_46] : memref<2x10240x72xf32, #tpu.memory_space<hbm>> -> memref<1x640x72xf32, #tpu.memory_space<hbm>>
      %dma_wait3A_48 = tpu.memref_squeeze %dma_wait3A_47 : memref<1x640x72xf32, #tpu.memory_space<hbm>> -> memref<640x72xf32, #tpu.memory_space<hbm>>
      %dma_wait3A_49 = arith.constant 0 : i32
      %dma_wait3A_50 = tpu.memref_slice %arg9[%mul3A_0, %dma_wait3A_49] : memref<10240x72xf32, #tpu.memory_space<vmem_shared>> -> memref<640x72xf32, #tpu.memory_space<vmem_shared>>
      tpu.wait_dma2 semaphore(%run_scoped3A : memref<!tpu.dma_semaphore, #tpu.memory_space<semaphore_mem>>) src(%dma_wait3A_50 : memref<640x72xf32, #tpu.memory_space<vmem_shared>>) dst(%dma_wait3A_48 : memref<640x72xf32, #tpu.memory_space<hbm>>)
      tpu.yield
    }) : () -> ()
    return
  }
}

module attributes {stable_mosaic.version = 14 : i64} {
  func.func @_lambda_(%arg0: i32, %arg1: memref<2x1000x72xf32, #tpu.memory_space<vmem>>, %arg2: memref<1000x128xf32, #tpu.memory_space<vmem>>, %arg3: memref<128x128xf32, #tpu.memory_space<vmem>>, %arg4: memref<128x128xf32, #tpu.memory_space<vmem>>, %arg5: memref<1x128xf32, #tpu.memory_space<vmem>>, %arg6: memref<64x128xf32, #tpu.memory_space<vmem>>, %arg7: memref<64x128xf32, #tpu.memory_space<vmem>>, %arg8: memref<1x64xf32, #tpu.memory_space<vmem>>, %arg9: memref<2x1000x32xf32, #tpu.memory_space<vmem>>, %arg10: memref<1000x64xf32, #tpu.memory_space<vmem>>, %arg11: memref<1000x1xf32, #tpu.memory_space<vmem>>) attributes {dimension_semantics = [#tpu.dimension_semantics<arbitrary>], iteration_bounds = array<i64: 10>, scalar_prefetch = 0 : i64, scratch_operands = 0 : i64, tpu.core_type = #tpu.core_type<tc>, window_params = [{transform_indices = @transform_0, window_bounds = array<i64: 2, 1000, 72>}, {transform_indices = @transform_1, window_bounds = array<i64: 1000, 128>}, {pipeline_mode = #tpu.pipeline_mode<synchronous>, transform_indices = @transform_2, window_bounds = array<i64: 128, 128>}, {pipeline_mode = #tpu.pipeline_mode<synchronous>, transform_indices = @transform_3, window_bounds = array<i64: 128, 128>}, {pipeline_mode = #tpu.pipeline_mode<synchronous>, transform_indices = @transform_4, window_bounds = array<i64: 1, 128>}, {pipeline_mode = #tpu.pipeline_mode<synchronous>, transform_indices = @transform_5, window_bounds = array<i64: 64, 128>}, {pipeline_mode = #tpu.pipeline_mode<synchronous>, transform_indices = @transform_6, window_bounds = array<i64: 64, 128>}, {pipeline_mode = #tpu.pipeline_mode<synchronous>, transform_indices = @transform_7, window_bounds = array<i64: 1, 64>}, {transform_indices = @transform_8, window_bounds = array<i64: 2, 1000, 32>}, {transform_indices = @transform_9, window_bounds = array<i64: 1000, 64>}, {transform_indices = @transform_10, window_bounds = array<i64: 1000, 1>}]} {
    %get3A = arith.constant 0 : index
    %get3A_0 = arith.constant 0 : index
    %get3A_1 = arith.constant 0 : index
    %get3A_2 = vector.load %arg1[%get3A, %get3A_0, %get3A_1] : memref<2x1000x72xf32, #tpu.memory_space<vmem>>, vector<2x1000x72xf32>
    %get3A_3 = arith.constant 0 : index
    %get3A_4 = arith.constant 0 : index
    %get3A_5 = vector.load %arg3[%get3A_3, %get3A_4] : memref<128x128xf32, #tpu.memory_space<vmem>>, vector<128x128xf32>
    %slice3A = vector.extract_strided_slice %get3A_2 {offsets = [0, 0, 0], sizes = [1, 1000, 72], strides = [1, 1, 1]} : vector<2x1000x72xf32> to vector<1x1000x72xf32>
    %squeeze3A = vector.shape_cast %slice3A : vector<1x1000x72xf32> to vector<1000x72xf32>
    %slice3A_6 = vector.extract_strided_slice %get3A_2 {offsets = [1, 0, 0], sizes = [1, 1000, 72], strides = [1, 1, 1]} : vector<2x1000x72xf32> to vector<1x1000x72xf32>
    %squeeze3A_7 = vector.shape_cast %slice3A_6 : vector<1x1000x72xf32> to vector<1000x72xf32>
    %slice3A_8 = vector.extract_strided_slice %squeeze3A_7 {offsets = [0, 56], sizes = [1000, 1], strides = [1, 1]} : vector<1000x72xf32> to vector<1000x1xf32>
    %squeeze3A_9 = vector.shape_cast %slice3A_8 : vector<1000x1xf32> to vector<1000xf32>
    %max3A = arith.constant 1.000000e+00 : f32
    %max3A_10 = vector.broadcast %max3A : f32 to vector<1000xf32>
    %max3A_11 = arith.maximumf %squeeze3A_9, %max3A_10 : vector<1000xf32>
    %div3A = arith.constant 1.000000e+00 : f32
    %div3A_12 = vector.broadcast %div3A : f32 to vector<1000xf32>
    %div3A_13 = arith.divf %div3A_12, %max3A_11 : vector<1000xf32>
    %broadcast_in_dim3A = vector.shape_cast %div3A_13 : vector<1000xf32> to vector<1000x1xf32>
    %mul3A = vector.broadcast %broadcast_in_dim3A : vector<1000x1xf32> to vector<1000x72xf32>
    %mul3A_14 = arith.mulf %squeeze3A, %mul3A : vector<1000x72xf32>
    %slice3A_15 = vector.extract_strided_slice %squeeze3A_7 {offsets = [0, 0], sizes = [1000, 56], strides = [1, 1]} : vector<1000x72xf32> to vector<1000x56xf32>
    %broadcast_in_dim3A_16 = vector.shape_cast %div3A_13 : vector<1000xf32> to vector<1000x1xf32>
    %mul3A_17 = vector.broadcast %broadcast_in_dim3A_16 : vector<1000x1xf32> to vector<1000x56xf32>
    %mul3A_18 = arith.mulf %slice3A_15, %mul3A_17 : vector<1000x56xf32>
    %slice3A_19 = vector.extract_strided_slice %get3A_5 {offsets = [0, 0], sizes = [128, 72], strides = [1, 1]} : vector<128x128xf32> to vector<128x72xf32>
    %dot_general3A = arith.constant dense<0.000000e+00> : vector<1000x128xf32>
    %dot_general3A_20 = tpu.matmul %mul3A_14, %slice3A_19, %dot_general3A {dimension_numbers = #tpu.dot_dimension_numbers<[1], [1], [0], [0], [0, 0, 1, 0], [], []>, transpose_lhs_hint = false} : vector<1000x72xf32>, vector<128x72xf32>, vector<1000x128xf32> -> vector<1000x128xf32>
    %slice3A_21 = vector.extract_strided_slice %get3A_5 {offsets = [0, 72], sizes = [128, 56], strides = [1, 1]} : vector<128x128xf32> to vector<128x56xf32>
    %dot_general3A_22 = arith.constant dense<0.000000e+00> : vector<1000x128xf32>
    %dot_general3A_23 = tpu.matmul %mul3A_18, %slice3A_21, %dot_general3A_22 {dimension_numbers = #tpu.dot_dimension_numbers<[1], [1], [0], [0], [0, 0, 1, 0], [], []>, transpose_lhs_hint = false} : vector<1000x56xf32>, vector<128x56xf32>, vector<1000x128xf32> -> vector<1000x128xf32>
    %add3A = arith.addf %dot_general3A_20, %dot_general3A_23 : vector<1000x128xf32>
    %get3A_24 = arith.constant 0 : index
    %get3A_25 = arith.constant 0 : index
    %get3A_26 = vector.load %arg2[%get3A_24, %get3A_25] : memref<1000x128xf32, #tpu.memory_space<vmem>>, vector<1000x128xf32>
    %get3A_27 = arith.constant 0 : index
    %get3A_28 = arith.constant 0 : index
    %get3A_29 = vector.load %arg4[%get3A_27, %get3A_28] : memref<128x128xf32, #tpu.memory_space<vmem>>, vector<128x128xf32>
    %dot_general3A_30 = arith.constant dense<0.000000e+00> : vector<1000x128xf32>
    %dot_general3A_31 = tpu.matmul %get3A_26, %get3A_29, %dot_general3A_30 {dimension_numbers = #tpu.dot_dimension_numbers<[1], [1], [0], [0], [0, 0, 1, 0], [], []>, transpose_lhs_hint = false} : vector<1000x128xf32>, vector<128x128xf32>, vector<1000x128xf32> -> vector<1000x128xf32>
    %add3A_32 = arith.addf %add3A, %dot_general3A_31 : vector<1000x128xf32>
    %get3A_33 = arith.constant 0 : index
    %get3A_34 = arith.constant 0 : index
    %get3A_35 = vector.load %arg5[%get3A_33, %get3A_34] : memref<1x128xf32, #tpu.memory_space<vmem>>, vector<1x128xf32>
    %add3A_36 = vector.broadcast %get3A_35 : vector<1x128xf32> to vector<1000x128xf32>
    %add3A_37 = arith.addf %add3A_32, %add3A_36 : vector<1000x128xf32>
    %max3A_38 = arith.constant 0.000000e+00 : f32
    %max3A_39 = vector.broadcast %max3A_38 : f32 to vector<1000x128xf32>
    %max3A_40 = arith.maximumf %add3A_37, %max3A_39 : vector<1000x128xf32>
    %get3A_41 = arith.constant 0 : index
    %get3A_42 = arith.constant 0 : index
    %get3A_43 = vector.load %arg6[%get3A_41, %get3A_42] : memref<64x128xf32, #tpu.memory_space<vmem>>, vector<64x128xf32>
    %slice3A_44 = vector.extract_strided_slice %get3A_43 {offsets = [0, 0], sizes = [32, 128], strides = [1, 1]} : vector<64x128xf32> to vector<32x128xf32>
    %dot_general3A_45 = arith.constant dense<0.000000e+00> : vector<1000x32xf32>
    %dot_general3A_46 = tpu.matmul %max3A_40, %slice3A_44, %dot_general3A_45 {dimension_numbers = #tpu.dot_dimension_numbers<[1], [1], [0], [0], [0, 0, 1, 0], [], []>, transpose_lhs_hint = false} : vector<1000x128xf32>, vector<32x128xf32>, vector<1000x32xf32> -> vector<1000x32xf32>
    %swap3A = arith.constant 0 : index
    %swap3A_47 = arith.constant 0 : index
    %swap3A_48 = arith.constant 0 : index
    %swap3A_49 = vector.load %arg9[%swap3A, %swap3A_47, %swap3A_48] : memref<2x1000x32xf32, #tpu.memory_space<vmem>>, vector<1x1000x32xf32>
    %swap3A_50 = vector.shape_cast %swap3A_49 : vector<1x1000x32xf32> to vector<1000x32xf32>
    %swap3A_51 = vector.shape_cast %dot_general3A_46 : vector<1000x32xf32> to vector<1x1000x32xf32>
    tpu.vector_store %arg9[%swap3A, %swap3A_47, %swap3A_48], %swap3A_51 {strides = array<i32>} : memref<2x1000x32xf32, #tpu.memory_space<vmem>>, vector<1x1000x32xf32>,
    %slice3A_52 = vector.extract_strided_slice %get3A_43 {offsets = [32, 0], sizes = [32, 128], strides = [1, 1]} : vector<64x128xf32> to vector<32x128xf32>
    %dot_general3A_53 = arith.constant dense<0.000000e+00> : vector<1000x32xf32>
    %dot_general3A_54 = tpu.matmul %max3A_40, %slice3A_52, %dot_general3A_53 {dimension_numbers = #tpu.dot_dimension_numbers<[1], [1], [0], [0], [0, 0, 1, 0], [], []>, transpose_lhs_hint = false} : vector<1000x128xf32>, vector<32x128xf32>, vector<1000x32xf32> -> vector<1000x32xf32>
    %swap3A_55 = arith.constant 1 : index
    %swap3A_56 = arith.constant 0 : index
    %swap3A_57 = arith.constant 0 : index
    %swap3A_58 = vector.load %arg9[%swap3A_55, %swap3A_56, %swap3A_57] : memref<2x1000x32xf32, #tpu.memory_space<vmem>>, vector<1x1000x32xf32>
    %swap3A_59 = vector.shape_cast %swap3A_58 : vector<1x1000x32xf32> to vector<1000x32xf32>
    %swap3A_60 = vector.shape_cast %dot_general3A_54 : vector<1000x32xf32> to vector<1x1000x32xf32>
    tpu.vector_store %arg9[%swap3A_55, %swap3A_56, %swap3A_57], %swap3A_60 {strides = array<i32>} : memref<2x1000x32xf32, #tpu.memory_space<vmem>>, vector<1x1000x32xf32>,
    %get3A_61 = arith.constant 0 : index
    %get3A_62 = arith.constant 0 : index
    %get3A_63 = vector.load %arg7[%get3A_61, %get3A_62] : memref<64x128xf32, #tpu.memory_space<vmem>>, vector<64x128xf32>
    %dot_general3A_64 = arith.constant dense<0.000000e+00> : vector<1000x64xf32>
    %dot_general3A_65 = tpu.matmul %max3A_40, %get3A_63, %dot_general3A_64 {dimension_numbers = #tpu.dot_dimension_numbers<[1], [1], [0], [0], [0, 0, 1, 0], [], []>, transpose_lhs_hint = false} : vector<1000x128xf32>, vector<64x128xf32>, vector<1000x64xf32> -> vector<1000x64xf32>
    %get3A_66 = arith.constant 0 : index
    %get3A_67 = arith.constant 0 : index
    %get3A_68 = vector.load %arg8[%get3A_66, %get3A_67] : memref<1x64xf32, #tpu.memory_space<vmem>>, vector<1x64xf32>
    %add3A_69 = vector.broadcast %get3A_68 : vector<1x64xf32> to vector<1000x64xf32>
    %add3A_70 = arith.addf %dot_general3A_65, %add3A_69 : vector<1000x64xf32>
    %swap3A_71 = arith.constant 0 : index
    %swap3A_72 = arith.constant 0 : index
    %swap3A_73 = vector.load %arg10[%swap3A_71, %swap3A_72] : memref<1000x64xf32, #tpu.memory_space<vmem>>, vector<1000x64xf32>
    tpu.vector_store %arg10[%swap3A_71, %swap3A_72], %add3A_70 {strides = array<i32>} : memref<1000x64xf32, #tpu.memory_space<vmem>>, vector<1000x64xf32>,
    %broadcast_in_dim3A_74 = vector.shape_cast %div3A_13 : vector<1000xf32> to vector<1000x1xf32>
    %swap3A_75 = arith.constant 0 : index
    %swap3A_76 = arith.constant 0 : index
    %swap3A_77 = vector.load %arg11[%swap3A_75, %swap3A_76] : memref<1000x1xf32, #tpu.memory_space<vmem>>, vector<1000x1xf32>
    tpu.vector_store %arg11[%swap3A_75, %swap3A_76], %broadcast_in_dim3A_74 {strides = array<i32>} : memref<1000x1xf32, #tpu.memory_space<vmem>>, vector<1000x1xf32>,
    return
  }
  func.func @transform_0(%arg0: i32) -> (i32, i32, i32) {
    %c0_i32 = arith.constant 0 : i32
    %c0_i32_0 = arith.constant 0 : i32
    %c0_i32_1 = arith.constant 0 : i32
    return %c0_i32, %arg0, %c0_i32_0 : i32, i32, i32
  }
  func.func @transform_1(%arg0: i32) -> (i32, i32) {
    %c0_i32 = arith.constant 0 : i32
    %c0_i32_0 = arith.constant 0 : i32
    return %arg0, %c0_i32 : i32, i32
  }
  func.func @transform_2(%arg0: i32) -> (i32, i32) {
    %c0_i32 = arith.constant 0 : i32
    %c0_i32_0 = arith.constant 0 : i32
    %c0_i32_1 = arith.constant 0 : i32
    return %c0_i32, %c0_i32_0 : i32, i32
  }
  func.func @transform_3(%arg0: i32) -> (i32, i32) {
    %c0_i32 = arith.constant 0 : i32
    %c0_i32_0 = arith.constant 0 : i32
    %c0_i32_1 = arith.constant 0 : i32
    return %c0_i32, %c0_i32_0 : i32, i32
  }
  func.func @transform_4(%arg0: i32) -> (i32, i32) {
    %c0_i32 = arith.constant 0 : i32
    %c0_i32_0 = arith.constant 0 : i32
    %c0_i32_1 = arith.constant 0 : i32
    return %c0_i32, %c0_i32_0 : i32, i32
  }
  func.func @transform_5(%arg0: i32) -> (i32, i32) {
    %c0_i32 = arith.constant 0 : i32
    %c0_i32_0 = arith.constant 0 : i32
    %c0_i32_1 = arith.constant 0 : i32
    return %c0_i32, %c0_i32_0 : i32, i32
  }
  func.func @transform_6(%arg0: i32) -> (i32, i32) {
    %c0_i32 = arith.constant 0 : i32
    %c0_i32_0 = arith.constant 0 : i32
    %c0_i32_1 = arith.constant 0 : i32
    return %c0_i32, %c0_i32_0 : i32, i32
  }
  func.func @transform_7(%arg0: i32) -> (i32, i32) {
    %c0_i32 = arith.constant 0 : i32
    %c0_i32_0 = arith.constant 0 : i32
    %c0_i32_1 = arith.constant 0 : i32
    return %c0_i32, %c0_i32_0 : i32, i32
  }
  func.func @transform_8(%arg0: i32) -> (i32, i32, i32) {
    %c0_i32 = arith.constant 0 : i32
    %c0_i32_0 = arith.constant 0 : i32
    %c0_i32_1 = arith.constant 0 : i32
    return %c0_i32, %arg0, %c0_i32_0 : i32, i32, i32
  }
  func.func @transform_9(%arg0: i32) -> (i32, i32) {
    %c0_i32 = arith.constant 0 : i32
    %c0_i32_0 = arith.constant 0 : i32
    return %arg0, %c0_i32 : i32, i32
  }
  func.func @transform_10(%arg0: i32) -> (i32, i32) {
    %c0_i32 = arith.constant 0 : i32
    %c0_i32_0 = arith.constant 0 : i32
    return %arg0, %c0_i32 : i32, i32
  }
}

module attributes {stable_mosaic.version = 14 : i64} {
  func.func @_lambda_(%arg0: i32, %arg1: memref<2x1000x32xf32, #tpu.memory_space<vmem>>, %arg2: memref<1000x1xf32, #tpu.memory_space<vmem>>, %arg3: memref<1000x64xf32, #tpu.memory_space<vmem>>, %arg4: memref<1000x64xf32, #tpu.memory_space<vmem>>) attributes {dimension_semantics = [#tpu.dimension_semantics<arbitrary>], iteration_bounds = array<i64: 10>, scalar_prefetch = 0 : i64, scratch_operands = 0 : i64, tpu.core_type = #tpu.core_type<tc>, window_params = [{transform_indices = @transform_0, window_bounds = array<i64: 2, 1000, 32>}, {transform_indices = @transform_1, window_bounds = array<i64: 1000, 1>}, {transform_indices = @transform_2, window_bounds = array<i64: 1000, 64>}, {transform_indices = @transform_3, window_bounds = array<i64: 1000, 64>}]} {
    %get3A = arith.constant 0 : index
    %get3A_0 = arith.constant 0 : index
    %get3A_1 = arith.constant 0 : index
    %get3A_2 = vector.load %arg1[%get3A, %get3A_0, %get3A_1] : memref<2x1000x32xf32, #tpu.memory_space<vmem>>, vector<2x1000x32xf32>
    %get3A_3 = arith.constant 0 : index
    %get3A_4 = arith.constant 0 : index
    %get3A_5 = vector.load %arg2[%get3A_3, %get3A_4] : memref<1000x1xf32, #tpu.memory_space<vmem>>, vector<1000x1xf32>
    %get3A_6 = arith.constant 0 : index
    %get3A_7 = arith.constant 0 : index
    %get3A_8 = vector.load %arg3[%get3A_6, %get3A_7] : memref<1000x64xf32, #tpu.memory_space<vmem>>, vector<1000x64xf32>
    %slice3A = vector.extract_strided_slice %get3A_2 {offsets = [0, 0, 0], sizes = [1, 1000, 32], strides = [1, 1, 1]} : vector<2x1000x32xf32> to vector<1x1000x32xf32>
    %squeeze3A = vector.shape_cast %slice3A : vector<1x1000x32xf32> to vector<1000x32xf32>
    %mul3A = vector.broadcast %get3A_5 : vector<1000x1xf32> to vector<1000x32xf32>
    %mul3A_9 = arith.mulf %squeeze3A, %mul3A : vector<1000x32xf32>
    %slice3A_10 = vector.extract_strided_slice %get3A_8 {offsets = [0, 0], sizes = [1000, 32], strides = [1, 1]} : vector<1000x64xf32> to vector<1000x32xf32>
    %add3A = arith.addf %mul3A_9, %slice3A_10 : vector<1000x32xf32>
    %swap3A = arith.constant 0 : index
    %swap3A_11 = arith.constant 0 : index
    %swap3A_12 = vector.load %arg4[%swap3A, %swap3A_11] : memref<1000x64xf32, #tpu.memory_space<vmem>>, vector<1000x32xf32>
    tpu.vector_store %arg4[%swap3A, %swap3A_11], %add3A {strides = array<i32>} : memref<1000x64xf32, #tpu.memory_space<vmem>>, vector<1000x32xf32>,
    %slice3A_13 = vector.extract_strided_slice %get3A_2 {offsets = [1, 0, 0], sizes = [1, 1000, 32], strides = [1, 1, 1]} : vector<2x1000x32xf32> to vector<1x1000x32xf32>
    %squeeze3A_14 = vector.shape_cast %slice3A_13 : vector<1x1000x32xf32> to vector<1000x32xf32>
    %mul3A_15 = vector.broadcast %get3A_5 : vector<1000x1xf32> to vector<1000x32xf32>
    %mul3A_16 = arith.mulf %squeeze3A_14, %mul3A_15 : vector<1000x32xf32>
    %slice3A_17 = vector.extract_strided_slice %get3A_8 {offsets = [0, 32], sizes = [1000, 32], strides = [1, 1]} : vector<1000x64xf32> to vector<1000x32xf32>
    %add3A_18 = arith.addf %mul3A_16, %slice3A_17 : vector<1000x32xf32>
    %swap3A_19 = arith.constant 0 : index
    %swap3A_20 = arith.constant 32 : index
    %swap3A_21 = vector.load %arg4[%swap3A_19, %swap3A_20] : memref<1000x64xf32, #tpu.memory_space<vmem>>, vector<1000x32xf32>
    tpu.vector_store %arg4[%swap3A_19, %swap3A_20], %add3A_18 {strides = array<i32>} : memref<1000x64xf32, #tpu.memory_space<vmem>>, vector<1000x32xf32>,
    return
  }
  func.func @transform_0(%arg0: i32) -> (i32, i32, i32) {
    %c0_i32 = arith.constant 0 : i32
    %c0_i32_0 = arith.constant 0 : i32
    %c0_i32_1 = arith.constant 0 : i32
    return %c0_i32, %arg0, %c0_i32_0 : i32, i32, i32
  }
  func.func @transform_1(%arg0: i32) -> (i32, i32) {
    %c0_i32 = arith.constant 0 : i32
    %c0_i32_0 = arith.constant 0 : i32
    return %arg0, %c0_i32 : i32, i32
  }
  func.func @transform_2(%arg0: i32) -> (i32, i32) {
    %c0_i32 = arith.constant 0 : i32
    %c0_i32_0 = arith.constant 0 : i32
    return %arg0, %c0_i32 : i32, i32
  }
  func.func @transform_3(%arg0: i32) -> (i32, i32) {
    %c0_i32 = arith.constant 0 : i32
    %c0_i32_0 = arith.constant 0 : i32
    return %arg0, %c0_i32 : i32, i32
  }
}

</mosaic_0001>

<sc_bundles>
// kernel: kernel.10.cloned.1.call-start
scs
__scs_entry_jumppad:
0x0: {  	(pc) =	sbr.rel $0x88, $3  }
0x1: {  	(tag) =	ssettag $0x0;
	lr =	simm.s32 $0x1  }
0x2: {  	[smem:$0x3F98] =	sst lr;
	_ =	strace $0xD0000000  }
0x3: {  	_ = 	snop  }
0x4: {  	_ = 	snop  }
0x5: {  	_ = 	snop  }
0x6: {  	_ = 	snop  }
0x7: {  	_ = 	snop  }
__scs_overlays_trampoline_lowered:
0x8: {  	[smem:$0x3FA7] =	sst s0  }
0x9: {  	[smem:$0x3FA8] =	sst s1  }
0xa: {  	[smem:$0x3FA9] =	sst s2  }
0xb: {  	[smem:$0x3FAA] =	sst s3  }
0xc: {  	[smem:$0x3FAB] =	sst s4  }
0xd: {  	[smem:$0x3FAC] =	sst s5  }
0xe: {  	[smem:$0x3FAD] =	sst s6  }
0xf: {  	[smem:$0x3FAE] =	sst s7  }
0x10: {  	[smem:$0x3FAF] =	sst s8  }
0x11: {  	[smem:$0x3FB0] =	sst s9;
	s0 =	simm.s32 @!p0 $0x0  }
0x12: {  	s1 =	sld [smem:$0x3F96];
	s0 =	simm.s32 @p0 $0x1  }
0x13: {  	[smem:$0x3FB1] =	sst s0;
	s0 =	simm.s32 @!p1 $0x0  }
0x14: {  	s2 =	sld [smem:$0x3F95];
	s0 =	simm.s32 @p1 $0x1  }
0x15: {  	[smem:$0x3FB2] =	sst s0;
	s0 =	simm.s32 @!p2 $0x0  }
0x16: {  	s3 =	sld [smem:$0x3FDB];
	s0 =	simm.s32 @p2 $0x1  }
0x17: {  	s4 =	simm.s32 $0x1BF5;
	[smem:$0x3FB4] =	sst s0  }
0x18: {  	s0 =	sld [smem:$0x3F97];
	_ =	swait.ge [sflag:s4], $0x0  }
0x19: {  	s7 =	sld [smem:$0x3F98]  }
0x1a: {  	s8 =	sadd.s32 $0xFFFFE003, lr  }
0x1b: {  	s9 =	sadd.s32 $0xFFFFFEF7, lr;
	s5 =	simm.s32 $0xFFFFFFFF;
	p2 =	slt.u32 s8, $0xFFFFF086  }
0x1c: {  	p1 =	slt.u32 s9, $0xF7A;
	s5 =	simm.s32 @!p2 $0x0  }
0x1d: {  	s5 =	simm.s32 @p1 $0x1;
	p0 =	seq.s32 s7, s2  }
0x1e: {  	s7 =	smul.u32 @!p0 $0xF7A, s2;
	p2 =	seq.s32 @!p0 s5, $0x0  }
0x1f: {  	s9 =	smul.u32 $0xF7A, s1;
	s8 =	simm.s32 @!p0 $0x1BF5;
	p2 =	por !p2, p0  }
0x20: {  	[sflag:s8] =	ssyncset.s32 @!p0 $0xFFFFF086;
	s6 =	sadd.s32 @!p0 s3, s7;
	s7 =	simm.s32 @!p0 $0x108  }
0x21: {  	s3 =	sadd.s32 s3, s9;
	s6 =	sadd.s32 @!p0 $0x88, s6;
	s7 =	simm.s32 @p2 $0x1082  }
0x22: {  	[simem:s7], [sflag:s8] =	dma.local @!p0 [hbm:s6], $0xF7A  }
0x23: {  	s9 =	sor.u32 $0xD0000000, s2;
	s6 =	simm.s32 $0x108;
	_ =	swait.ge @!p0 [sflag:s8], $0x0  }
0x24: {  	s3 =	sadd.s32 $0x88, s3;
	s6 =	simm.s32 @!p1 $0x1082;
	[sflag:s4] =	ssyncset.s32 $0xFFFFF086  }
0x25: {  	[simem:s6], [sflag:s4] =	dma.local [hbm:s3], $0xF7A  }
0x26: {  	[smem:$0x3F98] =	sst s1;
	(tag) =	ssettag s2;
	_ =	strace s9  }
0x27: {  	s1 =	sld [smem:$0x3FA8]  }
0x28: {  	s2 =	sld [smem:$0x3FA9]  }
0x29: {  	s4 =	sld [smem:$0x3FAB]  }
0x2a: {  	p0 =	seq.s32 s5, $0x0;
	s5 =	sld [smem:$0x3FAC]  }
0x2b: {  	s6 =	sld [smem:$0x3FAD]  }
0x2c: {  	s7 =	sld [smem:$0x3FAE]  }
0x2d: {  	s3 =	simm.s32 $0x108;
	s8 =	sld [smem:$0x3FAF]  }
0x2e: {  	s3 =	simm.s32 @!p0 $0x1082;
	s9 =	sld [smem:$0x3FB0]  }
0x2f: {  	lr =	sadd.s32 s0, s3;
	s0 =	sld [smem:$0x3FA7]  }
0x30: {  	s3 =	sld [smem:$0x3FAA]  }
0x31: {  	[smem:$0x3FB3] =	sst s10  }
0x32: {  	s10 =	sld [smem:$0x3FB1];
	_ =	sdelay $0x3  }
0x33: {  	p0 =	seq.s32 s10, $0x1;
	s10 =	sld [smem:$0x3FB3];
	_ =	sdelay $0x3  }
0x34: {  	[smem:$0x3FB3] =	sst s10  }
0x35: {  	s10 =	sld [smem:$0x3FB2];
	_ =	sdelay $0x3  }
0x36: {  	p1 =	seq.s32 s10, $0x1;
	s10 =	sld [smem:$0x3FB3];
	_ =	sdelay $0x3  }
0x37: {  	[smem:$0x3FB3] =	sst s10  }
0x38: {  	s10 =	sld [smem:$0x3FB4]  }
0x39: {  	_ = 	snop;
	(pc) =	sbr.ind lr, $3  }
0x3a: {  	_ = 	snop  }
0x3b: {  	_ = 	snop  }
0x3c: {  	p2 =	seq.s32 s10, $0x1;
	s10 =	sld [smem:$0x3FB3]  }
0x3d: {  	_ =	shalt  }
0x3e: {  	_ =	shalt  }
0x3f: {  	_ =	shalt  }
0x40: {  	_ =	shalt  }
0x41: {  	_ =	shalt  }
0x42: {  	_ =	shalt  }
0x43: {  	_ =	shalt  }
0x44: {  	_ =	shalt  }
0x45: {  	_ =	shalt  }
0x46: {  	_ =	shalt  }
0x47: {  	_ =	shalt  }
0x48: {  	_ =	shalt  }
0x49: {  	_ =	shalt  }
0x4a: {  	_ =	shalt  }
0x4b: {  	_ =	shalt  }
0x4c: {  	_ =	shalt  }
0x4d: {  	_ =	shalt  }
0x4e: {  	_ =	shalt  }
0x4f: {  	_ =	shalt  }
0x50: {  	_ =	shalt  }
0x51: {  	_ =	shalt  }
0x52: {  	_ =	shalt  }
0x53: {  	_ =	shalt  }
0x54: {  	_ =	shalt  }
0x55: {  	_ =	shalt  }
0x56: {  	_ =	shalt  }
0x57: {  	_ =	shalt  }
0x58: {  	_ =	shalt  }
0x59: {  	_ =	shalt  }
0x5a: {  	_ =	shalt  }
0x5b: {  	_ =	shalt  }
0x5c: {  	_ =	shalt  }
0x5d: {  	_ =	shalt  }
0x5e: {  	_ =	shalt  }
0x5f: {  	_ =	shalt  }
0x60: {  	_ =	shalt  }
0x61: {  	_ =	shalt  }
0x62: {  	_ =	shalt  }
0x63: {  	_ =	shalt  }
0x64: {  	_ =	shalt  }
0x65: {  	_ =	shalt  }
0x66: {  	_ =	shalt  }
0x67: {  	_ =	shalt  }
0x68: {  	_ =	shalt  }
0x69: {  	_ =	shalt  }
0x6a: {  	_ =	shalt  }
0x6b: {  	_ =	shalt  }
0x6c: {  	_ =	shalt  }
0x6d: {  	_ =	shalt  }
0x6e: {  	_ =	shalt  }
0x6f: {  	_ =	shalt  }
0x70: {  	_ =	shalt  }
0x71: {  	_ =	shalt  }
0x72: {  	_ =	shalt  }
0x73: {  	_ =	shalt  }
0x74: {  	_ =	shalt  }
0x75: {  	_ =	shalt  }
0x76: {  	_ =	shalt  }
0x77: {  	_ =	shalt  }
0x78: {  	_ =	shalt  }
0x79: {  	_ =	shalt  }
0x7a: {  	_ =	shalt  }
0x7b: {  	_ =	shalt  }
0x7c: {  	_ =	shalt  }
0x7d: {  	_ =	shalt  }
0x7e: {  	_ =	shalt  }
0x7f: {  	_ =	shalt  }
0x80: {  	_ =	shalt  }
0x81: {  	_ =	shalt  }
0x82: {  	_ =	shalt  }
0x83: {  	_ =	shalt  }
0x84: {  	_ =	shalt  }
0x85: {  	_ =	shalt  }
0x86: {  	_ =	shalt  }
0x87: {  	_ =	shalt  }
.Lfunc_end0:
.L_simem_size_0:
called_computation.1_lowered:
.L_overlay_start_0:
0x88: {  	s2 =	sld [smem:$0x3FD9]  }
0x89: {  	s3 =	sld [smem:$0x3FFE];
	_ =	sdelay $0x1  }
0x8a: {  	s1 =	srdreg.scid  }
0x8b: {  	s0 =	sand.u32 $0x1, s1  }
0x8c: {  	s16 =	sshll.u32 s0, $0xA;
	s2 =	sadd.s32 s3, s2  }
0x8d: {  	s2 =	sadd.s32 s2, s16  }
0x8e: {  	[smem:$0x3FBF] =	sst s2  }
0x8f: {  	_ = 	snop  }
0x90: {  	(tm) =	ssettm $0x1  }
0x91: {  	s17 =	sld [smem:$0x3FFB];
	_ =	sdelay $0x3  }
0x92: {  	_ =	strace s17  }
0x93: {  	s2 =	sld [smem:$0x3FFC];
	_ =	sdelay $0x3  }
0x94: {  	_ =	strace s2  }
0x95: {  	s2 =	sld [smem:$0x3FFD];
	_ =	sdelay $0x3  }
0x96: {  	_ =	strace s2  }
0x97: {  	_ =	strace $0x8FFFFFFF  }
0x98: {  	s18 =	sld [smem:$0x3FDB];
	_ =	sdelay $0x1  }
0x99: {  	s19 =	simm.s32 $_scs_section_size  }
0x9a: {  	s4 =	simm.s32 $_size__tile_overlayer_lowered;
	s5 =	simm.s32 $_tile_overlayer_lowered  }
0x9b: {  	s22 =	simm.s32 $0x1BFF;
	s21 =	sshll.u32 s5, $0x1;
	s2 =	sadd.s32 s19, s18  }
0x9c: {  	s6 =	simm.s32 $0x0;
	s20 =	sshll.u32 s4, $0x1;
	s4 =	sadd.s32 s21, s2  }
0x9d: {  	[timem:s6], [sflag:s22] =	dma.local [hbm:s4], s20  }
0x9e: {  	_ =	swait.ge [sflag:s22], s20  }
0x9f: {  	s3 =	ssub.s32 $0x0, s20;
	[sflag:s22] =	ssyncset.done $0x0  }
0xa0: {  	[sflag:s22] =	ssyncadd.s32 s3;
	_ =	sdelay $0x1  }
0xa1: {  	s23 =	simm.s32 $0x1B8B  }
0xa2: {  	_ =	swait.ge [sflag:s23], $0x1  }
0xa3: {  	[sflag:s23] =	ssyncset.done $0x0  }
0xa4: {  	s25 =	simm.s32 $0x1B8E;
	s24 =	sld [smem:$0x3FFE];
	[sflag:s23] =	ssyncadd.s32 $0xFFFFFFFF  }
0xa5: {  	s26 =	simm.s32 $execute0_lowered;
	[smem:$0x3FD2] =	sst s25  }
0xa6: {  	s4 =	sshll.u32 s26, $0x1;
	_ =	strace $0x80000049;
	[dreg:$0x1] =	wrdreg $0xFFFFFFFF  }
0xa7: {  	s28 =	simm.s32 $_size_execute0_lowered;
	s2 =	sadd.s32 s2, s4;
	[dreg:$0x0] =	wrdreg $0x0  }
0xa8: {  	s4 =	sshll.u32 s28, $0x1;
	[dreg:$0x2] =	wrdreg s2  }
0xa9: {  	[dreg:$0x3] =	wrdreg s4  }
0xaa: {  	[dreg:$0x4] =	wrdreg $0xC0  }
0xab: {  	_ =	task [dreg:s6], $0x5FFFF  }
0xac: {  	[dreg:$0x1] =	wrdreg $0xFFFFFFFF  }
0xad: {  	[dreg:$0x0] =	wrdreg $0x60  }
0xae: {  	[dreg:$0x2] =	wrdreg s24  }
0xaf: {  	[dreg:$0x3] =	wrdreg $0xED000  }
0xb0: {  	[dreg:$0x4] =	wrdreg $0x9  }
0xb1: {  	_ =	task.clear_ibuf [dreg:s6], $0x5FFFF;
	_ =	strace $0x90000049  }
0xb2: {  	s29 =	simm.s32 $0x9;
	_ =	strace $0x8000004B  }
0xb3: {  	_ =	swait.ge [sflag:s29], $0x1  }
0xb4: {  	[sflag:s29] =	ssyncadd.s32 $0xFFFFFFFF  }
0xb5: {  	_ =	strace $0x9000004B  }
0xb6: {  	_ =	sfence  }
0xb7: {  	s30 =	sld [smem:$0x0];
	_ =	sdelay $0x2  }
0xb8: {  	s31 =	sshll.u32 s1, $0xD;
	s1 =	sshrl.u32 s1, $0x2  }
0xb9: {  	s3 =	sand.u32 $0x4000, s31;
	s1 =	sadd.s32 s1, s30  }
0xba: {  	s0 =	sor.u32 s3, s0;
	s1 =	sshll.u32 s1, $0x11  }
0xbb: {  	s0 =	sor.u32 s1, s0  }
0xbc: {  	s0 =	sadd.s32 $0x8F2B, s0  }
0xbd: {  	[sflag:s0] =	ssyncadd.remote.s32 $0x1  }
0xbe: {  	_ =	sfence.sel $0xFFFF  }
0xbf: {  	[dreg:$0x0] =	wrdreg $0xFFFFFFFF;
	(pc) =	sbr.abs _section_cstart, $3  }
0xc0: {  	[dreg:$0x1] =	wrdreg $0xFFFFFFFF  }
0xc1: {  	_ =	task.clear_ibuf [dreg:s6], $0x2FFFF;
	_ =	strace $0x9FFFFFFF  }
0xc2: {  	(tm) =	ssettm $0x7FFFFFFF  }
0xc3: {  	_ =	shalt  }
tec
execute0_lowered:
.L_overlay_start_1:
0x0: {  	(tag) =	ssettag $0x1  }
0x1: {  	s4 =	rddreg [dreg:$0x0]  }
0x2: {  	s0 =	srdreg.scid;
	s2 =	rddreg [dreg:$0x1]  }
0x3: {  	s1 =	rddreg [dreg:$0x2];
	s3 =	simm.s32 $0x0;
	s5 =	sand.u32 $0x1, s0  }
0x4: {  	s14 =	simm.s32 $0x9D00;
	s0 =	stileid.u32;
	s6 =	smul.u32 $0x9C40, s5  }
0x5: {  	s15 =	simm.s32 $0x3;
	s16 =	simm.s32 $0x4E80;
	s7 =	smul.u32 $0x9D0, s0  }
0x6: {  	s17 =	simm.s32 $0x80;
	s18 =	simm.s32 $0x2;
	s8 =	smul.u32 $0x5000, s0  }
0x7: {  	[smem:$0x7FF] =	sst s3;
	s9 =	smul.u32 $0x50000, s5;
	s5 =	ssub.s32 $0x2, s5  }
0x8: {  	_ =	strace $0x8000004A;
	s28 =	smul.u32 $0x14000, s0;
	s30 =	sshrl.u32 s5, $0x1  }
0x9: {  	s11 =	sadd.s32 s6, s4;
	s10 =	sadd.s32 s7, s4;
	s29 =	sadd.s32 s8, s9  }
0xa: {  	s6 =	sshrl.u32 s28, $0x2;
	s13 =	ssub.s32 s5, s30;
	s7 =	sshrl.u32 s29, $0x3  }
0xb: {  	s31 =	sadd.s32 s6, s2;
	s9 =	sadd.s32 $0x2D000, s10;
	s10 =	sadd.s32 $0x36E00, s10  }
0xc: {  	s11 =	sadd.s32 $0x1000, s11;
	s13 =	smax.u32 s13, $0x1;
	s12 =	sadd.s32 s7, s4  }
0xd: {  	s4 =	sadd.s32 s8, s2;
	s5 =	sadd.s32 $0x1000, s31;
	s6 =	sadd.s32 $0x2000, s31  }
0xe: {  	v0 =	vimm.f32 $0.0e+00;
	s7 =	sadd.s32 $0x3000, s31;
	s8 =	sadd.s32 $0x4000, s31;
	s12 =	sadd.s32 $0x14A00, s12  }
.LBB2_1:
0xf: {  	s19 =	simm.s32 $0x80;
	s20 =	simm.s32 $0x0  }
.LBB2_2:
0x10: {  	p0 =	sne.s32 s19, $0x3F80;
	[tilespmem:s20+$0x9D00] =	vst v0;
	s21 =	smov.u32 s19;
	s19 =	sadd.s32 $0x80, s19  }
.Ltmp0:
0x11: {  	[tilespmem:s20+$0x9D10] =	vst v0;
	(pc) =	sbr.rel @p0 .LBB2_2-.Ltmp0, $2  }
0x12: {  	_ =	sdelay $0x2  }
0x13: {  	s20 =	sshra.s32 s21, $0x2  }
0x14: {  	[tilespmem:s20+$0x9D00] =	vst v0  }
0x15: {  	[tilespmem:s20+$0x9D10] =	vst v0  }
0x16: {  	[spmem:s4] =	stream.linear.scatter [tilespmem:s14], [sflag:$0x3], $0x1000, $0x38;
	[tilespmem:$0x13D00] =	vst v63  }
0x17: {  	_ =	swait.ge [sflag:s15], $0x1000  }
0x18: {  	[sflag:s15] =	ssyncset.done $0x0  }
0x19: {  	[sflag:s15] =	ssyncadd.s32 $0xFFFFF000  }
0x1a: {  	[spmem:s5] =	stream.linear.scatter [tilespmem:s14], [sflag:$0x3], $0x1000, $0x38;
	[tilespmem:$0x13D00] =	vst v63  }
0x1b: {  	_ =	swait.ge [sflag:s15], $0x1000  }
0x1c: {  	[sflag:s15] =	ssyncset.done $0x0  }
0x1d: {  	[sflag:s15] =	ssyncadd.s32 $0xFFFFF000  }
0x1e: {  	[spmem:s6] =	stream.linear.scatter [tilespmem:s14], [sflag:$0x3], $0x1000, $0x38;
	[tilespmem:$0x13D00] =	vst v63  }
0x1f: {  	_ =	swait.ge [sflag:s15], $0x1000  }
0x20: {  	[sflag:s15] =	ssyncset.done $0x0  }
0x21: {  	[sflag:s15] =	ssyncadd.s32 $0xFFFFF000  }
0x22: {  	[spmem:s7] =	stream.linear.scatter [tilespmem:s14], [sflag:$0x3], $0x1000, $0x38;
	[tilespmem:$0x13D00] =	vst v63  }
0x23: {  	_ =	swait.ge [sflag:s15], $0x1000  }
0x24: {  	[sflag:s15] =	ssyncset.done $0x0  }
0x25: {  	[sflag:s15] =	ssyncadd.s32 $0xFFFFF000  }
0x26: {  	[spmem:s8] =	stream.linear.scatter [tilespmem:s14], [sflag:$0x3], $0x1000, $0x38;
	[tilespmem:$0x13D00] =	vst v63  }
0x27: {  	_ =	swait.ge [sflag:s15], $0x1000  }
0x28: {  	[sflag:s15] =	ssyncset.done $0x0  }
0x29: {  	[sflag:s15] =	ssyncadd.s32 $0xFFFFF000  }
0x2a: {  	s19 =	simm.s32 $0x0;
	[bflag:$0x0] =	sbarrier.arrive $0xFFFF  }
0x2b: {  	[tilespmem:s19], [sflag:$0x3] =	stream.linear.gather [hbm4b:s9+s19], $0x4E80, $0x38;
	[tilespmem:$0x13D00] =	vst v63  }
0x2c: {  	_ =	swait.ge [sflag:s15], $0x4E80  }
0x2d: {  	[sflag:s15] =	ssyncset.done $0x0  }
0x2e: {  	[sflag:s15] =	ssyncadd.s32 $0xFFFFB180  }
0x2f: {  	[tilespmem:s16], [sflag:$0x3] =	stream.linear.gather [hbm4b:s10+s19], $0x4E80, $0x38;
	[tilespmem:$0x13D00] =	vst v63  }
0x30: {  	_ =	swait.ge [sflag:s15], $0x4E80  }
0x31: {  	[sflag:s15] =	ssyncset.done $0x0  }
0x32: {  	s20 =	simm.s32 $0x4D00;
	s21 =	simm.s32 $0x0;
	[sflag:s15] =	ssyncadd.s32 $0xFFFFB180  }
.LBB2_4:
0x33: {  	s22 =	sadd.s32 $0xFFFFFFFD, s21;
	p0 =	slt.u32 s21, $0x3  }
0x34: {  	s23 =	sand.u32 @!p0 $0xFF, s22  }
0x35: {  	s23 =	smul.u32 @!p0 $0xCD, s23;
	_ =	sdelay $0x1  }
0x36: {  	s24 =	simm.s32 @!p0 $0x1;
	s23 =	sshrl.u32 @!p0 s23, $0xA  }
0x37: {  	p1 =	slt.u32 @!p0 s21, $0x5;
	_ =	swait.ge @!p0 [sflag:s24], $0x1000;
	s23 =	smul.u32 @!p0 $0x5, s23  }
0x38: {  	p1 =	por p1, p0;
	[sflag:s24] =	ssyncset.done @!p0 $0x0  }
0x39: {  	[sflag:s24] =	ssyncadd.s32 @!p0 $0xFFFFF000;
	s22 =	ssub.s32 @!p0 s22, s23;
	s23 =	simm.s32 @!p1 $0x2  }
0x3a: {  	_ =	swait.ge @!p1 [sflag:s23], $0x1000  }
0x3b: {  	s22 =	sand.u32 @!p0 $0xFF, s22;
	[sflag:s23] =	ssyncset.done @!p1 $0x0  }
0x3c: {  	s22 =	sshll.u32 @!p0 s22, $0xC;
	[sflag:s23] =	ssyncadd.s32 @!p1 $0xFFFFF000  }
0x3d: {  	s22 =	sadd.s32 @!p0 $0x9D00, s22;
	s23 =	simm.s32 @!p0 $0x80;
	p1 =	sgt.u32 @!p0 s21, $0x9C  }
0x3e: {  	[spmem:s2] =	stream.indirect.scatter.add.f32 @!p0 [tilespmem:s22], [sflag:$0x2], $0x20, s20, s23, $0xb8;
	[tilespmem:$0x13D00] =	vst v63  }
0x3f: {  	p0 =	por p0, !p1  }
0x40: {  	s22 =	smul.u32 @p0 $0xCD, s21;
	_ =	sdelay $0x1  }
0x41: {  	s22 =	sshrl.u32 @p0 s22, $0xA  }
0x42: {  	s22 =	sand.u32 @p0 $0x3F, s22  }
0x43: {  	s22 =	smul.u32 @p0 $0x5, s22;
	_ =	sdelay $0x1  }
0x44: {  	s22 =	ssub.s32 @p0 s21, s22  }
0x45: {  	s22 =	sand.u32 @p0 $0xFF, s22  }
0x46: {  	s22 =	sshll.u32 @p0 s22, $0xC  }
0x47: {  	s21 =	sadd.s32 $0x1, s21;
	s22 =	sadd.s32 @p0 $0x9D00, s22  }
0x48: {  	[tilespmem:s22], [sflag:$0x1] =	stream.indirect.gather @p0 [hbm4b:s11+s17], $0x20, s19, s17, $0xb8;
	[tilespmem:$0x13D00] =	vst v63  }
0x49: {  	p0 =	sne.s32 s21, $0xA0  }
.Ltmp1:
0x4a: {  	_ = 	snop;
	(pc) =	sbr.rel @p0 .LBB2_4-.Ltmp1, $2  }
0x4b: {  	_ =	sdelay $0x2  }
0x4c: {  	s20 =	sadd.s32 $0x80, s20;
	s19 =	sadd.s32 $0x80, s19  }
0x4d: {  	_ =	swait.ge [sflag:s18], $0x1000  }
0x4e: {  	[sflag:s18] =	ssyncset.done $0x0  }
0x4f: {  	[sflag:s18] =	ssyncadd.s32 $0xFFFFF000  }
0x50: {  	_ =	swait.ge [sflag:s18], $0x1000  }
0x51: {  	s19 =	sshll.u32 s0, $0x6;
	s3 =	sadd.s32 $0x1, s3;
	[sflag:s18] =	ssyncset.done $0x0  }
0x52: {  	s20 =	sshrl.u32 s4, $0x3;
	p0 =	sne.s32 s3, s13;
	[sflag:s18] =	ssyncadd.s32 $0xFFFFF000  }
.Ltmp2:
0x53: {  	s19 =	sor.u32 $0x1C03, s19;
	[bflag:$0x0] =	sbarrier.arrive $0xFFFF;
	(pc) =	sbr.rel @p0 .LBB2_1-.Ltmp2, $4  }
0x54: {  	[hbm:s12], [sflag:s19] =	dma.local [spmem:s20], $0xA00  }
0x55: {  	_ =	swait.ge [sflag:s15], $0xA00  }
0x56: {  	[sflag:s15] =	ssyncset.done $0x0  }
0x57: {  	[sflag:s15] =	ssyncadd.s32 $0xFFFFF600  }
0x58: {  	_ =	sfence.sel $0x180000  }
0x59: {  	[bflag:$0x0] =	sbarrier.arrive $0xFFFF  }
0x5a: {  	p0 =	sne.s32 s0, $0x0;
	_ =	strace $0x9000004A  }
0x5b: {  	s0 =	sadd.s32 @!p0 $0x100000, s1;
	[bflag:$0x2] =	sbarrier.arrive $0xFFFF  }
0x5c: {  	[sflag:s0] =	ssyncadd.tile.s32 @!p0 $0x1;
	_ =	shalt  }
.Lfunc_end2:
_tile_overlayer_lowered:
.L_overlay_start_2:
0x5d: {  	(tag) =	ssettag $0x2  }
0x5e: {  	s0 =	rddreg [dreg:$0x0];
	s2 =	stileid.u32  }
0x5f: {  	s1 =	rddreg [dreg:$0x1];
	p0 =	sne.s32 s2, $0x0  }
0x60: {  	s3 =	rddreg [dreg:$0x2];
	[bflag:$0x3] =	sbarrier.arrive $0xFFFF;
	s2 =	simm.s32 @!p0 $0x1C03  }
0x61: {  	[timem:s3], [sflag:s2] =	dma.local @!p0 [hbm:s0], s1  }
0x62: {  	s0 =	simm.s32 @!p0 $0x3  }
0x63: {  	_ =	swait.ge @!p0 [sflag:s0], s1  }
0x64: {  	s1 =	ssub.s32 @!p0 $0x0, s1;
	[sflag:s0] =	ssyncset.done @!p0 $0x0  }
0x65: {  	[sflag:s0] =	ssyncadd.s32 @!p0 s1  }
0x66: {  	[bflag:$0x3] =	sbarrier.arrive $0xFFFF  }
0x67: {  	_ =	shalt  }

// kernel: kernel.13.cloned.1.call-start
scs
__scs_entry_jumppad:
0x0: {  	(pc) =	sbr.rel $0x88, $3  }
0x1: {  	(tag) =	ssettag $0x0;
	lr =	simm.s32 $0x1  }
0x2: {  	[smem:$0x3F98] =	sst lr;
	_ =	strace $0xD0000000  }
0x3: {  	_ = 	snop  }
0x4: {  	_ = 	snop  }
0x5: {  	_ = 	snop  }
0x6: {  	_ = 	snop  }
0x7: {  	_ = 	snop  }
__scs_overlays_trampoline_lowered:
0x8: {  	[smem:$0x3FA7] =	sst s0  }
0x9: {  	[smem:$0x3FA8] =	sst s1  }
0xa: {  	[smem:$0x3FA9] =	sst s2  }
0xb: {  	[smem:$0x3FAA] =	sst s3  }
0xc: {  	[smem:$0x3FAB] =	sst s4  }
0xd: {  	[smem:$0x3FAC] =	sst s5  }
0xe: {  	[smem:$0x3FAD] =	sst s6  }
0xf: {  	[smem:$0x3FAE] =	sst s7  }
0x10: {  	[smem:$0x3FAF] =	sst s8  }
0x11: {  	[smem:$0x3FB0] =	sst s9;
	s0 =	simm.s32 @!p0 $0x0  }
0x12: {  	s1 =	sld [smem:$0x3F96];
	s0 =	simm.s32 @p0 $0x1  }
0x13: {  	[smem:$0x3FB1] =	sst s0;
	s0 =	simm.s32 @!p1 $0x0  }
0x14: {  	s2 =	sld [smem:$0x3F95];
	s0 =	simm.s32 @p1 $0x1  }
0x15: {  	[smem:$0x3FB2] =	sst s0;
	s0 =	simm.s32 @!p2 $0x0  }
0x16: {  	s3 =	sld [smem:$0x3FDB];
	s0 =	simm.s32 @p2 $0x1  }
0x17: {  	s4 =	simm.s32 $0x1BF5;
	[smem:$0x3FB4] =	sst s0  }
0x18: {  	s0 =	sld [smem:$0x3F97];
	_ =	swait.ge [sflag:s4], $0x0  }
0x19: {  	s7 =	sld [smem:$0x3F98]  }
0x1a: {  	s8 =	sadd.s32 $0xFFFFE003, lr  }
0x1b: {  	s9 =	sadd.s32 $0xFFFFFEF7, lr;
	s5 =	simm.s32 $0xFFFFFFFF;
	p2 =	slt.u32 s8, $0xFFFFF086  }
0x1c: {  	p1 =	slt.u32 s9, $0xF7A;
	s5 =	simm.s32 @!p2 $0x0  }
0x1d: {  	s5 =	simm.s32 @p1 $0x1;
	p0 =	seq.s32 s7, s2  }
0x1e: {  	s7 =	smul.u32 @!p0 $0xF7A, s2;
	p2 =	seq.s32 @!p0 s5, $0x0  }
0x1f: {  	s9 =	smul.u32 $0xF7A, s1;
	s8 =	simm.s32 @!p0 $0x1BF5;
	p2 =	por !p2, p0  }
0x20: {  	[sflag:s8] =	ssyncset.s32 @!p0 $0xFFFFF086;
	s6 =	sadd.s32 @!p0 s3, s7;
	s7 =	simm.s32 @!p0 $0x108  }
0x21: {  	s3 =	sadd.s32 s3, s9;
	s6 =	sadd.s32 @!p0 $0x88, s6;
	s7 =	simm.s32 @p2 $0x1082  }
0x22: {  	[simem:s7], [sflag:s8] =	dma.local @!p0 [hbm:s6], $0xF7A  }
0x23: {  	s9 =	sor.u32 $0xD0000000, s2;
	s6 =	simm.s32 $0x108;
	_ =	swait.ge @!p0 [sflag:s8], $0x0  }
0x24: {  	s3 =	sadd.s32 $0x88, s3;
	s6 =	simm.s32 @!p1 $0x1082;
	[sflag:s4] =	ssyncset.s32 $0xFFFFF086  }
0x25: {  	[simem:s6], [sflag:s4] =	dma.local [hbm:s3], $0xF7A  }
0x26: {  	[smem:$0x3F98] =	sst s1;
	(tag) =	ssettag s2;
	_ =	strace s9  }
0x27: {  	s1 =	sld [smem:$0x3FA8]  }
0x28: {  	s2 =	sld [smem:$0x3FA9]  }
0x29: {  	s4 =	sld [smem:$0x3FAB]  }
0x2a: {  	p0 =	seq.s32 s5, $0x0;
	s5 =	sld [smem:$0x3FAC]  }
0x2b: {  	s6 =	sld [smem:$0x3FAD]  }
0x2c: {  	s7 =	sld [smem:$0x3FAE]  }
0x2d: {  	s3 =	simm.s32 $0x108;
	s8 =	sld [smem:$0x3FAF]  }
0x2e: {  	s3 =	simm.s32 @!p0 $0x1082;
	s9 =	sld [smem:$0x3FB0]  }
0x2f: {  	lr =	sadd.s32 s0, s3;
	s0 =	sld [smem:$0x3FA7]  }
0x30: {  	s3 =	sld [smem:$0x3FAA]  }
0x31: {  	[smem:$0x3FB3] =	sst s10  }
0x32: {  	s10 =	sld [smem:$0x3FB1];
	_ =	sdelay $0x3  }
0x33: {  	p0 =	seq.s32 s10, $0x1;
	s10 =	sld [smem:$0x3FB3];
	_ =	sdelay $0x3  }
0x34: {  	[smem:$0x3FB3] =	sst s10  }
0x35: {  	s10 =	sld [smem:$0x3FB2];
	_ =	sdelay $0x3  }
0x36: {  	p1 =	seq.s32 s10, $0x1;
	s10 =	sld [smem:$0x3FB3];
	_ =	sdelay $0x3  }
0x37: {  	[smem:$0x3FB3] =	sst s10  }
0x38: {  	s10 =	sld [smem:$0x3FB4]  }
0x39: {  	_ = 	snop;
	(pc) =	sbr.ind lr, $3  }
0x3a: {  	_ = 	snop  }
0x3b: {  	_ = 	snop  }
0x3c: {  	p2 =	seq.s32 s10, $0x1;
	s10 =	sld [smem:$0x3FB3]  }
0x3d: {  	_ =	shalt  }
0x3e: {  	_ =	shalt  }
0x3f: {  	_ =	shalt  }
0x40: {  	_ =	shalt  }
0x41: {  	_ =	shalt  }
0x42: {  	_ =	shalt  }
0x43: {  	_ =	shalt  }
0x44: {  	_ =	shalt  }
0x45: {  	_ =	shalt  }
0x46: {  	_ =	shalt  }
0x47: {  	_ =	shalt  }
0x48: {  	_ =	shalt  }
0x49: {  	_ =	shalt  }
0x4a: {  	_ =	shalt  }
0x4b: {  	_ =	shalt  }
0x4c: {  	_ =	shalt  }
0x4d: {  	_ =	shalt  }
0x4e: {  	_ =	shalt  }
0x4f: {  	_ =	shalt  }
0x50: {  	_ =	shalt  }
0x51: {  	_ =	shalt  }
0x52: {  	_ =	shalt  }
0x53: {  	_ =	shalt  }
0x54: {  	_ =	shalt  }
0x55: {  	_ =	shalt  }
0x56: {  	_ =	shalt  }
0x57: {  	_ =	shalt  }
0x58: {  	_ =	shalt  }
0x59: {  	_ =	shalt  }
0x5a: {  	_ =	shalt  }
0x5b: {  	_ =	shalt  }
0x5c: {  	_ =	shalt  }
0x5d: {  	_ =	shalt  }
0x5e: {  	_ =	shalt  }
0x5f: {  	_ =	shalt  }
0x60: {  	_ =	shalt  }
0x61: {  	_ =	shalt  }
0x62: {  	_ =	shalt  }
0x63: {  	_ =	shalt  }
0x64: {  	_ =	shalt  }
0x65: {  	_ =	shalt  }
0x66: {  	_ =	shalt  }
0x67: {  	_ =	shalt  }
0x68: {  	_ =	shalt  }
0x69: {  	_ =	shalt  }
0x6a: {  	_ =	shalt  }
0x6b: {  	_ =	shalt  }
0x6c: {  	_ =	shalt  }
0x6d: {  	_ =	shalt  }
0x6e: {  	_ =	shalt  }
0x6f: {  	_ =	shalt  }
0x70: {  	_ =	shalt  }
0x71: {  	_ =	shalt  }
0x72: {  	_ =	shalt  }
0x73: {  	_ =	shalt  }
0x74: {  	_ =	shalt  }
0x75: {  	_ =	shalt  }
0x76: {  	_ =	shalt  }
0x77: {  	_ =	shalt  }
0x78: {  	_ =	shalt  }
0x79: {  	_ =	shalt  }
0x7a: {  	_ =	shalt  }
0x7b: {  	_ =	shalt  }
0x7c: {  	_ =	shalt  }
0x7d: {  	_ =	shalt  }
0x7e: {  	_ =	shalt  }
0x7f: {  	_ =	shalt  }
0x80: {  	_ =	shalt  }
0x81: {  	_ =	shalt  }
0x82: {  	_ =	shalt  }
0x83: {  	_ =	shalt  }
0x84: {  	_ =	shalt  }
0x85: {  	_ =	shalt  }
0x86: {  	_ =	shalt  }
0x87: {  	_ =	shalt  }
.Lfunc_end0:
.L_simem_size_0:
called_computation.2_lowered:
.L_overlay_start_0:
0x88: {  	s2 =	sld [smem:$0x3FD9]  }
0x89: {  	s3 =	sld [smem:$0x3FFE];
	_ =	sdelay $0x1  }
0x8a: {  	s1 =	srdreg.scid  }
0x8b: {  	s0 =	sand.u32 $0x1, s1  }
0x8c: {  	s16 =	sshll.u32 s0, $0xA;
	s2 =	sadd.s32 s3, s2  }
0x8d: {  	s2 =	sadd.s32 s2, s16  }
0x8e: {  	[smem:$0x3FBF] =	sst s2  }
0x8f: {  	_ = 	snop  }
0x90: {  	(tm) =	ssettm $0x1  }
0x91: {  	s17 =	sld [smem:$0x3FFB];
	_ =	sdelay $0x3  }
0x92: {  	_ =	strace s17  }
0x93: {  	s2 =	sld [smem:$0x3FFC];
	_ =	sdelay $0x3  }
0x94: {  	_ =	strace s2  }
0x95: {  	s2 =	sld [smem:$0x3FFD];
	_ =	sdelay $0x3  }
0x96: {  	_ =	strace s2  }
0x97: {  	_ =	strace $0x8FFFFFFF  }
0x98: {  	s18 =	sld [smem:$0x3FDB];
	_ =	sdelay $0x1  }
0x99: {  	s19 =	simm.s32 $_scs_section_size  }
0x9a: {  	s4 =	simm.s32 $_size__tile_overlayer_lowered;
	s5 =	simm.s32 $_tile_overlayer_lowered  }
0x9b: {  	s22 =	simm.s32 $0x1BFF;
	s21 =	sshll.u32 s5, $0x1;
	s2 =	sadd.s32 s19, s18  }
0x9c: {  	s6 =	simm.s32 $0x0;
	s20 =	sshll.u32 s4, $0x1;
	s4 =	sadd.s32 s21, s2  }
0x9d: {  	[timem:s6], [sflag:s22] =	dma.local [hbm:s4], s20  }
0x9e: {  	_ =	swait.ge [sflag:s22], s20  }
0x9f: {  	s3 =	ssub.s32 $0x0, s20;
	[sflag:s22] =	ssyncset.done $0x0  }
0xa0: {  	[sflag:s22] =	ssyncadd.s32 s3;
	_ =	sdelay $0x1  }
0xa1: {  	s23 =	simm.s32 $0x1B8B  }
0xa2: {  	_ =	swait.ge [sflag:s23], $0x1  }
0xa3: {  	[sflag:s23] =	ssyncset.done $0x0  }
0xa4: {  	s25 =	simm.s32 $0x1B8E;
	s24 =	sld [smem:$0x3FFE];
	[sflag:s23] =	ssyncadd.s32 $0xFFFFFFFF  }
0xa5: {  	s26 =	simm.s32 $execute0_lowered;
	[smem:$0x3FD2] =	sst s25  }
0xa6: {  	s4 =	sshll.u32 s26, $0x1;
	_ =	strace $0x8000004C;
	[dreg:$0x1] =	wrdreg $0xFFFFFFFF  }
0xa7: {  	s28 =	simm.s32 $_size_execute0_lowered;
	s2 =	sadd.s32 s2, s4;
	[dreg:$0x0] =	wrdreg $0x0  }
0xa8: {  	s4 =	sshll.u32 s28, $0x1;
	[dreg:$0x2] =	wrdreg s2  }
0xa9: {  	[dreg:$0x3] =	wrdreg s4  }
0xaa: {  	[dreg:$0x4] =	wrdreg $0xC0  }
0xab: {  	_ =	task [dreg:s6], $0x5FFFF  }
0xac: {  	[dreg:$0x1] =	wrdreg $0xFFFFFFFF  }
0xad: {  	[dreg:$0x0] =	wrdreg $0x60  }
0xae: {  	[dreg:$0x2] =	wrdreg s24  }
0xaf: {  	[dreg:$0x3] =	wrdreg $0x9  }
0xb0: {  	_ =	task.clear_ibuf [dreg:s6], $0x4FFFF;
	_ =	strace $0x9000004C  }
0xb1: {  	s29 =	simm.s32 $0x9;
	_ =	strace $0x8000004E  }
0xb2: {  	_ =	swait.ge [sflag:s29], $0x1  }
0xb3: {  	[sflag:s29] =	ssyncadd.s32 $0xFFFFFFFF  }
0xb4: {  	_ =	strace $0x9000004E  }
0xb5: {  	_ =	sfence  }
0xb6: {  	s30 =	sld [smem:$0x0];
	_ =	sdelay $0x2  }
0xb7: {  	s31 =	sshll.u32 s1, $0xD;
	s1 =	sshrl.u32 s1, $0x2  }
0xb8: {  	s3 =	sand.u32 $0x4000, s31;
	s1 =	sadd.s32 s1, s30  }
0xb9: {  	s0 =	sor.u32 s3, s0;
	s1 =	sshll.u32 s1, $0x11  }
0xba: {  	s0 =	sor.u32 s1, s0  }
0xbb: {  	s0 =	sadd.s32 $0x8F2B, s0  }
0xbc: {  	[sflag:s0] =	ssyncadd.remote.s32 $0x1  }
0xbd: {  	_ =	sfence.sel $0xFFFF  }
0xbe: {  	[dreg:$0x0] =	wrdreg $0xFFFFFFFF;
	(pc) =	sbr.abs _section_cstart, $3  }
0xbf: {  	[dreg:$0x1] =	wrdreg $0xFFFFFFFF  }
0xc0: {  	_ =	task.clear_ibuf [dreg:s6], $0x2FFFF;
	_ =	strace $0x9FFFFFFF  }
0xc1: {  	(tm) =	ssettm $0x7FFFFFFF  }
tec
execute0_lowered:
.L_overlay_start_1:
0x0: {  	(tag) =	ssettag $0x1  }
0x1: {  	s0 =	srdreg.scid  }
0x2: {  	s4 =	rddreg [dreg:$0x0];
	s1 =	stileid.u32;
	s3 =	sand.u32 $0x1, s0  }
0x3: {  	s2 =	simm.s32 $0x0;
	s9 =	simm.s32 $0xC80;
	s5 =	sshll.u32 s3, $0x4  }
0x4: {  	s10 =	simm.s32 $0x1;
	s11 =	simm.s32 $0x2;
	s5 =	sor.u32 s1, s5  }
0x5: {  	s12 =	simm.s32 $0x80;
	s13 =	simm.s32 $0x11900;
	s5 =	smul.u32 $0x190, s5  }
.Ltmp0:
0x6: {  	vm0 =	vmmov $0x1;
	vm1 =	vmmov $0x3;
	vm2 =	vmmov $0x7;
	s14 =	simm.s32 $0x0;
	[smem:$0x7FF] =	sst s2;
	(pc) =	sbr.rel .LBB2_1-.Ltmp0, $4  }
0x7: {  	vm3 =	vmmov $0xf;
	vm4 =	vmmov $0x1f;
	vm5 =	vmmov $0x3f;
	s0 =	rddreg [dreg:$0x1];
	_ =	strace $0x8000004D;
	s6 =	ssub.s32 $0x2, s3  }
0x8: {  	vm6 =	vmmov $0x7f;
	vm7 =	vmmov $0xff;
	vm8 =	vmmov $0x1ff;
	s3 =	sadd.s32 $0x2BC00, s4;
	s31 =	sshrl.u32 s6, $0x1;
	s7 =	sadd.s32 s5, s4  }
0x9: {  	vm9 =	vmmov $0x3ff;
	vm10 =	vmmov $0x7ff;
	vm11 =	vmmov $0xfff;
	s8 =	ssub.s32 s6, s31;
	s4 =	sadd.s32 $0x40C00, s7;
	s5 =	sadd.s32 $0x28A00, s7  }
0xa: {  	vm12 =	vmmov $0x1fff;
	vm13 =	vmmov $0x3fff;
	vm14 =	vmmov $0x7fff;
	s6 =	sadd.s32 $0x1000, s7;
	s7 =	smax.u32 s8, $0x1;
	s8 =	simm.s32 $0x3  }
.LBB2_8:
0xb: {  	s14 =	sadd.s32 $0x1, s14  }
0xc: {  	p0 =	sne.s32 s14, s7  }
.Ltmp1:
0xd: {  	_ = 	snop;
	(pc) =	sbr.rel @!p0 .LBB2_9-.Ltmp1, $4  }
0xe: {  	[hbm4b:s6+s2] =	stream.linear.scatter [tilespmem:s13], [sflag:$0x3], $0xC80, $0x38;
	[tilespmem:$0x12580] =	vst v63  }
0xf: {  	_ =	swait.ge [sflag:s8], $0xC80  }
0x10: {  	[sflag:s8] =	ssyncset.done $0x0  }
0x11: {  	[sflag:s8] =	ssyncadd.s32 $0xFFFFF380  }
.LBB2_1:
0x12: {  	[tilespmem:s2], [sflag:$0x3] =	stream.linear.gather [hbm4b:s4+s2], $0xC80, $0x38;
	[tilespmem:$0x12580] =	vst v63  }
0x13: {  	_ =	swait.ge [sflag:s8], $0xC80  }
0x14: {  	[sflag:s8] =	ssyncset.done $0x0  }
.Ltmp2:
0x15: {  	[sflag:s8] =	ssyncadd.s32 $0xFFFFF380;
	(pc) =	sbr.rel .LBB2_2-.Ltmp2, $4  }
0x16: {  	[tilespmem:s9], [sflag:$0x3] =	stream.linear.gather [hbm4b:s5+s2], $0xC80, $0x38;
	[tilespmem:$0x12580] =	vst v63  }
0x17: {  	_ =	swait.ge [sflag:s8], $0xC80  }
0x18: {  	s15 =	simm.s32 $0x11780;
	[sflag:s8] =	ssyncset.done $0x0  }
0x19: {  	s16 =	simm.s32 $0xFFFFFE80;
	s17 =	simm.s32 $0x0;
	[sflag:s8] =	ssyncadd.s32 $0xFFFFF380  }
.LBB2_6:
0x1a: {  	s18 =	sshll.u32 s17, $0xD  }
0x1b: {  	s18 =	sand.u32 $0x6000, s18  }
0x1c: {  	s20 =	sshll.u32 s17, $0x7;
	s19 =	sor.u32 $0x1900, s18  }
0x1d: {  	[tilespmem:s19], [sflag:$0x1] =	stream.indirect.gather [hbm4b:s3+s12], $0x40, s20, s12, $0xb8;
	[tilespmem:$0x12580] =	vst v63  }
0x1e: {  	s31 =	sadd.s32 $0xC80, s20;
	s18 =	sor.u32 $0x9900, s18  }
0x1f: {  	[tilespmem:s18], [sflag:$0x2] =	stream.indirect.gather [hbm4b:s3+s12], $0x40, s31, s12, $0xb8;
	[tilespmem:$0x12580] =	vst v63  }
.LBB2_7:
0x20: {  	s17 =	sadd.s32 $0x1, s17  }
0x21: {  	p0 =	sne.s32 s17, $0x1C  }
.Ltmp3:
0x22: {  	_ = 	snop;
	(pc) =	sbr.rel @!p0 .LBB2_8-.Ltmp3, $2  }
0x23: {  	_ =	sdelay $0x2  }
0x24: {  	s15 =	sadd.s32 $0x80, s15;
	s16 =	sadd.s32 $0x80, s16  }
.LBB2_2:
0x25: {  	p0 =	slt.u32 s17, $0x3  }
.Ltmp4:
0x26: {  	_ = 	snop;
	(pc) =	sbr.rel @p0 .LBB2_6-.Ltmp4, $1  }
0x27: {  	_ =	sdelay $0x3  }
0x28: {  	s18 =	sshll.u32 s16, $0x6  }
0x29: {  	s18 =	sand.u32 $0x6000, s18  }
0x2a: {  	_ =	swait.ge [sflag:s10], $0x2000;
	s19 =	sor.u32 $0x1CF0, s18  }
0x2b: {  	[sflag:s10] =	ssyncset.done $0x0;
	s18 =	sor.u32 $0x9CF0, s18;
	v1 =	vmov s19  }
0x2c: {  	[sflag:s10] =	ssyncadd.s32 $0xFFFFE000;
	v0 =	vmov s18  }
0x2d: {  	_ =	swait.ge [sflag:s11], $0x2000  }
0x2e: {  	[sflag:s11] =	ssyncset.done $0x0  }
0x2f: {  	s31 =	simm.s32 $0x0;
	[sflag:s11] =	ssyncadd.s32 $0xFFFFE000  }
0x30: {  	v22 =	vld.idx.msk [tilespmem:v1+s31+$0xFFFFFFC0 ss:$0x1], $0xffff  }
0x31: {  	v23 =	vld.idx.msk [tilespmem:v0+s31+$0xFFFFFFC0 ss:$0x1], $0xffff  }
0x32: {  	v2 =	vld.idx.msk [tilespmem:v1+s31+$0xFFFFFFD0 ss:$0x1], $0xffff  }
0x33: {  	v24 =	vld.idx.msk [tilespmem:v1+s31+$0xFFFFFFB0 ss:$0x1], $0xffff  }
0x34: {  	v25 =	vld.idx.msk [tilespmem:v0+s31+$0xFFFFFFB0 ss:$0x1], $0xffff  }
0x35: {  	v26 =	vld.idx.msk [tilespmem:v1+s31+$0xFFFFFF40 ss:$0x1], $0xffff  }
0x36: {  	v27 =	vld.idx.msk [tilespmem:v0+s31+$0xFFFFFF40 ss:$0x1], $0xffff  }
0x37: {  	v28 =	vld.idx.msk [tilespmem:v1+s31+$0xFFFFFF90 ss:$0x1], $0xffff  }
0x38: {  	v29 =	vld.idx.msk [tilespmem:v0+s31+$0xFFFFFF90 ss:$0x1], $0xffff  }
0x39: {  	v30 =	vld.idx.msk [tilespmem:v1+s31+$0xFFFFFFA0 ss:$0x1], $0xffff  }
0x3a: {  	v31 =	vld.idx.msk [tilespmem:v0+s31+$0xFFFFFFA0 ss:$0x1], $0xffff  }
0x3b: {  	v32 =	vld.idx.msk [tilespmem:v1+s31+$0xFFFFFF00 ss:$0x1], $0xffff  }
0x3c: {  	v33 =	vld.idx.msk [tilespmem:v0+s31+$0xFFFFFF00 ss:$0x1], $0xffff  }
0x3d: {  	[tilespmem:$0x1FE40] =	vst v2;
	v2 =	vld.idx.msk [tilespmem:v0+s31+$0xFFFFFFD0 ss:$0x1], $0xffff  }
0x3e: {  	v34 =	vld.idx.msk [tilespmem:v1+s31+$0xFFFFFF30 ss:$0x1], $0xffff  }
0x3f: {  	v35 =	vld.idx.msk [tilespmem:v0+s31+$0xFFFFFF30 ss:$0x1], $0xffff  }
0x40: {  	v36 =	vld.idx.msk [tilespmem:v1+s31+$0xFFFFFEF0 ss:$0x1], $0xffff  }
0x41: {  	v37 =	vld.idx.msk [tilespmem:v0+s31+$0xFFFFFEF0 ss:$0x1], $0xffff  }
0x42: {  	[tilespmem:$0x1FE50] =	vst v2;
	v2 =	vld.idx.msk [tilespmem:v1+s31+$0xFFFFFFE0 ss:$0x1], $0xffff  }
0x43: {  	v38 =	vld.idx.msk [tilespmem:v1+s31+$0xFFFFFF10 ss:$0x1], $0xffff  }
0x44: {  	v39 =	vld.idx.msk [tilespmem:v0+s31+$0xFFFFFF10 ss:$0x1], $0xffff  }
0x45: {  	v40 =	vld.idx.msk [tilespmem:v1+s31+$0xFFFFFF20 ss:$0x1], $0xffff  }
0x46: {  	v41 =	vld.idx.msk [tilespmem:v0+s31+$0xFFFFFF20 ss:$0x1], $0xffff  }
0x47: {  	[tilespmem:$0x1FE60] =	vst v2;
	v2 =	vld.idx.msk [tilespmem:v0+s31+$0xFFFFFFE0 ss:$0x1], $0xffff  }
0x48: {  	v42 =	vld.idx.msk [tilespmem:v1+s31+$0xFFFFFE80 ss:$0x1], $0xffff  }
0x49: {  	v43 =	vld.idx.msk [tilespmem:v0+s31+$0xFFFFFE80 ss:$0x1], $0xffff  }
0x4a: {  	v44 =	vld.idx.msk [tilespmem:v1+s31+$0xFFFFFED0 ss:$0x1], $0xffff  }
0x4b: {  	v45 =	vld.idx.msk [tilespmem:v0+s31+$0xFFFFFED0 ss:$0x1], $0xffff  }
0x4c: {  	[tilespmem:$0x1FE70] =	vst v2;
	v2 =	vld.idx.msk [tilespmem:v1+s31+$0xFFFFFF70 ss:$0x1], $0xffff  }
0x4d: {  	v46 =	vld.idx.msk [tilespmem:v1+s31+$0xFFFFFEE0 ss:$0x1], $0xffff  }
0x4e: {  	v47 =	vld.idx.msk [tilespmem:v0+s31+$0xFFFFFEE0 ss:$0x1], $0xffff  }
0x4f: {  	v49 =	vld.idx.msk [tilespmem:v0+s31+$0xFFFFFE40 ss:$0x1], $0xffff  }
0x50: {  	v50 =	vld.idx.msk [tilespmem:v1+s31+$0xFFFFFE70 ss:$0x1], $0xffff  }
0x51: {  	[tilespmem:$0x1FE30] =	vst v2;
	v2 =	vld.idx.msk [tilespmem:v1+s31+$0xFFFFFF50 ss:$0x1], $0xffff  }
0x52: {  	v51 =	vld.idx.msk [tilespmem:v0+s31+$0xFFFFFE70 ss:$0x1], $0xffff  }
0x53: {  	v52 =	vld.idx.msk [tilespmem:v1+s31+$0xFFFFFE30 ss:$0x1], $0xffff  }
0x54: {  	v53 =	vld.idx.msk [tilespmem:v0+s31+$0xFFFFFE30 ss:$0x1], $0xffff  }
0x55: {  	v54 =	vld.idx.msk [tilespmem:v1+s31+$0xFFFFFE50 ss:$0x1], $0xffff  }
0x56: {  	[tilespmem:$0x1FDF0] =	vst v2;
	v2 =	vld.idx.msk [tilespmem:v0+s31+$0xFFFFFF50 ss:$0x1], $0xffff  }
0x57: {  	v55 =	vld.idx.msk [tilespmem:v0+s31+$0xFFFFFE50 ss:$0x1], $0xffff  }
0x58: {  	v56 =	vld.idx.msk [tilespmem:v1+s31+$0xFFFFFE60 ss:$0x1], $0xffff  }
0x59: {  	v57 =	vld.idx.msk [tilespmem:v0+s31+$0xFFFFFE60 ss:$0x1], $0xffff  }
0x5a: {  	v58 =	vld.idx.msk [tilespmem:v1+s31+$0xFFFFFDC0 ss:$0x1], $0xffff  }
0x5b: {  	[tilespmem:$0x1FE00] =	vst v2;
	v2 =	vld.idx.msk [tilespmem:v1+s31+$0xFFFFFF60 ss:$0x1], $0xffff  }
0x5c: {  	v59 =	vld.idx.msk [tilespmem:v0+s31+$0xFFFFFDC0 ss:$0x1], $0xffff  }
0x5d: {  	v60 =	vld.idx.msk [tilespmem:v1+s31+$0xFFFFFE10 ss:$0x1], $0xffff  }
0x5e: {  	v61 =	vld.idx.msk [tilespmem:v0+s31+$0xFFFFFE10 ss:$0x1], $0xffff  }
0x5f: {  	v62 =	vld.idx.msk [tilespmem:v1+s31+$0xFFFFFE20 ss:$0x1], $0xffff  }
0x60: {  	[tilespmem:$0x1FE10] =	vst v2;
	v2 =	vld.idx.msk [tilespmem:v0+s31+$0xFFFFFF60 ss:$0x1], $0xffff  }
0x61: {  	v63 =	vld.idx.msk [tilespmem:v0+s31+$0xFFFFFE20 ss:$0x1], $0xffff  }
0x62: {  	v19 =	vld.idx.msk [tilespmem:v1+s31+$0xFFFFFD80 ss:$0x1], $0xffff  }
0x63: {  	v18 =	vld.idx.msk [tilespmem:v0+s31+$0xFFFFFD80 ss:$0x1], $0xffff  }
0x64: {  	v11 =	vld.idx.msk [tilespmem:v1+s31+$0xFFFFFDB0 ss:$0x1], $0xffff  }
0x65: {  	[tilespmem:$0x1FE20] =	vst v2;
	v2 =	vld.idx.msk [tilespmem:v1+s31+$0xFFFFFEB0 ss:$0x1], $0xffff  }
0x66: {  	v10 =	vld.idx.msk [tilespmem:v0+s31+$0xFFFFFDB0 ss:$0x1], $0xffff  }
0x67: {  	v15 =	vld.idx.msk [tilespmem:v1+s31+$0xFFFFFD70 ss:$0x1], $0xffff  }
0x68: {  	v14 =	vld.idx.msk [tilespmem:v0+s31+$0xFFFFFD70 ss:$0x1], $0xffff  }
0x69: {  	v5 =	vld.idx.msk [tilespmem:v1+s31+$0xFFFFFD90 ss:$0x1], $0xffff  }
0x6a: {  	[tilespmem:$0x1FDE0] =	vst v2;
	v2 =	vld.idx.msk [tilespmem:v1+s31+$0xFFFFFE40 ss:$0x1], $0xffff  }
0x6b: {  	v4 =	vld.idx.msk [tilespmem:v0+s31+$0xFFFFFD90 ss:$0x1], $0xffff  }
0x6c: {  	v3 =	vld.idx.msk [tilespmem:v1+s31+$0xFFFFFDA0 ss:$0x1], $0xffff  }
0x6d: {  	v17 =	vld.idx.msk [tilespmem:v1+s31+$0xFFFFFD00 ss:$0x1], $0xffff  }
0x6e: {  	v16 =	vld.idx.msk [tilespmem:v0+s31+$0xFFFFFD00 ss:$0x1], $0xffff  }
0x6f: {  	[tilespmem:$0x1FCF0] =	vst v2;
	v2 =	vld.idx.msk [tilespmem:v1+s31+$0xFFFFFE90 ss:$0x1], $0xffff  }
0x70: {  	v6 =	vld.idx.msk [tilespmem:v1+s31+$0xFFFFFD30 ss:$0x1], $0xffff  }
0x71: {  	v9 =	vld.idx.msk [tilespmem:v1+s31+$0xFFFFFD50 ss:$0x1], $0xffff  }
0x72: {  	v8 =	vld.idx.msk [tilespmem:v1+s31+$0xFFFFFD60 ss:$0x1], $0xffff  }
0x73: {  	v7 =	vld.idx.msk [tilespmem:v0+s31+$0xFFFFFD60 ss:$0x1], $0xffff  }
0x74: {  	[tilespmem:$0x1FDA0] =	vst v2;
	v2 =	vld.idx.msk [tilespmem:v0+s31+$0xFFFFFE90 ss:$0x1], $0xffff  }
0x75: {  	v21 =	vld.idx.msk [tilespmem:v1+s31+$0xFFFFFCC0 ss:$0x1], $0xffff  }
0x76: {  	v20 =	vld.idx.msk [tilespmem:v0+s31+$0xFFFFFCC0 ss:$0x1], $0xffff  }
0x77: {  	v48 =	vld.idx.msk [tilespmem:v1+s31+$0xFFFFFD10 ss:$0x1], $0xffff  }
0x78: {  	v13 =	vld.idx.msk [tilespmem:v1+s31+$0xFFFFFCF0 ss:$0x1], $0xffff  }
0x79: {  	[tilespmem:$0x1FDB0] =	vst v2;
	v2 =	vld.idx.msk [tilespmem:v1+s31+$0xFFFFFEA0 ss:$0x1], $0xffff  }
0x7a: {  	v12 =	vld.idx.msk [tilespmem:v0+s31+$0xFFFFFCF0 ss:$0x1], $0xffff  }
0x7b: {  	[tilespmem:$0x1FD40] =	vst v6;
	v6 =	vld.idx.msk [tilespmem:v0+s31+$0xFFFFFD50 ss:$0x1], $0xffff  }
0x7c: {  	[tilespmem:$0x1FD00] =	vst v48;
	v48 =	vld.idx.msk [tilespmem:v0+s31+$0xFFFFFD10 ss:$0x1], $0xffff  }
0x7d: {  	v28 =	vmul.f32 v29, v28;
	v29 =	vmul.f32 v31, v30;
	v30 =	vld.idx.msk [tilespmem:v0+s31+$0xFFFFFC40 ss:$0x1], $0xffff  }
0x7e: {  	[tilespmem:$0x1FDC0] =	vst v2;
	v2 =	vld.idx.msk [tilespmem:v0+s31+$0xFFFFFEA0 ss:$0x1], $0xffff  }
0x7f: {  	v31 =	vmul.f32 v39, v38;
	v39 =	vld.idx.msk [tilespmem:v1+s31+$0xFFFFFCB0 ss:$0x1], $0xffff  }
0x80: {  	v24 =	vmul.f32 v25, v24;
	v25 =	vld.idx.msk [tilespmem:v0+s31+$0xFFFFFCB0 ss:$0x1], $0xffff  }
0x81: {  	v26 =	vmul.f32 v27, v26;
	v27 =	vld.idx.msk [tilespmem:v1+s31+$0xFFFFFCE0 ss:$0x1], $0xffff  }
0x82: {  	v38 =	vmul.f32 v41, v40;
	v46 =	vmul.f32 v47, v46;
	v40 =	vld.idx.msk [tilespmem:v0+s31+$0xFFFFFCA0 ss:$0x1], $0xffff  }
0x83: {  	v47 =	vmul.f32 v55, v54;
	v54 =	vmul.f32 v57, v56;
	[tilespmem:$0x1FDD0] =	vst v2;
	v2 =	vld.idx.msk [tilespmem:v1+s31+$0xFFFFFDF0 ss:$0x1], $0xffff  }
0x84: {  	v57 =	vmul.f32 v61, v60;
	v61 =	vmul.f32 v43, v42;
	v42 =	vld.idx.msk [tilespmem:v0+s31+$0xFFFFFC10 ss:$0x1], $0xffff  }
0x85: {  	v43 =	vld.idx.msk [tilespmem:v1+s31+$0xFFFFFC10 ss:$0x1], $0xffff  }
0x86: {  	v56 =	vmul.f32 v51, v50;
	v50 =	vld.idx.msk [tilespmem:v1+s31+$0xFFFFFC50 ss:$0x1], $0xffff  }
0x87: {  	v51 =	vld.idx.msk [tilespmem:v0+s31+$0xFFFFFC50 ss:$0x1], $0xffff  }
0x88: {  	[tilespmem:$0x1FD90] =	vst v2;
	v2 =	vld.idx.msk [tilespmem:v1+s31+$0xFFFFFDD0 ss:$0x1], $0xffff  }
0x89: {  	v22 =	vmul.f32 v23, v22;
	v28 =	vadd.f32 v29, v28;
	v23 =	vadd.f32 v38, v31;
	v31 =	vld.idx.msk [tilespmem:v1+s31+$0xFFFFFCD0 ss:$0x1], $0xffff  }
0x8a: {  	v29 =	vmul.f32 v35, v34;
	v35 =	vld.idx.msk [tilespmem:v0+s31+$0xFFFFFCD0 ss:$0x1], $0xffff  }
0x8b: {  	v24 =	vadd.f32 v24, v28;
	v28 =	vmul.f32 v45, v44;
	v45 =	vld [tilespmem:$0x1FCF0]  }
0x8c: {  	v23 =	vadd.f32 v29, v23;
	v29 =	vld.idx.msk [tilespmem:v0+s31+$0xFFFFFCE0 ss:$0x1], $0xffff  }
0x8d: {  	v60 =	vmul.f32 v63, v62;
	[tilespmem:$0x1FD50] =	vst v2;
	v2 =	vld.idx.msk [tilespmem:v0+s31+$0xFFFFFDD0 ss:$0x1], $0xffff  }
0x8e: {  	v55 =	vadd.f32 v54, v47;
	v47 =	vld.idx.msk [tilespmem:v0+s31+$0xFFFFFC20 ss:$0x1], $0xffff  }
0x8f: {  	v41 =	vmul.f32 v10, v11;
	v12 =	vmul.f32 v12, v13;
	v62 =	vadd.f32 v60, v57;
	v54 =	vld.idx.msk [tilespmem:v1+s31+$0xFFFFFC60 ss:$0x1], $0xffff  }
0x90: {  	v60 =	vld.idx.msk [tilespmem:v0+s31+$0xFFFFFD30 ss:$0x1], $0xffff;
	[tilespmem:$0x1FD10] =	vst v48;
	v11 =	vmul.f32 v49, v45;
	v49 =	vmul.f32 v14, v15  }
0x91: {  	v48 =	vld.idx.msk [tilespmem:v1+s31+$0xFFFFFD20 ss:$0x1], $0xffff;
	v22 =	vadd.f32 v22, v24;
	v14 =	vmul.f32 v35, v31;
	v15 =	vmul.f32 v29, v27  }
0x92: {  	v24 =	vadd.f32 v46, v28;
	v28 =	vmul.f32 v37, v36;
	[tilespmem:$0x1FD60] =	vst v2;
	v2 =	vld.idx.msk [tilespmem:v1+s31+$0xFFFFFDE0 ss:$0x1], $0xffff  }
0x93: {  	v46 =	vmul.f32 v59, v58;
	v59 =	vld.idx.msk [tilespmem:v1+s31+$0xFFFFFC80 ss:$0x1], $0xffff;
	(xrf2) =	vadd.scan.msk.f32 $0xffff, v22;
	v14 =	vadd.f32 v15, v14  }
0x94: {  	v22 =	vadd.f32 v28, v24;
	v24 =	vmul.f32 v33, v32;
	v32 =	vadd.f32 v56, v55;
	v56 =	vld.idx.msk [tilespmem:v1+s31+$0xFFFFFC70 ss:$0x1], $0xffff  }
0x95: {  	v57 =	vadd.f32 v12, v14;
	v14 =	vld.idx.msk [tilespmem:v0+s31+$0xFFFFFC70 ss:$0x1], $0xffff  }
0x96: {  	v23 =	vadd.f32 v26, v23;
	v55 =	vld.idx.msk [tilespmem:v0+s31+$0xFFFFFC60 ss:$0x1], $0xffff  }
0x97: {  	v4 =	vmul.f32 v4, v5;
	v22 =	vadd.f32 v24, v22;
	[tilespmem:$0x1FD70] =	vst v2;
	v2 =	vld.idx.msk [tilespmem:v0+s31+$0xFFFFFDE0 ss:$0x1], $0xffff  }
0x98: {  	v63 =	vmul.f32 v53, v52;
	(xrf2) =	vadd.scan.msk.f32 $0xffff, v23;
	[tilespmem:$0x1FD20] =	vst v48;
	v48 =	vld.idx.msk [tilespmem:v0+s31+$0xFFFFFD20 ss:$0x1], $0xffff;
	v5 =	vadd.f32 v61, v32  }
0x99: {  	v7 =	vmul.f32 v7, v8;
	v6 =	vmul.f32 v6, v9;
	v33 =	vld [tilespmem:$0x1FD00];
	(xrf2) =	vadd.scan.msk.f32 $0xffff, v22  }
0x9a: {  	v44 =	vadd.f32 v63, v62;
	(xrf2) =	vadd.scan.msk.f32 $0xffff, v5;
	v5 =	vmul.f32 v14, v56;
	v14 =	vld [tilespmem:$0x1FD10]  }
0x9b: {  	v6 =	vadd.f32 v7, v6;
	v23 =	vld.idx.msk [tilespmem:v1+s31+$0xFFFFFC90 ss:$0x1], $0xffff;
	v12 =	vmul.f32 v16, v17  }
0x9c: {  	v8 =	vadd.f32 v11, v44;
	[tilespmem:$0x1FD80] =	vst v2;
	v2 =	vld.idx.msk [tilespmem:v0+s31+$0xFFFFFDA0 ss:$0x1], $0xffff  }
0x9d: {  	[tilespmem:$0x1FD30] =	vst v48;
	v52 =	vadd.f32 v49, v6;
	v6 =	vadd.f32 v12, v57;
	v12 =	vld.idx.msk [tilespmem:v0+s31+$0xFFFFFC80 ss:$0x1], $0xffff  }
0x9e: {  	v15 =	vld [tilespmem:$0x1FD30]  }
0x9f: {  	(xrf2) =	vadd.scan.msk.f32 $0xffff, v8;
	v8 =	vmul.f32 v14, v33;
	v14 =	vld [tilespmem:$0x1FD20]  }
0xa0: {  	v24 =	vld.idx.msk [tilespmem:v0+s31+$0xFFFFFC90 ss:$0x1], $0xffff  }
0xa1: {  	v38 =	vld [tilespmem:$0x1FD50];
	v2 =	vmul.f32 v2, v3  }
0xa2: {  	v34 =	vmul.f32 v12, v59;
	v12 =	vld [tilespmem:$0x1FD60]  }
0xa3: {  	v7 =	vmul.f32 v55, v54;
	v3 =	vld.idx.msk [tilespmem:v1+s31+$0xFFFFFCA0 ss:$0x1], $0xffff;
	v2 =	vadd.f32 v2, v4;
	v4 =	vmul.f32 v51, v50  }
0xa4: {  	v62 =	vld.idx.msk [tilespmem:v1+s31+$0xFFFFFD40 ss:$0x1], $0xffff;
	v14 =	vmul.f32 v15, v14  }
0xa5: {  	v26 =	vld.idx.msk [tilespmem:v1+s31+$0xFFFFFC30 ss:$0x1], $0xffff;
	v4 =	vadd.f32 v7, v4  }
0xa6: {  	v8 =	vadd.f32 v14, v8;
	v14 =	vld [tilespmem:$0x1FD80]  }
0xa7: {  	v2 =	vadd.f32 v41, v2;
	v4 =	vadd.f32 v5, v4;
	v5 =	vmul.f32 v12, v38;
	v12 =	vld [tilespmem:$0x1FD70]  }
0xa8: {  	v36 =	vld [tilespmem:$0x1FD40];
	v13 =	vmul.f32 v24, v23;
	v3 =	vmul.f32 v40, v3  }
0xa9: {  	v53 =	vmul.f32 v18, v19;
	v28 =	vld.idx.msk [tilespmem:v0+s31+$0xFFFFFC30 ss:$0x1], $0xffff;
	v2 =	vadd.f32 v46, v2  }
0xaa: {  	v32 =	vld.idx.msk [tilespmem:v0+s31+$0xFFFFFDF0 ss:$0x1], $0xffff;
	v3 =	vadd.f32 v3, v13;
	v13 =	vmul.f32 v25, v39  }
0xab: {  	v22 =	vld.idx.msk [tilespmem:v1+s31+$0xFFFFFC20 ss:$0x1], $0xffff;
	(xrf2) =	vadd.scan.msk.f32 $0xffff, v2;
	v2 =	vadd.f32 v53, v52  }
0xac: {  	v35 =	vld.idx.msk [tilespmem:v0+s31+$0xFFFFFE00 ss:$0x1], $0xffff;
	v3 =	vadd.f32 v13, v3;
	v13 =	vmul.f32 v20, v21;
	v12 =	vmul.f32 v14, v12  }
0xad: {  	v45 =	vld [tilespmem:$0x1FDF0]  }
0xae: {  	(xrf2) =	vadd.scan.msk.f32 $0xffff, v2;
	v3 =	vadd.f32 v13, v3;
	v5 =	vadd.f32 v12, v5;
	v12 =	vld [tilespmem:$0x1FD90]  }
0xaf: {  	v17 =	vld [tilespmem:$0x1FE00];
	(xrf2) =	vadd.scan.msk.f32 $0xffff, v6  }
0xb0: {  	(xrf2) =	vadd.scan.msk.f32 $0xffff, v3;
	v3 =	vld.idx.msk [tilespmem:v1+s31+$0xFFFFFE00 ss:$0x1], $0xffff  }
0xb1: {  	v13 =	vld.idx.msk [tilespmem:v0+s31+$0xFFFFFD40 ss:$0x1], $0xffff  }
0xb2: {  	v41 =	vld [tilespmem:$0x1FDA0]  }
0xb3: {  	v14 =	vld [tilespmem:$0x1FDB0];
	v7 =	vmul.f32 v32, v12  }
0xb4: {  	v9 =	vmul.f32 v60, v36;
	v48 =	vld.idx.msk [tilespmem:v1+s31+$0xFFFFFC40 ss:$0x1], $0xffff  }
0xb5: {  	v18 =	vld [tilespmem:$0x1FE20];
	v3 =	vmul.f32 v35, v3;
	v5 =	vadd.f32 v7, v5  }
0xb6: {  	v15 =	vld [tilespmem:$0x1FDD0];
	v8 =	vadd.f32 v9, v8;
	v6 =	vmul.f32 v13, v62  }
0xb7: {  	v58 =	vmul.f32 v47, v22;
	v3 =	vadd.f32 v3, v5;
	v5 =	vmul.f32 v17, v45;
	v17 =	vld [tilespmem:$0x1FE10]  }
0xb8: {  	v2 =	vmul.f32 v42, v43;
	v6 =	vadd.f32 v6, v8;
	v8 =	vmul.f32 v14, v41;
	v14 =	vld [tilespmem:$0x1FDC0]  }
0xb9: {  	v19 =	vld.idx.msk [tilespmem:v0+s31+$0xFFFFFFF0 ss:$0x1], $0xffff  }
0xba: {  	v37 =	vld.idx.msk [tilespmem:v0+s31+$0xFFFFFEB0 ss:$0x1], $0xffff;
	v61 =	vmul.f32 v28, v26;
	v2 =	vadd.f32 v58, v2  }
0xbb: {  	v16 =	vld.idx.msk [tilespmem:v1+s31+$0xFFFFFF80 ss:$0x1], $0xffff  }
0xbc: {  	v63 =	vmul.f32 v30, v48;
	v43 =	vld.idx.msk [tilespmem:v0+s31+$0xFFFFFF80 ss:$0x1], $0xffff;
	v2 =	vadd.f32 v61, v2;
	v17 =	vmul.f32 v18, v17  }
0xbd: {  	v12 =	vld.idx.msk [tilespmem:v0+s31+$0xFFFFFF70 ss:$0x1], $0xffff;
	v14 =	vmul.f32 v15, v14  }
0xbe: {  	v2 =	vadd.f32 v63, v2;
	v5 =	vadd.f32 v17, v5;
	v17 =	vld [tilespmem:$0x1FE30]  }
0xbf: {  	v4 =	vadd.f32 v34, v4;
	v8 =	vadd.f32 v14, v8;
	v14 =	vld [tilespmem:$0x1FDE0]  }
0xc0: {  	v13 =	vld.idx.msk [tilespmem:v0+s31+$0xFFFFFEC0 ss:$0x1], $0xffff;
	(xrf2) =	vadd.scan.msk.f32 $0xffff, v2  }
0xc1: {  	v39, _, _ =	vpop (xrf2);
	v2 =	vld.idx.msk [tilespmem:v1+s31+$0xFFFFFEC0 ss:$0x1], $0xffff;
	(xrf2) =	vadd.scan.msk.f32 $0xffff, v4  }
0xc2: {  	v47 =	vld [tilespmem:$0x1FE40];
	v40, _, _ =	vpop (xrf2)  }
0xc3: {  	v20 =	vld [tilespmem:$0x1FE50];
	v15, _, _ =	vpop (xrf2);
	v12 =	vmul.f32 v12, v17  }
0xc4: {  	v10 =	vmul.f32 v43, v16;
	v16 =	vld [tilespmem:$0x1FE70];
	(xrf2) =	vadd.scan.msk.f32 $0xffff, v6;
	v42, _, _ =	vpop (xrf2);
	v11 =	vmul.f32 v37, v14  }
0xc5: {  	v44, _, _ =	vpop (xrf2);
	v5 =	vadd.f32 v12, v5;
	v12 =	vld [tilespmem:$0x1FE60]  }
0xc6: {  	v2 =	vmul.f32 v13, v2;
	v18, _, _ =	vpop (xrf2);
	v14 =	vld.idx.msk [tilespmem:v1+s31+$0xFFFFFFF0 ss:$0x1], $0xffff;
	v8 =	vadd.f32 v11, v8  }
0xc7: {  	(xrf2) =	vadd.scan.msk.f32 $0xffff, v3;
	v46, _, _ =	vpop (xrf2)  }
0xc8: {  	v13 =	vld.idx.msk [tilespmem:v1+s31+$0x0 ss:$0x1], $0xffff;
	v3, _, _ =	vpop (xrf2);
	v2 =	vadd.f32 v2, v8  }
0xc9: {  	v17 =	vld.idx.msk [tilespmem:v0+s31+$0x0 ss:$0x1], $0xffff;
	v8 =	vmul.f32 v20, v47;
	v20, _, _ =	vpop (xrf2)  }
0xca: {  	(xrf2) =	vadd.scan.msk.f32 $0xffff, v2;
	v12 =	vmul.f32 v16, v12;
	v16, _, _ =	vpop (xrf2)  }
0xcb: {  	v49 =	vmul.f32 v19, v14;
	v2 =	vadd.f32 v10, v5;
	v50, _, _ =	vpop (xrf2)  }
0xcc: {  	v48 =	vadd.f32 v12, v8;
	v12 =	vbroadcast v16, $0xF;
	v10 =	vbroadcast v50, $0xF  }
0xcd: {  	v3 =	vbroadcast v3, $0xF;
	v14 =	vbroadcast v20, $0xF;
	(xrf2) =	vadd.scan.msk.f32 $0xffff, v2  }
0xce: {  	v51 =	vmul.f32 v17, v13;
	v52, _, _ =	vpop (xrf2);
	v5 =	vadd.f32 v49, v48;
	v2 =	vsel vm0, v12, v10  }
0xcf: {  	v10 =	vbroadcast v52, $0xF;
	v2 =	vsel vm1, v2, v14  }
0xd0: {  	v5 =	vadd.f32 v51, v5;
	v2 =	vsel vm2, v2, v3;
	v3 =	vbroadcast v46, $0xF  }
0xd1: {  	v53 =	vbroadcast v18, $0xF;
	v54, _, _ =	vpop (xrf2);
	v2 =	vsel vm3, v2, v10  }
0xd2: {  	(xrf2) =	vadd.scan.msk.f32 $0xffff, v5;
	v2 =	vsel vm4, v2, v3;
	v3 =	vbroadcast v54, $0xF  }
0xd3: {  	v55 =	vbroadcast v44, $0xF;
	v2 =	vsel vm5, v2, v53  }
0xd4: {  	v56, _, _ =	vpop (xrf2);
	v2 =	vsel vm6, v2, v3;
	v3 =	vbroadcast v42, $0xF  }
0xd5: {  	v57 =	vbroadcast v56, $0xF;
	v2 =	vsel vm7, v2, v55  }
0xd6: {  	v2 =	vsel vm8, v2, v3;
	v3 =	vbroadcast v15, $0xF  }
0xd7: {  	v58, _, _ =	vpop (xrf2);
	v2 =	vsel vm9, v2, v57  }
0xd8: {  	v4 =	vbroadcast v40, $0xF;
	v2 =	vsel vm10, v2, v3;
	v3 =	vbroadcast v58, $0xF;
	_ =	sdelay $0x1  }
0xd9: {  	v59 =	vbroadcast v39, $0xF;
	v2 =	vsel vm11, v2, v4  }
0xda: {  	v2 =	vsel vm12, v2, v3  }
0xdb: {  	v2 =	vsel vm13, v2, v59;
	v3, _, _ =	vpop (xrf2)  }
0xdc: {  	v2 =	vsel vm14, v2, v3  }
0xdd: {  	s18 =	simm.s32 $0x400;
	[tilespmem:s15+$0x0] =	vst v2  }
0xde: {  	v2 =	vld.idx.msk [tilespmem:v0+s18+$0xFFFFFFC0 ss:$0x1], $0xffff;
	_ =	sdelay $0x4  }
0xdf: {  	[tilespmem:$0x1FF50] =	vst v2;
	v2 =	vld.idx.msk [tilespmem:v1+s18+$0xFFFFFFD0 ss:$0x1], $0xffff;
	_ =	sdelay $0x2  }
0xe0: {  	v60 =	vld.idx.msk [tilespmem:v1+s18+$0xFFFFFFC0 ss:$0x1], $0xffff  }
0xe1: {  	v23 =	vld.idx.msk [tilespmem:v1+s18+$0xFFFFFFE0 ss:$0x1], $0xffff  }
0xe2: {  	[tilespmem:$0x1FE80] =	vst v2;
	v2 =	vld.idx.msk [tilespmem:v0+s18+$0xFFFFFFD0 ss:$0x1], $0xffff  }
0xe3: {  	v32 =	vld.idx.msk [tilespmem:v1+s18+$0xFFFFFFB0 ss:$0x1], $0xffff  }
0xe4: {  	v33 =	vld.idx.msk [tilespmem:v0+s18+$0xFFFFFFB0 ss:$0x1], $0xffff  }
0xe5: {  	v14 =	vld.idx.msk [tilespmem:v1+s18+$0xFFFFFF40 ss:$0x1], $0xffff  }
0xe6: {  	v25 =	vld.idx.msk [tilespmem:v0+s18+$0xFFFFFF40 ss:$0x1], $0xffff  }
0xe7: {  	[tilespmem:$0x1FE90] =	vst v2;
	v2 =	vld.idx.msk [tilespmem:v0+s18+$0xFFFFFFE0 ss:$0x1], $0xffff  }
0xe8: {  	v26 =	vld.idx.msk [tilespmem:v1+s18+$0xFFFFFF90 ss:$0x1], $0xffff  }
0xe9: {  	v27 =	vld.idx.msk [tilespmem:v0+s18+$0xFFFFFF90 ss:$0x1], $0xffff  }
0xea: {  	v34 =	vld.idx.msk [tilespmem:v1+s18+$0xFFFFFFA0 ss:$0x1], $0xffff  }
0xeb: {  	v35 =	vld.idx.msk [tilespmem:v0+s18+$0xFFFFFFA0 ss:$0x1], $0xffff  }
0xec: {  	[tilespmem:$0x1FEA0] =	vst v2;
	v2 =	vld.idx.msk [tilespmem:v1+s18+$0xFFFFFF70 ss:$0x1], $0xffff  }
0xed: {  	v7 =	vld.idx.msk [tilespmem:v1+s18+$0xFFFFFF00 ss:$0x1], $0xffff  }
0xee: {  	v9 =	vld.idx.msk [tilespmem:v0+s18+$0xFFFFFF00 ss:$0x1], $0xffff  }
0xef: {  	v36 =	vld.idx.msk [tilespmem:v0+s18+$0xFFFFFF30 ss:$0x1], $0xffff  }
0xf0: {  	v44 =	vld.idx.msk [tilespmem:v1+s18+$0xFFFFFF10 ss:$0x1], $0xffff  }
0xf1: {  	[tilespmem:$0x1FEB0] =	vst v2;
	v2 =	vld.idx.msk [tilespmem:v1+s18+$0xFFFFFF30 ss:$0x1], $0xffff  }
0xf2: {  	v45 =	vld.idx.msk [tilespmem:v0+s18+$0xFFFFFF10 ss:$0x1], $0xffff  }
0xf3: {  	v46 =	vld.idx.msk [tilespmem:v1+s18+$0xFFFFFF20 ss:$0x1], $0xffff  }
0xf4: {  	v47 =	vld.idx.msk [tilespmem:v0+s18+$0xFFFFFF20 ss:$0x1], $0xffff  }
0xf5: {  	v20 =	vld.idx.msk [tilespmem:v1+s18+$0xFFFFFE80 ss:$0x1], $0xffff  }
0xf6: {  	[tilespmem:$0x1FF60] =	vst v2;
	v2 =	vld.idx.msk [tilespmem:v1+s18+$0xFFFFFF50 ss:$0x1], $0xffff  }
0xf7: {  	v54 =	vld.idx.msk [tilespmem:v0+s18+$0xFFFFFE80 ss:$0x1], $0xffff  }
0xf8: {  	v50 =	vld.idx.msk [tilespmem:v1+s18+$0xFFFFFED0 ss:$0x1], $0xffff  }
0xf9: {  	v51 =	vld.idx.msk [tilespmem:v0+s18+$0xFFFFFED0 ss:$0x1], $0xffff  }
0xfa: {  	v52 =	vld.idx.msk [tilespmem:v1+s18+$0xFFFFFEE0 ss:$0x1], $0xffff  }
0xfb: {  	[tilespmem:$0x1FEC0] =	vst v2;
	v2 =	vld.idx.msk [tilespmem:v0+s18+$0xFFFFFF50 ss:$0x1], $0xffff  }
0xfc: {  	v53 =	vld.idx.msk [tilespmem:v0+s18+$0xFFFFFEE0 ss:$0x1], $0xffff  }
0xfd: {  	v10 =	vld.idx.msk [tilespmem:v1+s18+$0xFFFFFE40 ss:$0x1], $0xffff  }
0xfe: {  	v11 =	vld.idx.msk [tilespmem:v0+s18+$0xFFFFFE40 ss:$0x1], $0xffff  }
0xff: {  	v59 =	vld.idx.msk [tilespmem:v1+s18+$0xFFFFFE70 ss:$0x1], $0xffff  }
0x100: {  	[tilespmem:$0x1FED0] =	vst v2;
	v2 =	vld.idx.msk [tilespmem:v1+s18+$0xFFFFFF60 ss:$0x1], $0xffff  }
0x101: {  	v37 =	vld.idx.msk [tilespmem:v0+s18+$0xFFFFFE70 ss:$0x1], $0xffff  }
0x102: {  	v15 =	vld.idx.msk [tilespmem:v1+s18+$0xFFFFFE90 ss:$0x1], $0xffff  }
0x103: {  	v5 =	vld.idx.msk [tilespmem:v1+s18+$0xFFFFFE50 ss:$0x1], $0xffff  }
0x104: {  	v61 =	vld.idx.msk [tilespmem:v0+s18+$0xFFFFFE50 ss:$0x1], $0xffff  }
0x105: {  	[tilespmem:$0x1FEE0] =	vst v2;
	v2 =	vld.idx.msk [tilespmem:v0+s18+$0xFFFFFF60 ss:$0x1], $0xffff  }
0x106: {  	v62 =	vld.idx.msk [tilespmem:v1+s18+$0xFFFFFE60 ss:$0x1], $0xffff  }
0x107: {  	v63 =	vld.idx.msk [tilespmem:v0+s18+$0xFFFFFE60 ss:$0x1], $0xffff  }
0x108: {  	v55 =	vld.idx.msk [tilespmem:v1+s18+$0xFFFFFDC0 ss:$0x1], $0xffff  }
0x109: {  	v16 =	vld.idx.msk [tilespmem:v1+s18+$0xFFFFFDF0 ss:$0x1], $0xffff  }
0x10a: {  	[tilespmem:$0x1FEF0] =	vst v2;
	v2 =	vld.idx.msk [tilespmem:v1+s18+$0xFFFFFEF0 ss:$0x1], $0xffff  }
0x10b: {  	v56 =	vld.idx.msk [tilespmem:v1+s18+$0xFFFFFE10 ss:$0x1], $0xffff  }
0x10c: {  	v3 =	vld.idx.msk [tilespmem:v0+s18+$0xFFFFFE10 ss:$0x1], $0xffff  }
0x10d: {  	v39 =	vld.idx.msk [tilespmem:v1+s18+$0xFFFFFE20 ss:$0x1], $0xffff  }
0x10e: {  	v38 =	vld.idx.msk [tilespmem:v0+s18+$0xFFFFFE20 ss:$0x1], $0xffff  }
0x10f: {  	[tilespmem:$0x1FF70] =	vst v2;
	v2 =	vld.idx.msk [tilespmem:v0+s18+$0xFFFFFEF0 ss:$0x1], $0xffff  }
0x110: {  	v6 =	vld.idx.msk [tilespmem:v1+s18+$0xFFFFFD80 ss:$0x1], $0xffff  }
0x111: {  	v8 =	vld.idx.msk [tilespmem:v0+s18+$0xFFFFFD80 ss:$0x1], $0xffff  }
0x112: {  	v58 =	vld.idx.msk [tilespmem:v1+s18+$0xFFFFFDB0 ss:$0x1], $0xffff  }
0x113: {  	v57 =	vld.idx.msk [tilespmem:v0+s18+$0xFFFFFDB0 ss:$0x1], $0xffff  }
0x114: {  	[tilespmem:$0x1FF80] =	vst v2;
	v2 =	vld.idx.msk [tilespmem:v1+s18+$0xFFFFFEB0 ss:$0x1], $0xffff  }
0x115: {  	v17 =	vld.idx.msk [tilespmem:v1+s18+$0xFFFFFDD0 ss:$0x1], $0xffff  }
0x116: {  	v18 =	vld.idx.msk [tilespmem:v0+s18+$0xFFFFFDD0 ss:$0x1], $0xffff  }
0x117: {  	v19 =	vld.idx.msk [tilespmem:v1+s18+$0xFFFFFDE0 ss:$0x1], $0xffff  }
0x118: {  	v42 =	vld.idx.msk [tilespmem:v1+s18+$0xFFFFFD90 ss:$0x1], $0xffff  }
0x119: {  	[tilespmem:$0x1FF00] =	vst v2;
	v2 =	vld.idx.msk [tilespmem:v0+s18+$0xFFFFFE90 ss:$0x1], $0xffff  }
0x11a: {  	v40 =	vld.idx.msk [tilespmem:v0+s18+$0xFFFFFD90 ss:$0x1], $0xffff  }
0x11b: {  	v41 =	vld.idx.msk [tilespmem:v1+s18+$0xFFFFFDA0 ss:$0x1], $0xffff  }
0x11c: {  	v30 =	vld.idx.msk [tilespmem:v1+s18+$0xFFFFFD00 ss:$0x1], $0xffff  }
0x11d: {  	v31 =	vld.idx.msk [tilespmem:v0+s18+$0xFFFFFD00 ss:$0x1], $0xffff  }
0x11e: {  	[tilespmem:$0x1FF10] =	vst v2;
	v2 =	vld.idx.msk [tilespmem:v1+s18+$0xFFFFFEA0 ss:$0x1], $0xffff  }
0x11f: {  	v22 =	vld.idx.msk [tilespmem:v1+s18+$0xFFFFFD30 ss:$0x1], $0xffff  }
0x120: {  	v4 =	vld.idx.msk [tilespmem:v1+s18+$0xFFFFFD50 ss:$0x1], $0xffff  }
0x121: {  	v48 =	vld.idx.msk [tilespmem:v0+s18+$0xFFFFFD50 ss:$0x1], $0xffff  }
0x122: {  	v49 =	vld.idx.msk [tilespmem:v1+s18+$0xFFFFFD60 ss:$0x1], $0xffff  }
0x123: {  	[tilespmem:$0x1FF20] =	vst v2;
	v2 =	vld.idx.msk [tilespmem:v0+s18+$0xFFFFFEA0 ss:$0x1], $0xffff  }
0x124: {  	v43 =	vld.idx.msk [tilespmem:v0+s18+$0xFFFFFD60 ss:$0x1], $0xffff  }
0x125: {  	v28 =	vld.idx.msk [tilespmem:v1+s18+$0xFFFFFCC0 ss:$0x1], $0xffff  }
0x126: {  	v12 =	vld.idx.msk [tilespmem:v1+s18+$0xFFFFFCF0 ss:$0x1], $0xffff  }
0x127: {  	v29 =	vld.idx.msk [tilespmem:v0+s18+$0xFFFFFCC0 ss:$0x1], $0xffff  }
0x128: {  	[tilespmem:$0x1FF30] =	vst v2;
	v2 =	vld.idx.msk [tilespmem:v1+s18+$0xFFFFFE30 ss:$0x1], $0xffff  }
0x129: {  	v24 =	vld.idx.msk [tilespmem:v0+s18+$0xFFFFFD10 ss:$0x1], $0xffff  }
0x12a: {  	v13 =	vld.idx.msk [tilespmem:v1+s18+$0xFFFFFD20 ss:$0x1], $0xffff  }
0x12b: {  	[tilespmem:$0x1FFE0] =	vst v12;
	v12 =	vld.idx.msk [tilespmem:v0+s18+$0xFFFFFCF0 ss:$0x1], $0xffff  }
0x12c: {  	v21 =	vmul.f32 v27, v26;
	v26 =	vld [tilespmem:$0x1FF50]  }
0x12d: {  	[tilespmem:$0x1FF90] =	vst v2;
	v2 =	vld.idx.msk [tilespmem:v0+s18+$0xFFFFFE30 ss:$0x1], $0xffff  }
0x12e: {  	v34 =	vmul.f32 v35, v34;
	v27 =	vld.idx.msk [tilespmem:v0+s18+$0xFFFFFD20 ss:$0x1], $0xffff  }
0x12f: {  	v61 =	vmul.f32 v61, v5;
	v5 =	vld.idx.msk [tilespmem:v0+s18+$0xFFFFFCE0 ss:$0x1], $0xffff  }
0x130: {  	v59 =	vmul.f32 v37, v59;
	v37 =	vld.idx.msk [tilespmem:v0+s18+$0xFFFFFC30 ss:$0x1], $0xffff;
	v21 =	vadd.f32 v34, v21;
	v34 =	vmul.f32 v33, v32  }
0x131: {  	v35 =	vmul.f32 v45, v44;
	v45 =	vmul.f32 v26, v60;
	v26 =	vld [tilespmem:$0x1FF60]  }
0x132: {  	v21 =	vadd.f32 v34, v21;
	[tilespmem:$0x1FFA0] =	vst v2;
	v2 =	vld.idx.msk [tilespmem:v0+s18+$0xFFFFFDC0 ss:$0x1], $0xffff  }
0x133: {  	v40 =	vmul.f32 v40, v42;
	v42 =	vld.idx.msk [tilespmem:v1+s18+$0xFFFFFC10 ss:$0x1], $0xffff  }
0x134: {  	v21 =	vadd.f32 v45, v21;
	v45 =	vmul.f32 v25, v14;
	v14 =	vld [tilespmem:$0x1FF70]  }
0x135: {  	v44 =	vmul.f32 v47, v46;
	v25 =	vld [tilespmem:$0x1FF80]  }
0x136: {  	v43 =	vmul.f32 v43, v49;
	v49 =	vld.idx.msk [tilespmem:v0+s18+$0xFFFFFC20 ss:$0x1], $0xffff  }
0x137: {  	v44 =	vadd.f32 v44, v35;
	v36 =	vmul.f32 v36, v26;
	[tilespmem:$0x1FFB0] =	vst v2;
	v2 =	vld.idx.msk [tilespmem:v0+s18+$0xFFFFFDE0 ss:$0x1], $0xffff  }
0x138: {  	v53 =	vmul.f32 v53, v52;
	v32 =	vld.idx.msk [tilespmem:v1+s18+$0xFFFFFC40 ss:$0x1], $0xffff;
	v60 =	vmul.f32 v51, v50  }
0x139: {  	v33 =	vld.idx.msk [tilespmem:v0+s18+$0xFFFFFC40 ss:$0x1], $0xffff;
	v36 =	vadd.f32 v36, v44  }
0x13a: {  	v35 =	vld.idx.msk [tilespmem:v0+s18+$0xFFFFFCB0 ss:$0x1], $0xffff;
	v46 =	vadd.f32 v53, v60;
	v60 =	vmul.f32 v25, v14  }
0x13b: {  	v62 =	vmul.f32 v63, v62;
	v34 =	vld.idx.msk [tilespmem:v1+s18+$0xFFFFFCB0 ss:$0x1], $0xffff;
	(xrf2) =	vadd.scan.msk.f32 $0xffff, v21;
	v21 =	vadd.f32 v45, v36  }
0x13c: {  	v7 =	vmul.f32 v9, v7;
	v63 =	vadd.f32 v60, v46;
	[tilespmem:$0x1FF40] =	vst v2;
	v2 =	vld.idx.msk [tilespmem:v1+s18+$0xFFFFFD70 ss:$0x1], $0xffff  }
0x13d: {  	(xrf2) =	vadd.scan.msk.f32 $0xffff, v21;
	v21 =	vmul.f32 v3, v56;
	v3 =	vld [tilespmem:$0x1FF90]  }
0x13e: {  	v45 =	vadd.f32 v7, v63;
	v63 =	vld [tilespmem:$0x1FFA0]  }
0x13f: {  	[tilespmem:$0x1FFF0] =	vst v12;
	v12 =	vld.idx.msk [tilespmem:v1+s18+$0xFFFFFD10 ss:$0x1], $0xffff  }
0x140: {  	v50 =	vld.idx.msk [tilespmem:v1+s18+$0xFFFFFCD0 ss:$0x1], $0xffff  }
0x141: {  	v9 =	vadd.f32 v62, v61;
	[tilespmem:$0x1FFC0] =	vst v2;
	v2 =	vld.idx.msk [tilespmem:v0+s18+$0xFFFFFD70 ss:$0x1], $0xffff  }
0x142: {  	v51 =	vld.idx.msk [tilespmem:v1+s18+$0xFFFFFCE0 ss:$0x1], $0xffff  }
0x143: {  	v61 =	vadd.f32 v59, v9;
	v9 =	vmul.f32 v63, v3;
	v3 =	vld [tilespmem:$0x1FFB0]  }
0x144: {  	v44 =	vld.idx.msk [tilespmem:v0+s18+$0xFFFFFCD0 ss:$0x1], $0xffff  }
0x145: {  	v36 =	vld.idx.msk [tilespmem:v1+s18+$0xFFFFFC30 ss:$0x1], $0xffff  }
0x146: {  	v56 =	vmul.f32 v57, v58;
	[tilespmem:$0x1FFD0] =	vst v2;
	v2 =	vld.idx.msk [tilespmem:v0+s18+$0xFFFFFDA0 ss:$0x1], $0xffff  }
0x147: {  	v57 =	vmul.f32 v48, v4;
	v48 =	vld.idx.msk [tilespmem:v1+s18+$0xFFFFFC20 ss:$0x1], $0xffff;
	v60 =	vmul.f32 v38, v39  }
0x148: {  	v58 =	vmul.f32 v3, v55;
	v3 =	vld [tilespmem:$0x1FFC0]  }
0x149: {  	v21 =	vadd.f32 v60, v21;
	v60 =	vld [tilespmem:$0x1FFD0]  }
0x14a: {  	v59 =	vadd.f32 v43, v57;
	v43 =	vld.idx.msk [tilespmem:v1+s18+$0xFFFFFC50 ss:$0x1], $0xffff  }
0x14b: {  	v62 =	vmul.f32 v54, v20;
	v38 =	vld.idx.msk [tilespmem:v1+s18+$0xFFFFFC90 ss:$0x1], $0xffff;
	v2 =	vmul.f32 v2, v41  }
0x14c: {  	v44 =	vmul.f32 v44, v50;
	v39 =	vld.idx.msk [tilespmem:v0+s18+$0xFFFFFC90 ss:$0x1], $0xffff  }
0x14d: {  	v46 =	vadd.f32 v62, v61;
	v62 =	vmul.f32 v5, v51;
	v63 =	vld [tilespmem:$0x1FFF0];
	v2 =	vadd.f32 v2, v40  }
0x14e: {  	v11 =	vmul.f32 v11, v10;
	v21 =	vadd.f32 v9, v21;
	v61 =	vmul.f32 v60, v3;
	v3 =	vld [tilespmem:$0x1FFE0]  }
0x14f: {  	v47 =	vadd.f32 v62, v44;
	v44 =	vld.idx.msk [tilespmem:v1+s18+$0xFFFFFC60 ss:$0x1], $0xffff;
	v2 =	vadd.f32 v56, v2  }
0x150: {  	(xrf2) =	vadd.scan.msk.f32 $0xffff, v45;
	v45 =	vld.idx.msk [tilespmem:v0+s18+$0xFFFFFCA0 ss:$0x1], $0xffff;
	v21 =	vadd.f32 v11, v21  }
0x151: {  	(xrf2) =	vadd.scan.msk.f32 $0xffff, v46;
	v46 =	vld.idx.msk [tilespmem:v0+s18+$0xFFFFFC50 ss:$0x1], $0xffff;
	v2 =	vadd.f32 v58, v2  }
0x152: {  	v51 =	vmul.f32 v8, v6;
	v55, _, _ =	vpop (xrf2);
	(xrf2) =	vadd.scan.msk.f32 $0xffff, v21;
	v41 =	vld.idx.msk [tilespmem:v1+s18+$0xFFFFFCA0 ss:$0x1], $0xffff  }
0x153: {  	s20 =	simm.s32 $0x2000;
	s19 =	smov.u32 s15;
	v54, _, _ =	vpop (xrf2);
	v40 =	vld.idx.msk [tilespmem:v0+s18+$0xFFFFFC10 ss:$0x1], $0xffff;
	v50 =	vadd.f32 v61, v59;
	v52 =	vmul.f32 v63, v3;
	(xrf2) =	vadd.scan.msk.f32 $0xffff, v2  }
.LBB2_4:
0x154: {  	_ = 	snop  }
0x155: {  	v47 =	vadd.f32 v52, v47;
	v2 =	vmul.f32 v31, v30;
	_ =	sdelay $0x1  }
0x156: {  	v56 =	vadd.f32 v2, v47;
	v2 =	vld [tilespmem:$0x1FF40];
	_ =	sdelay $0x4  }
0x157: {  	v17 =	vmul.f32 v18, v17;
	v18 =	vmul.f32 v2, v19;
	v2 =	vld [tilespmem:$0x1FF10];
	_ =	sdelay $0x1  }
0x158: {  	v11 =	vld.idx.msk [tilespmem:v1+s18+$0xFFFFFC70 ss:$0x1], $0xffff;
	v10 =	vadd.f32 v51, v50;
	v51 =	vmul.f32 v40, v42;
	v3 =	vmul.f32 v49, v48  }
0x159: {  	v31 =	vld.idx.msk [tilespmem:v0+s18+$0xFFFFFC70 ss:$0x1], $0xffff  }
0x15a: {  	v28 =	vmul.f32 v29, v28;
	v29 =	vadd.f32 v3, v51;
	v3 =	vld [tilespmem:$0x1FF30]  }
0x15b: {  	v24 =	vmul.f32 v24, v12;
	v12 =	vmul.f32 v2, v15;
	v2 =	vld [tilespmem:$0x1FF20]  }
0x15c: {  	v26 =	vld.idx.msk [tilespmem:v1+s18+$0xFFFFFE00 ss:$0x1], $0xffff;
	v25 =	vmul.f32 v27, v13  }
0x15d: {  	v39 =	vmul.f32 v39, v38;
	v38, _, _ =	vpop (xrf2);
	(xrf2) =	vadd.scan.msk.f32 $0xffff, v10;
	v10 =	vld.idx.msk [tilespmem:v0+s18+$0xFFFFFDF0 ss:$0x1], $0xffff  }
0x15e: {  	v24 =	vadd.f32 v25, v24;
	v25 =	vld.idx.msk [tilespmem:v0+s18+$0xFFFFFEB0 ss:$0x1], $0xffff  }
0x15f: {  	v31 =	vmul.f32 v31, v11;
	v11 =	vld.idx.msk [tilespmem:v0+s18+$0xFFFFFE00 ss:$0x1], $0xffff  }
0x160: {  	v13 =	vmul.f32 v3, v2;
	v2 =	vld [tilespmem:$0x1FF00];
	_ =	sdelay $0x2  }
0x161: {  	v16 =	vmul.f32 v10, v16;
	v17 =	vadd.f32 v18, v17  }
0x162: {  	v3 =	vld [tilespmem:$0x1FED0]  }
0x163: {  	v16 =	vadd.f32 v16, v17;
	v17 =	vmul.f32 v11, v26;
	v11 =	vmul.f32 v25, v2;
	v2 =	vld [tilespmem:$0x1FEC0]  }
0x164: {  	v53 =	vld.idx.msk [tilespmem:v0+s18+$0xFFFFFC60 ss:$0x1], $0xffff  }
0x165: {  	v59 =	vld.idx.msk [tilespmem:v0+s18+$0xFFFFFD30 ss:$0x1], $0xffff  }
0x166: {  	v62 =	vld.idx.msk [tilespmem:v1+s18+$0xFFFFFD40 ss:$0x1], $0xffff  }
0x167: {  	v8 =	vld.idx.msk [tilespmem:v0+s18+$0xFFFFFD40 ss:$0x1], $0xffff  }
0x168: {  	v7 =	vmul.f32 v3, v2;
	v2 =	vld [tilespmem:$0x1FEE0]  }
0x169: {  	v41 =	vmul.f32 v45, v41;
	v3 =	vld [tilespmem:$0x1FEF0]  }
0x16a: {  	v34 =	vmul.f32 v35, v34  }
0x16b: {  	v57 =	vld.idx.msk [tilespmem:v0+s18+$0xFFFFFC80 ss:$0x1], $0xffff;
	v60 =	vmul.f32 v46, v43;
	v61 =	vmul.f32 v53, v44;
	v39 =	vadd.f32 v41, v39  }
0x16c: {  	v52 =	vld.idx.msk [tilespmem:v1+s18+$0xFFFFFC80 ss:$0x1], $0xffff;
	v22 =	vmul.f32 v59, v22  }
0x16d: {  	v58 =	vmul.f32 v37, v36;
	v9 =	vadd.f32 v61, v60;
	v34 =	vadd.f32 v34, v39;
	v18 =	vld.idx.msk [tilespmem:v0+s18+$0xFFFFFF70 ss:$0x1], $0xffff  }
0x16e: {  	v30, _, _ =	vpop (xrf2);
	(xrf2) =	vadd.scan.msk.f32 $0xffff, v56;
	v22 =	vadd.f32 v22, v24;
	v24 =	vmul.f32 v8, v62;
	v8 =	vmul.f32 v3, v2;
	v2 =	vld [tilespmem:$0x1FEB0]  }
0x16f: {  	v32 =	vmul.f32 v33, v32;
	v29 =	vadd.f32 v58, v29;
	v28 =	vadd.f32 v28, v34;
	_ =	sdelay $0x1  }
0x170: {  	v63, _, _ =	vpop (xrf2);
	(xrf2) =	vadd.scan.msk.f32 $0xffff, v28;
	v28 =	vadd.f32 v32, v29;
	v29 =	vadd.f32 v31, v9;
	v31 =	vmul.f32 v57, v52  }
0x171: {  	v3 =	vld [tilespmem:$0x1FE90]  }
0x172: {  	v27, _, _ =	vpop (xrf2);
	(xrf2) =	vadd.scan.msk.f32 $0xffff, v28;
	v28 =	vadd.f32 v31, v29;
	v6 =	vmul.f32 v18, v2;
	v2 =	vld [tilespmem:$0x1FE80]  }
0x173: {  	v19 =	vld.idx.msk [tilespmem:v1+s18+$0xFFFFFEC0 ss:$0x1], $0xffff  }
0x174: {  	v20, _, _ =	vpop (xrf2);
	v29 =	vld.idx.msk [tilespmem:v0+s18+$0xFFFFFEC0 ss:$0x1], $0xffff;
	(xrf2) =	vadd.scan.msk.f32 $0xffff, v28  }
0x175: {  	v14 =	vld.idx.msk [tilespmem:v1+s18+$0xFFFFFF80 ss:$0x1], $0xffff;
	v22 =	vadd.f32 v24, v22  }
0x176: {  	v24 =	vld.idx.msk [tilespmem:v0+s18+$0xFFFFFF80 ss:$0x1], $0xffff  }
0x177: {  	v15, _, _ =	vpop (xrf2);
	(xrf2) =	vadd.scan.msk.f32 $0xffff, v22;
	v12 =	vadd.f32 v13, v12;
	v3 =	vmul.f32 v3, v2;
	v2 =	vld [tilespmem:$0x1FEA0]  }
0x178: {  	v9 =	vld.idx.msk [tilespmem:v0+s18+$0xFFFFFFF0 ss:$0x1], $0xffff;
	v16 =	vadd.f32 v17, v16  }
0x179: {  	v13 =	vld.idx.msk [tilespmem:v1+s18+$0xFFFFFFF0 ss:$0x1], $0xffff;
	v11 =	vadd.f32 v11, v12;
	v12 =	vmul.f32 v29, v19  }
0x17a: {  	v39 =	vld.idx.msk [tilespmem:v0+s18+$0x0 ss:$0x1], $0xffff;
	v10, _, _ =	vpop (xrf2);
	(xrf2) =	vadd.scan.msk.f32 $0xffff, v16;
	v7 =	vadd.f32 v8, v7  }
0x17b: {  	v17 =	vld.idx.msk [tilespmem:v1+s18+$0x0 ss:$0x1], $0xffff;
	v11 =	vadd.f32 v12, v11  }
0x17c: {  	v41 =	vmul.f32 v24, v14;
	v12 =	vadd.f32 v6, v7;
	v2 =	vmul.f32 v2, v23  }
0x17d: {  	v5, _, _ =	vpop (xrf2);
	(xrf2) =	vadd.scan.msk.f32 $0xffff, v11  }
0x17e: {  	v42, _, _ =	vpop (xrf2);
	v4 =	vadd.f32 v41, v12;
	v2 =	vadd.f32 v2, v3;
	v3 =	vmul.f32 v9, v13  }
0x17f: {  	v5 =	vbroadcast v5, $0xF;
	v43 =	vbroadcast v42, $0xF  }
0x180: {  	v44 =	vbroadcast v10, $0xF;
	(xrf2) =	vadd.scan.msk.f32 $0xffff, v4;
	v2 =	vadd.f32 v3, v2;
	v3 =	vmul.f32 v39, v17  }
0x181: {  	v46 =	vbroadcast v15, $0xF;
	v47, _, _ =	vpop (xrf2);
	v45 =	vsel vm0, v5, v43  }
0x182: {  	v48 =	vbroadcast v47, $0xF;
	v4 =	vsel vm1, v45, v44;
	v2 =	vadd.f32 v3, v2  }
0x183: {  	v49 =	vbroadcast v20, $0xF;
	v3 =	vsel vm2, v4, v46  }
0x184: {  	v50 =	vbroadcast v27, $0xF;
	v51, _, _ =	vpop (xrf2);
	v3 =	vsel vm3, v3, v48;
	(xrf2) =	vadd.scan.msk.f32 $0xffff, v2  }
0x185: {  	v2 =	vsel vm4, v3, v49;
	v3 =	vbroadcast v51, $0xF  }
0x186: {  	v52 =	vbroadcast v63, $0xF;
	v2 =	vsel vm5, v2, v50  }
0x187: {  	v53, _, _ =	vpop (xrf2);
	v2 =	vsel vm6, v2, v3;
	v3 =	vbroadcast v30, $0xF  }
0x188: {  	v56 =	vbroadcast v53, $0xF;
	v2 =	vsel vm7, v2, v52  }
0x189: {  	v2 =	vsel vm8, v2, v3;
	v3 =	vbroadcast v38, $0xF  }
0x18a: {  	v57 =	vbroadcast v54, $0xF;
	v58, _, _ =	vpop (xrf2);
	v2 =	vsel vm9, v2, v56  }
0x18b: {  	v5 =	vbroadcast v58, $0xF;
	v2 =	vsel vm10, v2, v3  }
0x18c: {  	v59 =	vbroadcast v55, $0xF;
	v2 =	vsel vm11, v2, v57  }
0x18d: {  	v2 =	vsel vm12, v2, v5  }
0x18e: {  	v2 =	vsel vm13, v2, v59;
	v3, _, _ =	vpop (xrf2)  }
0x18f: {  	s19 =	sadd.s32 $0x10, s19;
	v2 =	vsel vm14, v2, v3  }
0x190: {  	s18 =	sshra.s32 s20, $0x2;
	[tilespmem:s19+$0x0] =	vst v2  }
0x191: {  	v2 =	vld.idx.msk [tilespmem:v1+s18+$0xFFFFFFC0 ss:$0x1], $0xffff;
	_ =	sdelay $0x4  }
0x192: {  	[tilespmem:$0x1FC50] =	vst v2;
	v2 =	vld.idx.msk [tilespmem:v0+s18+$0xFFFFFFC0 ss:$0x1], $0xffff;
	_ =	sdelay $0x4  }
0x193: {  	[tilespmem:$0x1FC60] =	vst v2;
	v2 =	vld.idx.msk [tilespmem:v1+s18+$0xFFFFFFD0 ss:$0x1], $0xffff;
	_ =	sdelay $0x4  }
0x194: {  	[tilespmem:$0x1FE80] =	vst v2;
	v2 =	vld.idx.msk [tilespmem:v0+s18+$0xFFFFFFD0 ss:$0x1], $0xffff;
	_ =	sdelay $0x4  }
0x195: {  	[tilespmem:$0x1FE90] =	vst v2;
	v2 =	vld.idx.msk [tilespmem:v1+s18+$0xFFFFFFE0 ss:$0x1], $0xffff  }
0x196: {  	v32 =	vld.idx.msk [tilespmem:v1+s18+$0xFFFFFFB0 ss:$0x1], $0xffff  }
0x197: {  	v33 =	vld.idx.msk [tilespmem:v0+s18+$0xFFFFFFB0 ss:$0x1], $0xffff  }
0x198: {  	v39 =	vld.idx.msk [tilespmem:v0+s18+$0xFFFFFF40 ss:$0x1], $0xffff  }
0x199: {  	v54 =	vld.idx.msk [tilespmem:v1+s18+$0xFFFFFF90 ss:$0x1], $0xffff  }
0x19a: {  	[tilespmem:$0x1FCE0] =	vst v2;
	v2 =	vld.idx.msk [tilespmem:v0+s18+$0xFFFFFFE0 ss:$0x1], $0xffff  }
0x19b: {  	v27 =	vld.idx.msk [tilespmem:v0+s18+$0xFFFFFF90 ss:$0x1], $0xffff  }
0x19c: {  	v34 =	vld.idx.msk [tilespmem:v1+s18+$0xFFFFFFA0 ss:$0x1], $0xffff  }
0x19d: {  	v51 =	vld.idx.msk [tilespmem:v0+s18+$0xFFFFFFA0 ss:$0x1], $0xffff  }
0x19e: {  	v38 =	vld.idx.msk [tilespmem:v0+s18+$0xFFFFFF00 ss:$0x1], $0xffff  }
0x19f: {  	[tilespmem:$0x1FEA0] =	vst v2;
	v2 =	vld.idx.msk [tilespmem:v1+s18+$0xFFFFFF40 ss:$0x1], $0xffff  }
0x1a0: {  	v35 =	vld.idx.msk [tilespmem:v1+s18+$0xFFFFFF30 ss:$0x1], $0xffff  }
0x1a1: {  	v50 =	vld.idx.msk [tilespmem:v0+s18+$0xFFFFFF30 ss:$0x1], $0xffff  }
0x1a2: {  	v45 =	vld.idx.msk [tilespmem:v1+s18+$0xFFFFFEF0 ss:$0x1], $0xffff  }
0x1a3: {  	v48 =	vld.idx.msk [tilespmem:v0+s18+$0xFFFFFEF0 ss:$0x1], $0xffff  }
0x1a4: {  	[tilespmem:$0x1FC70] =	vst v2;
	v2 =	vld.idx.msk [tilespmem:v1+s18+$0xFFFFFF70 ss:$0x1], $0xffff  }
0x1a5: {  	v56 =	vld.idx.msk [tilespmem:v1+s18+$0xFFFFFF10 ss:$0x1], $0xffff  }
0x1a6: {  	v57 =	vld.idx.msk [tilespmem:v0+s18+$0xFFFFFF10 ss:$0x1], $0xffff  }
0x1a7: {  	v58 =	vld.idx.msk [tilespmem:v1+s18+$0xFFFFFF20 ss:$0x1], $0xffff  }
0x1a8: {  	v59 =	vld.idx.msk [tilespmem:v0+s18+$0xFFFFFF20 ss:$0x1], $0xffff  }
0x1a9: {  	[tilespmem:$0x1FEB0] =	vst v2;
	v2 =	vld.idx.msk [tilespmem:v1+s18+$0xFFFFFF00 ss:$0x1], $0xffff  }
0x1aa: {  	v36 =	vld.idx.msk [tilespmem:v1+s18+$0xFFFFFED0 ss:$0x1], $0xffff  }
0x1ab: {  	v61 =	vld.idx.msk [tilespmem:v0+s18+$0xFFFFFED0 ss:$0x1], $0xffff  }
0x1ac: {  	v62 =	vld.idx.msk [tilespmem:v1+s18+$0xFFFFFEE0 ss:$0x1], $0xffff  }
0x1ad: {  	v63 =	vld.idx.msk [tilespmem:v0+s18+$0xFFFFFEE0 ss:$0x1], $0xffff  }
0x1ae: {  	[tilespmem:$0x1FC80] =	vst v2;
	v2 =	vld.idx.msk [tilespmem:v1+s18+$0xFFFFFF50 ss:$0x1], $0xffff  }
0x1af: {  	v41 =	vld.idx.msk [tilespmem:v1+s18+$0xFFFFFE70 ss:$0x1], $0xffff  }
0x1b0: {  	v37 =	vld.idx.msk [tilespmem:v0+s18+$0xFFFFFE70 ss:$0x1], $0xffff  }
0x1b1: {  	v42 =	vld.idx.msk [tilespmem:v1+s18+$0xFFFFFE90 ss:$0x1], $0xffff  }
0x1b2: {  	v52 =	vld.idx.msk [tilespmem:v1+s18+$0xFFFFFE30 ss:$0x1], $0xffff  }
0x1b3: {  	[tilespmem:$0x1FEC0] =	vst v2;
	v2 =	vld.idx.msk [tilespmem:v0+s18+$0xFFFFFF50 ss:$0x1], $0xffff  }
0x1b4: {  	v53 =	vld.idx.msk [tilespmem:v0+s18+$0xFFFFFE30 ss:$0x1], $0xffff  }
0x1b5: {  	v3 =	vld.idx.msk [tilespmem:v0+s18+$0xFFFFFE50 ss:$0x1], $0xffff  }
0x1b6: {  	v4 =	vld.idx.msk [tilespmem:v1+s18+$0xFFFFFE60 ss:$0x1], $0xffff  }
0x1b7: {  	v5 =	vld.idx.msk [tilespmem:v0+s18+$0xFFFFFE60 ss:$0x1], $0xffff  }
0x1b8: {  	[tilespmem:$0x1FED0] =	vst v2;
	v2 =	vld.idx.msk [tilespmem:v1+s18+$0xFFFFFF60 ss:$0x1], $0xffff  }
0x1b9: {  	v46 =	vld.idx.msk [tilespmem:v1+s18+$0xFFFFFDC0 ss:$0x1], $0xffff  }
0x1ba: {  	v49 =	vld.idx.msk [tilespmem:v0+s18+$0xFFFFFDC0 ss:$0x1], $0xffff  }
0x1bb: {  	v40 =	vld.idx.msk [tilespmem:v1+s18+$0xFFFFFDF0 ss:$0x1], $0xffff  }
0x1bc: {  	v6 =	vld.idx.msk [tilespmem:v1+s18+$0xFFFFFE10 ss:$0x1], $0xffff  }
0x1bd: {  	[tilespmem:$0x1FEE0] =	vst v2;
	v2 =	vld.idx.msk [tilespmem:v0+s18+$0xFFFFFF60 ss:$0x1], $0xffff  }
0x1be: {  	v7 =	vld.idx.msk [tilespmem:v0+s18+$0xFFFFFE10 ss:$0x1], $0xffff  }
0x1bf: {  	v8 =	vld.idx.msk [tilespmem:v1+s18+$0xFFFFFE20 ss:$0x1], $0xffff  }
0x1c0: {  	v9 =	vld.idx.msk [tilespmem:v0+s18+$0xFFFFFE20 ss:$0x1], $0xffff  }
0x1c1: {  	v60 =	vld.idx.msk [tilespmem:v1+s18+$0xFFFFFD80 ss:$0x1], $0xffff  }
0x1c2: {  	[tilespmem:$0x1FEF0] =	vst v2;
	v2 =	vld.idx.msk [tilespmem:v1+s18+$0xFFFFFE80 ss:$0x1], $0xffff  }
0x1c3: {  	v47 =	vld.idx.msk [tilespmem:v0+s18+$0xFFFFFD80 ss:$0x1], $0xffff  }
0x1c4: {  	v21 =	vld.idx.msk [tilespmem:v1+s18+$0xFFFFFDB0 ss:$0x1], $0xffff  }
0x1c5: {  	v11 =	vld.idx.msk [tilespmem:v0+s18+$0xFFFFFDB0 ss:$0x1], $0xffff  }
0x1c6: {  	v55 =	vld.idx.msk [tilespmem:v1+s18+$0xFFFFFDD0 ss:$0x1], $0xffff  }
0x1c7: {  	[tilespmem:$0x1FC90] =	vst v2;
	v2 =	vld.idx.msk [tilespmem:v0+s18+$0xFFFFFE80 ss:$0x1], $0xffff  }
0x1c8: {  	v25 =	vld.idx.msk [tilespmem:v0+s18+$0xFFFFFDD0 ss:$0x1], $0xffff  }
0x1c9: {  	v26 =	vld.idx.msk [tilespmem:v1+s18+$0xFFFFFDE0 ss:$0x1], $0xffff  }
0x1ca: {  	v13 =	vld.idx.msk [tilespmem:v0+s18+$0xFFFFFDE0 ss:$0x1], $0xffff  }
0x1cb: {  	v44 =	vld.idx.msk [tilespmem:v1+s18+$0xFFFFFD70 ss:$0x1], $0xffff  }
0x1cc: {  	[tilespmem:$0x1FCA0] =	vst v2;
	v2 =	vld.idx.msk [tilespmem:v1+s18+$0xFFFFFEB0 ss:$0x1], $0xffff  }
0x1cd: {  	v43 =	vld.idx.msk [tilespmem:v0+s18+$0xFFFFFD70 ss:$0x1], $0xffff  }
0x1ce: {  	v14 =	vld.idx.msk [tilespmem:v1+s18+$0xFFFFFD90 ss:$0x1], $0xffff  }
0x1cf: {  	v15 =	vld.idx.msk [tilespmem:v0+s18+$0xFFFFFD90 ss:$0x1], $0xffff  }
0x1d0: {  	v16 =	vld.idx.msk [tilespmem:v1+s18+$0xFFFFFDA0 ss:$0x1], $0xffff  }
0x1d1: {  	[tilespmem:$0x1FF00] =	vst v2;
	v2 =	vld.idx.msk [tilespmem:v1+s18+$0xFFFFFE40 ss:$0x1], $0xffff  }
0x1d2: {  	v17 =	vld.idx.msk [tilespmem:v0+s18+$0xFFFFFDA0 ss:$0x1], $0xffff  }
0x1d3: {  	v30 =	vld.idx.msk [tilespmem:v1+s18+$0xFFFFFD00 ss:$0x1], $0xffff  }
0x1d4: {  	v31 =	vld.idx.msk [tilespmem:v0+s18+$0xFFFFFD00 ss:$0x1], $0xffff  }
0x1d5: {  	v18 =	vld.idx.msk [tilespmem:v1+s18+$0xFFFFFD50 ss:$0x1], $0xffff  }
0x1d6: {  	[tilespmem:$0x1FCB0] =	vst v2;
	v2 =	vld.idx.msk [tilespmem:v0+s18+$0xFFFFFE40 ss:$0x1], $0xffff  }
0x1d7: {  	v19 =	vld.idx.msk [tilespmem:v0+s18+$0xFFFFFD50 ss:$0x1], $0xffff  }
0x1d8: {  	v20 =	vld.idx.msk [tilespmem:v1+s18+$0xFFFFFD60 ss:$0x1], $0xffff  }
0x1d9: {  	v22 =	vld.idx.msk [tilespmem:v0+s18+$0xFFFFFD60 ss:$0x1], $0xffff  }
0x1da: {  	v28 =	vld.idx.msk [tilespmem:v1+s18+$0xFFFFFCC0 ss:$0x1], $0xffff  }
0x1db: {  	[tilespmem:$0x1FCC0] =	vst v2;
	v2 =	vld.idx.msk [tilespmem:v0+s18+$0xFFFFFE90 ss:$0x1], $0xffff  }
0x1dc: {  	v29 =	vld.idx.msk [tilespmem:v0+s18+$0xFFFFFCC0 ss:$0x1], $0xffff  }
0x1dd: {  	v10 =	vld.idx.msk [tilespmem:v1+s18+$0xFFFFFCF0 ss:$0x1], $0xffff  }
0x1de: {  	v23 =	vld.idx.msk [tilespmem:v0+s18+$0xFFFFFCF0 ss:$0x1], $0xffff  }
0x1df: {  	v12 =	vld.idx.msk [tilespmem:v1+s18+$0xFFFFFD10 ss:$0x1], $0xffff  }
0x1e0: {  	[tilespmem:$0x1FF10] =	vst v2;
	v2 =	vld.idx.msk [tilespmem:v1+s18+$0xFFFFFEA0 ss:$0x1], $0xffff  }
0x1e1: {  	v24 =	vld.idx.msk [tilespmem:v0+s18+$0xFFFFFD10 ss:$0x1], $0xffff  }
0x1e2: {  	[tilespmem:$0x1FCD0] =	vst v60;
	v60 =	vld.idx.msk [tilespmem:v1+s18+$0xFFFFFD30 ss:$0x1], $0xffff  }
0x1e3: {  	[tilespmem:$0x1FF40] =	vst v13;
	v13 =	vld.idx.msk [tilespmem:v1+s18+$0xFFFFFD20 ss:$0x1], $0xffff  }
0x1e4: {  	v54 =	vmul.f32 v27, v54;
	v34 =	vmul.f32 v51, v34;
	v27 =	vld.idx.msk [tilespmem:v0+s18+$0xFFFFFD20 ss:$0x1], $0xffff  }
0x1e5: {  	[tilespmem:$0x1FF20] =	vst v2;
	v2 =	vld.idx.msk [tilespmem:v0+s18+$0xFFFFFEA0 ss:$0x1], $0xffff  }
0x1e6: {  	v51 =	vmul.f32 v33, v32;
	v32 =	vld.idx.msk [tilespmem:v1+s18+$0xFFFFFC40 ss:$0x1], $0xffff;
	v34 =	vadd.f32 v34, v54  }
0x1e7: {  	v33 =	vld.idx.msk [tilespmem:v0+s18+$0xFFFFFC40 ss:$0x1], $0xffff;
	v54 =	vmul.f32 v57, v56;
	v56 =	vmul.f32 v59, v58  }
0x1e8: {  	v51 =	vadd.f32 v51, v34;
	v34 =	vld [tilespmem:$0x1FC50]  }
0x1e9: {  	v50 =	vmul.f32 v50, v35;
	v54 =	vadd.f32 v56, v54;
	v57 =	vld [tilespmem:$0x1FC60]  }
0x1ea: {  	[tilespmem:$0x1FF30] =	vst v2;
	v2 =	vld.idx.msk [tilespmem:v1+s18+$0xFFFFFE50 ss:$0x1], $0xffff  }
0x1eb: {  	v50 =	vadd.f32 v50, v54;
	v54 =	vld [tilespmem:$0x1FC70]  }
0x1ec: {  	v35 =	vld.idx.msk [tilespmem:v0+s18+$0xFFFFFCB0 ss:$0x1], $0xffff  }
0x1ed: {  	v61 =	vmul.f32 v61, v36;
	v36 =	vld.idx.msk [tilespmem:v1+s18+$0xFFFFFC30 ss:$0x1], $0xffff  }
0x1ee: {  	v58 =	vmul.f32 v15, v14;
	v15 =	vmov v42;
	v42 =	vld.idx.msk [tilespmem:v1+s18+$0xFFFFFC10 ss:$0x1], $0xffff;
	v57 =	vmul.f32 v57, v34  }
0x1ef: {  	v34 =	vld.idx.msk [tilespmem:v1+s18+$0xFFFFFCB0 ss:$0x1], $0xffff;
	v2 =	vmul.f32 v3, v2;
	v3 =	vmul.f32 v5, v4  }
0x1f0: {  	v63 =	vmul.f32 v63, v62;
	v39 =	vmul.f32 v39, v54;
	v62 =	vld [tilespmem:$0x1FC80]  }
0x1f1: {  	v51 =	vadd.f32 v57, v51;
	v57 =	vld.idx.msk [tilespmem:v1+s18+$0xFFFFFCD0 ss:$0x1], $0xffff;
	v2 =	vadd.f32 v3, v2;
	v3 =	vmul.f32 v37, v41  }
0x1f2: {  	v59 =	vadd.f32 v39, v50;
	v50 =	vld [tilespmem:$0x1FCA0]  }
0x1f3: {  	v45 =	vmul.f32 v48, v45;
	v56 =	vadd.f32 v63, v61;
	v2 =	vadd.f32 v3, v2;
	v3 =	vld [tilespmem:$0x1FC90]  }
0x1f4: {  	(xrf2) =	vadd.scan.msk.f32 $0xffff, v51;
	v51 =	vld.idx.msk [tilespmem:v1+s18+$0xFFFFFCE0 ss:$0x1], $0xffff  }
0x1f5: {  	v61 =	vadd.f32 v45, v56;
	v54 =	vld.idx.msk [tilespmem:v0+s18+$0xFFFFFCD0 ss:$0x1], $0xffff;
	v38 =	vmul.f32 v38, v62  }
0x1f6: {  	v39 =	vld.idx.msk [tilespmem:v0+s18+$0xFFFFFC90 ss:$0x1], $0xffff  }
0x1f7: {  	v48 =	vadd.f32 v38, v61;
	v61 =	vld [tilespmem:$0x1FCB0]  }
0x1f8: {  	v63 =	vmul.f32 v7, v6;
	v62 =	vld [tilespmem:$0x1FCC0];
	v3 =	vmul.f32 v50, v3  }
0x1f9: {  	v45 =	vmul.f32 v9, v8;
	(xrf2) =	vadd.scan.msk.f32 $0xffff, v59;
	v59 =	vmul.f32 v17, v16;
	v16 =	vmov v40;
	v40 =	vld.idx.msk [tilespmem:v0+s18+$0xFFFFFC10 ss:$0x1], $0xffff  }
0x1fa: {  	v56 =	vmul.f32 v53, v52;
	v52 =	vmul.f32 v23, v10;
	v38 =	vld.idx.msk [tilespmem:v1+s18+$0xFFFFFC90 ss:$0x1], $0xffff;
	v2 =	vadd.f32 v3, v2  }
0x1fb: {  	v23 =	vld [tilespmem:$0x1FCE0];
	(xrf2) =	vadd.scan.msk.f32 $0xffff, v48;
	v4 =	vadd.f32 v45, v63;
	v63 =	vadd.f32 v59, v58;
	v58 =	vmul.f32 v11, v21  }
0x1fc: {  	v48 =	vld.idx.msk [tilespmem:v1+s18+$0xFFFFFC20 ss:$0x1], $0xffff;
	v59 =	vmul.f32 v22, v20;
	(xrf2) =	vadd.scan.msk.f32 $0xffff, v2;
	v2 =	vmul.f32 v19, v18  }
0x1fd: {  	v5 =	vld.idx.msk [tilespmem:v0+s18+$0xFFFFFCE0 ss:$0x1], $0xffff;
	v3 =	vadd.f32 v56, v4;
	v4 =	vmul.f32 v62, v61  }
0x1fe: {  	v45 =	vld.idx.msk [tilespmem:v0+s18+$0xFFFFFCA0 ss:$0x1], $0xffff;
	v61 =	vadd.f32 v58, v63;
	v63 =	vmul.f32 v43, v44;
	v2 =	vadd.f32 v59, v2  }
0x1ff: {  	v37 =	vld.idx.msk [tilespmem:v0+s18+$0xFFFFFC30 ss:$0x1], $0xffff  }
0x200: {  	p0 =	sne.s32 s20, $0x7000;
	v50 =	vadd.f32 v63, v2;
	v2 =	vld [tilespmem:$0x1FCD0]  }
.Ltmp5:
0x201: {  	v41 =	vld.idx.msk [tilespmem:v1+s18+$0xFFFFFCA0 ss:$0x1], $0xffff;
	v62 =	vmul.f32 v49, v46;
	v3 =	vadd.f32 v4, v3;
	(pc) =	sbr.rel @p0 .LBB2_4-.Ltmp5, $4  }
0x202: {  	v5 =	vmul.f32 v5, v51;
	v49 =	vld.idx.msk [tilespmem:v0+s18+$0xFFFFFC20 ss:$0x1], $0xffff  }
0x203: {  	v17 =	vmov v55;
	v55, _, _ =	vpop (xrf2);
	v43 =	vld.idx.msk [tilespmem:v1+s18+$0xFFFFFC50 ss:$0x1], $0xffff;
	v4 =	vadd.f32 v62, v61;
	(xrf2) =	vadd.scan.msk.f32 $0xffff, v3;
	v3 =	vmul.f32 v54, v57  }
0x204: {  	v22 =	vmov v60;
	v46 =	vld.idx.msk [tilespmem:v0+s18+$0xFFFFFC50 ss:$0x1], $0xffff;
	v19 =	vmov v26  }
0x205: {  	s20 =	sadd.s32 $0x1000, s20;
	v44 =	vld.idx.msk [tilespmem:v1+s18+$0xFFFFFC60 ss:$0x1], $0xffff;
	v18 =	vmov v25;
	v54, _, _ =	vpop (xrf2);
	(xrf2) =	vadd.scan.msk.f32 $0xffff, v4;
	v51 =	vmul.f32 v47, v2;
	v47 =	vadd.f32 v5, v3  }
0x206: {  	_ =	sdelay $0x3  }
0x207: {  	v2 =	vld.idx.msk [tilespmem:v0+s18+$0xFFFFFC60 ss:$0x1], $0xffff  }
0x208: {  	v6 =	vld.idx.msk [tilespmem:v1+s18+$0xFFFFFC70 ss:$0x1], $0xffff  }
0x209: {  	v9 =	vld.idx.msk [tilespmem:v0+s18+$0xFFFFFC70 ss:$0x1], $0xffff  }
0x20a: {  	v11 =	vld.idx.msk [tilespmem:v1+s18+$0xFFFFFC80 ss:$0x1], $0xffff  }
0x20b: {  	v3 =	vmul.f32 v39, v38;
	v38 =	vld.idx.msk [tilespmem:v0+s18+$0xFFFFFC80 ss:$0x1], $0xffff  }
0x20c: {  	v34 =	vmul.f32 v35, v34;
	v35 =	vmul.f32 v40, v42;
	v40 =	vld.idx.msk [tilespmem:v0+s18+$0xFFFFFD30 ss:$0x1], $0xffff  }
0x20d: {  	v4 =	vmul.f32 v45, v41;
	v41 =	vld.idx.msk [tilespmem:v1+s18+$0xFFFFFD40 ss:$0x1], $0xffff  }
0x20e: {  	v14 =	vld.idx.msk [tilespmem:v0+s18+$0xFFFFFD40 ss:$0x1], $0xffff  }
0x20f: {  	v45 =	vld.idx.msk [tilespmem:v1+s18+$0xFFFFFE00 ss:$0x1], $0xffff  }
0x210: {  	v53 =	vld.idx.msk [tilespmem:v0+s18+$0xFFFFFEC0 ss:$0x1], $0xffff  }
0x211: {  	v56 =	vld.idx.msk [tilespmem:v0+s18+$0xFFFFFF70 ss:$0x1], $0xffff  }
0x212: {  	v57 =	vld [tilespmem:$0x1FF10]  }
0x213: {  	v58 =	vld [tilespmem:$0x1FF20]  }
0x214: {  	v59 =	vld [tilespmem:$0x1FF30]  }
0x215: {  	v61 =	vld.idx.msk [tilespmem:v1+s18+$0xFFFFFF80 ss:$0x1], $0xffff  }
0x216: {  	v8 =	vmul.f32 v31, v30;
	v63 =	vld.idx.msk [tilespmem:v0+s18+$0xFFFFFF80 ss:$0x1], $0xffff  }
0x217: {  	v39 =	vmul.f32 v29, v28;
	v21 =	vmul.f32 v37, v36;
	v25 =	vld [tilespmem:$0x1FEE0]  }
0x218: {  	v42 =	vmul.f32 v33, v32;
	v26 =	vld [tilespmem:$0x1FEF0];
	v5 =	vadd.f32 v51, v50;
	v10 =	vmul.f32 v49, v48  }
0x219: {  	v31 =	vld [tilespmem:$0x1FEB0];
	v3 =	vadd.f32 v4, v3;
	v20 =	vmul.f32 v46, v43;
	v2 =	vmul.f32 v2, v44  }
0x21a: {  	v13 =	vmul.f32 v27, v13;
	v7 =	vadd.f32 v52, v47;
	v51 =	vld [tilespmem:$0x1FF40];
	(xrf2) =	vadd.scan.msk.f32 $0xffff, v5;
	v5 =	vadd.f32 v10, v35  }
0x21b: {  	v47 =	vld.idx.msk [tilespmem:v0+s18+$0xFFFFFE00 ss:$0x1], $0xffff;
	v3 =	vadd.f32 v34, v3;
	v6 =	vmul.f32 v9, v6;
	v2 =	vadd.f32 v2, v20  }
0x21c: {  	v7 =	vadd.f32 v8, v7;
	v43 =	vld.idx.msk [tilespmem:v0+s18+$0xFFFFFDF0 ss:$0x1], $0xffff;
	v5 =	vadd.f32 v21, v5;
	v44 =	vmul.f32 v24, v12  }
0x21d: {  	v49 =	vld.idx.msk [tilespmem:v0+s18+$0xFFFFFEB0 ss:$0x1], $0xffff;
	v46 =	vmul.f32 v38, v11;
	v3 =	vadd.f32 v39, v3;
	v2 =	vadd.f32 v6, v2  }
0x21e: {  	(xrf2) =	vadd.scan.msk.f32 $0xffff, v7;
	v10 =	vmul.f32 v40, v22;
	v22 =	vld [tilespmem:$0x1FEC0];
	v5 =	vadd.f32 v42, v5;
	v48 =	vadd.f32 v13, v44  }
0x21f: {  	v50 =	vmul.f32 v18, v17;
	v12 =	vmul.f32 v51, v19;
	v19 =	vld [tilespmem:$0x1FF00];
	(xrf2) =	vadd.scan.msk.f32 $0xffff, v3;
	v2 =	vadd.f32 v46, v2  }
0x220: {  	v4 =	vmul.f32 v14, v41;
	v24 =	vld [tilespmem:$0x1FED0];
	(xrf2) =	vadd.scan.msk.f32 $0xffff, v5;
	v8 =	vadd.f32 v10, v48  }
0x221: {  	v52 =	vld.idx.msk [tilespmem:v1+s18+$0xFFFFFEC0 ss:$0x1], $0xffff;
	v9 =	vmul.f32 v43, v16;
	v6 =	vadd.f32 v12, v50;
	(xrf2) =	vadd.scan.msk.f32 $0xffff, v2  }
0x222: {  	v35 =	vld [tilespmem:$0x1FE90];
	v12 =	vmul.f32 v59, v58;
	v4 =	vadd.f32 v4, v8;
	v8 =	vmul.f32 v57, v15  }
0x223: {  	v60, _, _ =	vpop (xrf2);
	v34 =	vld [tilespmem:$0x1FE80];
	v3 =	vmul.f32 v47, v45;
	v6 =	vadd.f32 v9, v6  }
0x224: {  	v62, _, _ =	vpop (xrf2);
	v38 =	vld [tilespmem:$0x1FEA0];
	v11 =	vmul.f32 v49, v19;
	v8 =	vadd.f32 v12, v8;
	(xrf2) =	vadd.scan.msk.f32 $0xffff, v4  }
0x225: {  	v28 =	vld.idx.msk [tilespmem:v0+s18+$0xFFFFFFF0 ss:$0x1], $0xffff;
	v20, _, _ =	vpop (xrf2);
	v15 =	vmul.f32 v26, v25;
	v3 =	vadd.f32 v3, v6;
	v6 =	vmul.f32 v24, v22  }
0x226: {  	v21 =	vld.idx.msk [tilespmem:v1+s18+$0xFFFFFFF0 ss:$0x1], $0xffff;
	v27, _, _ =	vpop (xrf2);
	v5 =	vmul.f32 v53, v52;
	v8 =	vadd.f32 v11, v8  }
0x227: {  	v30 =	vld.idx.msk [tilespmem:v1+s18+$0x0 ss:$0x1], $0xffff;
	v29, _, _ =	vpop (xrf2);
	v2 =	vmul.f32 v56, v31;
	v6 =	vadd.f32 v15, v6;
	(xrf2) =	vadd.scan.msk.f32 $0xffff, v3  }
0x228: {  	v33 =	vld.idx.msk [tilespmem:v0+s18+$0x0 ss:$0x1], $0xffff;
	v37 =	vmul.f32 v63, v61;
	v32, _, _ =	vpop (xrf2);
	v5 =	vadd.f32 v5, v8  }
0x229: {  	v9 =	vmul.f32 v38, v23;
	v8 =	vmul.f32 v35, v34;
	v2 =	vadd.f32 v2, v6;
	v36, _, _ =	vpop (xrf2)  }
0x22a: {  	v39, _, _ =	vpop (xrf2);
	(xrf2) =	vadd.scan.msk.f32 $0xffff, v5  }
0x22b: {  	v41 =	vmul.f32 v28, v21;
	v2 =	vadd.f32 v37, v2;
	v40 =	vadd.f32 v9, v8;
	v42, _, _ =	vpop (xrf2)  }
0x22c: {  	v43 =	vbroadcast v39, $0xF;
	v8 =	vbroadcast v42, $0xF  }
0x22d: {  	v0 =	vmul.f32 v33, v30;
	v11 =	vbroadcast v36, $0xF;
	v5 =	vadd.f32 v41, v40;
	(xrf2) =	vadd.scan.msk.f32 $0xffff, v2  }
0x22e: {  	v45 =	vbroadcast v32, $0xF;
	v46, _, _ =	vpop (xrf2);
	v44 =	vsel vm0, v43, v8  }
0x22f: {  	v0 =	vadd.f32 v0, v5;
	v3 =	vbroadcast v46, $0xF;
	v1 =	vsel vm1, v44, v11  }
0x230: {  	v47 =	vbroadcast v29, $0xF;
	v1 =	vsel vm2, v1, v45  }
0x231: {  	v48 =	vbroadcast v27, $0xF;
	v49, _, _ =	vpop (xrf2);
	(xrf2) =	vadd.scan.msk.f32 $0xffff, v0;
	v1 =	vsel vm3, v1, v3  }
0x232: {  	v51 =	vbroadcast v49, $0xF;
	v50 =	vsel vm4, v1, v47  }
0x233: {  	v52 =	vbroadcast v20, $0xF;
	v0 =	vsel vm5, v50, v48  }
0x234: {  	v53 =	vbroadcast v62, $0xF;
	v56, _, _ =	vpop (xrf2);
	v0 =	vsel vm6, v0, v51  }
0x235: {  	v57 =	vbroadcast v56, $0xF;
	v0 =	vsel vm7, v0, v52  }
0x236: {  	v58 =	vbroadcast v60, $0xF;
	v0 =	vsel vm8, v0, v53  }
0x237: {  	v59 =	vbroadcast v54, $0xF;
	v60, _, _ =	vpop (xrf2);
	v0 =	vsel vm9, v0, v57  }
0x238: {  	p0 =	sgt.u32 s17, $0x18;
	v61 =	vbroadcast v60, $0xF;
	v0 =	vsel vm10, v0, v58  }
.Ltmp6:
0x239: {  	v62 =	vbroadcast v55, $0xF;
	v0 =	vsel vm11, v0, v59;
	(pc) =	sbr.rel @p0 .LBB2_7-.Ltmp6, $4  }
.Ltmp7:
0x23a: {  	v0 =	vsel vm12, v0, v61;
	(pc) =	sbr.rel @!p0 .LBB2_6-.Ltmp7, $4  }
0x23b: {  	v63, _, _ =	vpop (xrf2);
	v0 =	vsel vm13, v0, v62  }
0x23c: {  	s31 =	sadd.s32 $0x10, s19;
	v0 =	vsel vm14, v0, v63  }
0x23d: {  	[tilespmem:s31+$0x0] =	vst v0  }
0x23e: {  	_ = 	snop  }
.LBB2_9:
0x23f: {  	_ =	sfence.sel $0x180000  }
0x240: {  	[bflag:$0x0] =	sbarrier.arrive $0xFFFF  }
0x241: {  	p0 =	sne.s32 s1, $0x0;
	_ =	strace $0x9000004D  }
0x242: {  	s0 =	sadd.s32 @!p0 $0x100000, s0;
	[bflag:$0x2] =	sbarrier.arrive $0xFFFF  }
0x243: {  	[sflag:s0] =	ssyncadd.tile.s32 @!p0 $0x1;
	_ =	shalt  }
.Lfunc_end2:
_tile_overlayer_lowered:
.L_overlay_start_2:
0x244: {  	(tag) =	ssettag $0x2  }
0x245: {  	s0 =	rddreg [dreg:$0x0];
	s2 =	stileid.u32  }
0x246: {  	s1 =	rddreg [dreg:$0x1];
	p0 =	sne.s32 s2, $0x0  }
0x247: {  	s3 =	rddreg [dreg:$0x2];
	[bflag:$0x3] =	sbarrier.arrive $0xFFFF;
	s2 =	simm.s32 @!p0 $0x1C03  }
0x248: {  	[timem:s3], [sflag:s2] =	dma.local @!p0 [hbm:s0], s1  }
0x249: {  	s0 =	simm.s32 @!p0 $0x3  }
0x24a: {  	_ =	swait.ge @!p0 [sflag:s0], s1  }
0x24b: {  	s1 =	ssub.s32 @!p0 $0x0, s1;
	[sflag:s0] =	ssyncset.done @!p0 $0x0  }
0x24c: {  	[sflag:s0] =	ssyncadd.s32 @!p0 s1  }
0x24d: {  	[bflag:$0x3] =	sbarrier.arrive $0xFFFF  }
0x24e: {  	_ =	shalt  }

// kernel: kernel.7.cloned.1.call-start
scs
__scs_entry_jumppad:
0x0: {  	(pc) =	sbr.rel $0x88, $3  }
0x1: {  	(tag) =	ssettag $0x0;
	lr =	simm.s32 $0x1  }
0x2: {  	[smem:$0x3F98] =	sst lr;
	_ =	strace $0xD0000000  }
0x3: {  	_ = 	snop  }
0x4: {  	_ = 	snop  }
0x5: {  	_ = 	snop  }
0x6: {  	_ = 	snop  }
0x7: {  	_ = 	snop  }
__scs_overlays_trampoline_lowered:
0x8: {  	[smem:$0x3FA7] =	sst s0  }
0x9: {  	[smem:$0x3FA8] =	sst s1  }
0xa: {  	[smem:$0x3FA9] =	sst s2  }
0xb: {  	[smem:$0x3FAA] =	sst s3  }
0xc: {  	[smem:$0x3FAB] =	sst s4  }
0xd: {  	[smem:$0x3FAC] =	sst s5  }
0xe: {  	[smem:$0x3FAD] =	sst s6  }
0xf: {  	[smem:$0x3FAE] =	sst s7  }
0x10: {  	[smem:$0x3FAF] =	sst s8  }
0x11: {  	[smem:$0x3FB0] =	sst s9;
	s0 =	simm.s32 @!p0 $0x0  }
0x12: {  	s1 =	sld [smem:$0x3F96];
	s0 =	simm.s32 @p0 $0x1  }
0x13: {  	[smem:$0x3FB1] =	sst s0;
	s0 =	simm.s32 @!p1 $0x0  }
0x14: {  	s2 =	sld [smem:$0x3F95];
	s0 =	simm.s32 @p1 $0x1  }
0x15: {  	[smem:$0x3FB2] =	sst s0;
	s0 =	simm.s32 @!p2 $0x0  }
0x16: {  	s3 =	sld [smem:$0x3FDB];
	s0 =	simm.s32 @p2 $0x1  }
0x17: {  	s4 =	simm.s32 $0x1BF5;
	[smem:$0x3FB4] =	sst s0  }
0x18: {  	s0 =	sld [smem:$0x3F97];
	_ =	swait.ge [sflag:s4], $0x0  }
0x19: {  	s7 =	sld [smem:$0x3F98]  }
0x1a: {  	s8 =	sadd.s32 $0xFFFFE003, lr  }
0x1b: {  	s9 =	sadd.s32 $0xFFFFFEF7, lr;
	s5 =	simm.s32 $0xFFFFFFFF;
	p2 =	slt.u32 s8, $0xFFFFF086  }
0x1c: {  	p1 =	slt.u32 s9, $0xF7A;
	s5 =	simm.s32 @!p2 $0x0  }
0x1d: {  	s5 =	simm.s32 @p1 $0x1;
	p0 =	seq.s32 s7, s2  }
0x1e: {  	s7 =	smul.u32 @!p0 $0xF7A, s2;
	p2 =	seq.s32 @!p0 s5, $0x0  }
0x1f: {  	s9 =	smul.u32 $0xF7A, s1;
	s8 =	simm.s32 @!p0 $0x1BF5;
	p2 =	por !p2, p0  }
0x20: {  	[sflag:s8] =	ssyncset.s32 @!p0 $0xFFFFF086;
	s6 =	sadd.s32 @!p0 s3, s7;
	s7 =	simm.s32 @!p0 $0x108  }
0x21: {  	s3 =	sadd.s32 s3, s9;
	s6 =	sadd.s32 @!p0 $0x88, s6;
	s7 =	simm.s32 @p2 $0x1082  }
0x22: {  	[simem:s7], [sflag:s8] =	dma.local @!p0 [hbm:s6], $0xF7A  }
0x23: {  	s9 =	sor.u32 $0xD0000000, s2;
	s6 =	simm.s32 $0x108;
	_ =	swait.ge @!p0 [sflag:s8], $0x0  }
0x24: {  	s3 =	sadd.s32 $0x88, s3;
	s6 =	simm.s32 @!p1 $0x1082;
	[sflag:s4] =	ssyncset.s32 $0xFFFFF086  }
0x25: {  	[simem:s6], [sflag:s4] =	dma.local [hbm:s3], $0xF7A  }
0x26: {  	[smem:$0x3F98] =	sst s1;
	(tag) =	ssettag s2;
	_ =	strace s9  }
0x27: {  	s1 =	sld [smem:$0x3FA8]  }
0x28: {  	s2 =	sld [smem:$0x3FA9]  }
0x29: {  	s4 =	sld [smem:$0x3FAB]  }
0x2a: {  	p0 =	seq.s32 s5, $0x0;
	s5 =	sld [smem:$0x3FAC]  }
0x2b: {  	s6 =	sld [smem:$0x3FAD]  }
0x2c: {  	s7 =	sld [smem:$0x3FAE]  }
0x2d: {  	s3 =	simm.s32 $0x108;
	s8 =	sld [smem:$0x3FAF]  }
0x2e: {  	s3 =	simm.s32 @!p0 $0x1082;
	s9 =	sld [smem:$0x3FB0]  }
0x2f: {  	lr =	sadd.s32 s0, s3;
	s0 =	sld [smem:$0x3FA7]  }
0x30: {  	s3 =	sld [smem:$0x3FAA]  }
0x31: {  	[smem:$0x3FB3] =	sst s10  }
0x32: {  	s10 =	sld [smem:$0x3FB1];
	_ =	sdelay $0x3  }
0x33: {  	p0 =	seq.s32 s10, $0x1;
	s10 =	sld [smem:$0x3FB3];
	_ =	sdelay $0x3  }
0x34: {  	[smem:$0x3FB3] =	sst s10  }
0x35: {  	s10 =	sld [smem:$0x3FB2];
	_ =	sdelay $0x3  }
0x36: {  	p1 =	seq.s32 s10, $0x1;
	s10 =	sld [smem:$0x3FB3];
	_ =	sdelay $0x3  }
0x37: {  	[smem:$0x3FB3] =	sst s10  }
0x38: {  	s10 =	sld [smem:$0x3FB4]  }
0x39: {  	_ = 	snop;
	(pc) =	sbr.ind lr, $3  }
0x3a: {  	_ = 	snop  }
0x3b: {  	_ = 	snop  }
0x3c: {  	p2 =	seq.s32 s10, $0x1;
	s10 =	sld [smem:$0x3FB3]  }
0x3d: {  	_ =	shalt  }
0x3e: {  	_ =	shalt  }
0x3f: {  	_ =	shalt  }
0x40: {  	_ =	shalt  }
0x41: {  	_ =	shalt  }
0x42: {  	_ =	shalt  }
0x43: {  	_ =	shalt  }
0x44: {  	_ =	shalt  }
0x45: {  	_ =	shalt  }
0x46: {  	_ =	shalt  }
0x47: {  	_ =	shalt  }
0x48: {  	_ =	shalt  }
0x49: {  	_ =	shalt  }
0x4a: {  	_ =	shalt  }
0x4b: {  	_ =	shalt  }
0x4c: {  	_ =	shalt  }
0x4d: {  	_ =	shalt  }
0x4e: {  	_ =	shalt  }
0x4f: {  	_ =	shalt  }
0x50: {  	_ =	shalt  }
0x51: {  	_ =	shalt  }
0x52: {  	_ =	shalt  }
0x53: {  	_ =	shalt  }
0x54: {  	_ =	shalt  }
0x55: {  	_ =	shalt  }
0x56: {  	_ =	shalt  }
0x57: {  	_ =	shalt  }
0x58: {  	_ =	shalt  }
0x59: {  	_ =	shalt  }
0x5a: {  	_ =	shalt  }
0x5b: {  	_ =	shalt  }
0x5c: {  	_ =	shalt  }
0x5d: {  	_ =	shalt  }
0x5e: {  	_ =	shalt  }
0x5f: {  	_ =	shalt  }
0x60: {  	_ =	shalt  }
0x61: {  	_ =	shalt  }
0x62: {  	_ =	shalt  }
0x63: {  	_ =	shalt  }
0x64: {  	_ =	shalt  }
0x65: {  	_ =	shalt  }
0x66: {  	_ =	shalt  }
0x67: {  	_ =	shalt  }
0x68: {  	_ =	shalt  }
0x69: {  	_ =	shalt  }
0x6a: {  	_ =	shalt  }
0x6b: {  	_ =	shalt  }
0x6c: {  	_ =	shalt  }
0x6d: {  	_ =	shalt  }
0x6e: {  	_ =	shalt  }
0x6f: {  	_ =	shalt  }
0x70: {  	_ =	shalt  }
0x71: {  	_ =	shalt  }
0x72: {  	_ =	shalt  }
0x73: {  	_ =	shalt  }
0x74: {  	_ =	shalt  }
0x75: {  	_ =	shalt  }
0x76: {  	_ =	shalt  }
0x77: {  	_ =	shalt  }
0x78: {  	_ =	shalt  }
0x79: {  	_ =	shalt  }
0x7a: {  	_ =	shalt  }
0x7b: {  	_ =	shalt  }
0x7c: {  	_ =	shalt  }
0x7d: {  	_ =	shalt  }
0x7e: {  	_ =	shalt  }
0x7f: {  	_ =	shalt  }
0x80: {  	_ =	shalt  }
0x81: {  	_ =	shalt  }
0x82: {  	_ =	shalt  }
0x83: {  	_ =	shalt  }
0x84: {  	_ =	shalt  }
0x85: {  	_ =	shalt  }
0x86: {  	_ =	shalt  }
0x87: {  	_ =	shalt  }
.Lfunc_end0:
.L_simem_size_0:
called_computation_lowered:
.L_overlay_start_0:
0x88: {  	s2 =	sld [smem:$0x3FD9]  }
0x89: {  	s3 =	sld [smem:$0x3FFE];
	_ =	sdelay $0x1  }
0x8a: {  	s1 =	srdreg.scid  }
0x8b: {  	s0 =	sand.u32 $0x1, s1  }
0x8c: {  	s16 =	sshll.u32 s0, $0xA;
	s2 =	sadd.s32 s3, s2  }
0x8d: {  	s2 =	sadd.s32 s2, s16  }
0x8e: {  	[smem:$0x3FBF] =	sst s2  }
0x8f: {  	_ = 	snop  }
0x90: {  	(tm) =	ssettm $0x1  }
0x91: {  	s17 =	sld [smem:$0x3FFB];
	_ =	sdelay $0x3  }
0x92: {  	_ =	strace s17  }
0x93: {  	s2 =	sld [smem:$0x3FFC];
	_ =	sdelay $0x3  }
0x94: {  	_ =	strace s2  }
0x95: {  	s2 =	sld [smem:$0x3FFD];
	_ =	sdelay $0x3  }
0x96: {  	_ =	strace s2  }
0x97: {  	_ =	strace $0x8FFFFFFF  }
0x98: {  	s18 =	sld [smem:$0x3FDB];
	_ =	sdelay $0x1  }
0x99: {  	s19 =	simm.s32 $_scs_section_size  }
0x9a: {  	s4 =	simm.s32 $_size__tile_overlayer_lowered;
	s5 =	simm.s32 $_tile_overlayer_lowered  }
0x9b: {  	s22 =	simm.s32 $0x1BFF;
	s21 =	sshll.u32 s5, $0x1;
	s2 =	sadd.s32 s19, s18  }
0x9c: {  	s6 =	simm.s32 $0x0;
	s20 =	sshll.u32 s4, $0x1;
	s4 =	sadd.s32 s21, s2  }
0x9d: {  	[timem:s6], [sflag:s22] =	dma.local [hbm:s4], s20  }
0x9e: {  	_ =	swait.ge [sflag:s22], s20  }
0x9f: {  	s3 =	ssub.s32 $0x0, s20;
	[sflag:s22] =	ssyncset.done $0x0  }
0xa0: {  	[sflag:s22] =	ssyncadd.s32 s3;
	_ =	sdelay $0x1  }
0xa1: {  	s23 =	simm.s32 $0x1B8B  }
0xa2: {  	_ =	swait.ge [sflag:s23], $0x1  }
0xa3: {  	[sflag:s23] =	ssyncset.done $0x0  }
0xa4: {  	s25 =	simm.s32 $0x1B8E;
	s24 =	sld [smem:$0x3FFE];
	[sflag:s23] =	ssyncadd.s32 $0xFFFFFFFF  }
0xa5: {  	s26 =	simm.s32 $execute0_lowered;
	[smem:$0x3FD2] =	sst s25  }
0xa6: {  	s4 =	sshll.u32 s26, $0x1;
	_ =	strace $0x80000046;
	[dreg:$0x1] =	wrdreg $0xFFFFFFFF  }
0xa7: {  	s28 =	simm.s32 $_size_execute0_lowered;
	s2 =	sadd.s32 s2, s4;
	[dreg:$0x0] =	wrdreg $0x0  }
0xa8: {  	s4 =	sshll.u32 s28, $0x1;
	[dreg:$0x2] =	wrdreg s2  }
0xa9: {  	[dreg:$0x3] =	wrdreg s4  }
0xaa: {  	[dreg:$0x4] =	wrdreg $0xC0  }
0xab: {  	_ =	task [dreg:s6], $0x5FFFF  }
0xac: {  	[dreg:$0x1] =	wrdreg $0xFFFFFFFF  }
0xad: {  	[dreg:$0x0] =	wrdreg $0x60  }
0xae: {  	[dreg:$0x2] =	wrdreg s24  }
0xaf: {  	[dreg:$0x3] =	wrdreg $0x12D000  }
0xb0: {  	[dreg:$0x4] =	wrdreg $0x9  }
0xb1: {  	_ =	task.clear_ibuf [dreg:s6], $0x5FFFF;
	_ =	strace $0x90000046  }
0xb2: {  	s29 =	simm.s32 $0x9;
	_ =	strace $0x80000048  }
0xb3: {  	_ =	swait.ge [sflag:s29], $0x1  }
0xb4: {  	[sflag:s29] =	ssyncadd.s32 $0xFFFFFFFF  }
0xb5: {  	_ =	strace $0x90000048  }
0xb6: {  	_ =	sfence  }
0xb7: {  	s30 =	sld [smem:$0x0];
	_ =	sdelay $0x2  }
0xb8: {  	s31 =	sshll.u32 s1, $0xD;
	s1 =	sshrl.u32 s1, $0x2  }
0xb9: {  	s3 =	sand.u32 $0x4000, s31;
	s1 =	sadd.s32 s1, s30  }
0xba: {  	s0 =	sor.u32 s3, s0;
	s1 =	sshll.u32 s1, $0x11  }
0xbb: {  	s0 =	sor.u32 s1, s0  }
0xbc: {  	s0 =	sadd.s32 $0x8F2B, s0  }
0xbd: {  	[sflag:s0] =	ssyncadd.remote.s32 $0x1  }
0xbe: {  	_ =	sfence.sel $0xFFFF  }
0xbf: {  	[dreg:$0x0] =	wrdreg $0xFFFFFFFF;
	(pc) =	sbr.abs _section_cstart, $3  }
0xc0: {  	[dreg:$0x1] =	wrdreg $0xFFFFFFFF  }
0xc1: {  	_ =	task.clear_ibuf [dreg:s6], $0x2FFFF;
	_ =	strace $0x9FFFFFFF  }
0xc2: {  	(tm) =	ssettm $0x7FFFFFFF  }
0xc3: {  	_ =	shalt  }
tec
execute0_lowered:
.L_overlay_start_1:
0x0: {  	(tag) =	ssettag $0x1  }
0x1: {  	s0 =	srdreg.scid;
	s1 =	rddreg [dreg:$0x0]  }
0x2: {  	s8 =	stileid.u32;
	s2 =	rddreg [dreg:$0x1];
	s3 =	simm.s32 $0x0  }
0x3: {  	s14 =	simm.s32 $0x9D00;
	s15 =	simm.s32 $0x3;
	s16 =	simm.s32 $0x4E80  }
0x4: {  	s17 =	simm.s32 $0x80;
	s18 =	simm.s32 $0xC100;
	s5 =	smul.u32 $0x9D0, s8  }
0x5: {  	s19 =	simm.s32 $0x1;
	s22 =	simm.s32 $0x4F00;
	s6 =	smul.u32 $0xB400, s8  }
0x6: {  	s23 =	simm.s32 $0x180;
	s0 =	sand.u32 $0x1, s0;
	s8 =	smul.u32 $0x2D000, s8  }
0x7: {  	s24 =	simm.s32 $0x10900;
	s25 =	simm.s32 $0x2;
	s4 =	smul.u32 $0x15F90, s0  }
0x8: {  	s26 =	simm.s32 $0x0;
	[smem:$0x7FF] =	sst s3;
	s7 =	smul.u32 $0xB4000, s0  }
0x9: {  	_ =	strace $0x80000047;
	s0 =	ssub.s32 $0x2, s0;
	s10 =	sadd.s32 s5, s1  }
0xa: {  	s30 =	sshrl.u32 s8, $0x2;
	s31 =	sshrl.u32 s0, $0x1;
	s11 =	sadd.s32 s4, s1  }
0xb: {  	s29 =	sadd.s32 s6, s7;
	s8 =	sadd.s32 s30, s2;
	s0 =	ssub.s32 s0, s31  }
0xc: {  	s9 =	sadd.s32 $0x2D000, s10;
	s10 =	sadd.s32 $0x36E00, s10;
	s4 =	sshrl.u32 s29, $0x3  }
0xd: {  	s5 =	sadd.s32 $0x2400, s8;
	s7 =	sadd.s32 $0x6C00, s8;
	s11 =	sadd.s32 $0x1000, s11  }
0xe: {  	s13 =	smax.u32 s0, $0x1;
	s1 =	sadd.s32 s4, s1;
	s4 =	sadd.s32 s6, s2  }
0xf: {  	v0 =	vimm.f32 $0.0e+00;
	s6 =	sadd.s32 $0x4800, s8;
	s8 =	sadd.s32 $0x9000, s8;
	s12 =	sadd.s32 $0x40C00, s1  }
.LBB2_1:
0x10: {  	s1 =	simm.s32 $0x0  }
0x11: {  	s28 =	simm.s32 $0x120;
	[tilespmem:s1+$0x9D20] =	vst v0  }
.LBB2_2:
0x12: {  	p0 =	sne.s32 s28, $0x8EE0;
	[tilespmem:s1+$0x9D10] =	vst v0;
	s0 =	smov.u32 s28;
	s28 =	sadd.s32 $0x120, s28  }
.Ltmp0:
0x13: {  	[tilespmem:s1+$0x9D30] =	vst v0;
	(pc) =	sbr.rel @p0 .LBB2_2-.Ltmp0, $4  }
0x14: {  	[tilespmem:s1+$0x9D38] =	vst v0  }
0x15: {  	[tilespmem:s1+$0x9D00] =	vst v0  }
0x16: {  	s1 =	sshra.s32 s0, $0x2  }
0x17: {  	[tilespmem:s1+$0x9D20] =	vst v0  }
0x18: {  	[tilespmem:s1+$0x9D10] =	vst v0  }
0x19: {  	[tilespmem:s1+$0x9D30] =	vst v0  }
0x1a: {  	[tilespmem:s1+$0x9D00] =	vst v0  }
0x1b: {  	[tilespmem:s1+$0x9D38] =	vst v0  }
0x1c: {  	[spmem:s4] =	stream.linear.scatter [tilespmem:s14], [sflag:$0x3], $0x2400, $0x38;
	[tilespmem:$0x1E100] =	vst v63  }
0x1d: {  	_ =	swait.ge [sflag:s15], $0x2400  }
0x1e: {  	[sflag:s15] =	ssyncset.done $0x0  }
0x1f: {  	[sflag:s15] =	ssyncadd.s32 $0xFFFFDC00  }
0x20: {  	[spmem:s5] =	stream.linear.scatter [tilespmem:s14], [sflag:$0x3], $0x2400, $0x38;
	[tilespmem:$0x1E100] =	vst v63  }
0x21: {  	_ =	swait.ge [sflag:s15], $0x2400  }
0x22: {  	[sflag:s15] =	ssyncset.done $0x0  }
0x23: {  	[sflag:s15] =	ssyncadd.s32 $0xFFFFDC00  }
0x24: {  	[spmem:s6] =	stream.linear.scatter [tilespmem:s14], [sflag:$0x3], $0x2400, $0x38;
	[tilespmem:$0x1E100] =	vst v63  }
0x25: {  	_ =	swait.ge [sflag:s15], $0x2400  }
0x26: {  	[sflag:s15] =	ssyncset.done $0x0  }
0x27: {  	[sflag:s15] =	ssyncadd.s32 $0xFFFFDC00  }
0x28: {  	[spmem:s7] =	stream.linear.scatter [tilespmem:s14], [sflag:$0x3], $0x2400, $0x38;
	[tilespmem:$0x1E100] =	vst v63  }
0x29: {  	_ =	swait.ge [sflag:s15], $0x2400  }
0x2a: {  	[sflag:s15] =	ssyncset.done $0x0  }
0x2b: {  	[sflag:s15] =	ssyncadd.s32 $0xFFFFDC00  }
0x2c: {  	[spmem:s8] =	stream.linear.scatter [tilespmem:s14], [sflag:$0x3], $0x2400, $0x38;
	[tilespmem:$0x1E100] =	vst v63  }
0x2d: {  	_ =	swait.ge [sflag:s15], $0x2400  }
0x2e: {  	[sflag:s15] =	ssyncset.done $0x0  }
0x2f: {  	[sflag:s15] =	ssyncadd.s32 $0xFFFFDC00  }
0x30: {  	[bflag:$0x0] =	sbarrier.arrive $0xFFFF  }
0x31: {  	[tilespmem:s3], [sflag:$0x3] =	stream.linear.gather [hbm4b:s9+s3], $0x4E80, $0x38;
	[tilespmem:$0x1E100] =	vst v63  }
0x32: {  	_ =	swait.ge [sflag:s15], $0x4E80  }
0x33: {  	[sflag:s15] =	ssyncset.done $0x0  }
0x34: {  	[sflag:s15] =	ssyncadd.s32 $0xFFFFB180  }
0x35: {  	[tilespmem:s16], [sflag:$0x3] =	stream.linear.gather [hbm4b:s10+s3], $0x4E80, $0x38;
	[tilespmem:$0x1E100] =	vst v63  }
0x36: {  	_ =	swait.ge [sflag:s15], $0x4E80  }
0x37: {  	[sflag:s15] =	ssyncset.done $0x0  }
0x38: {  	[sflag:s15] =	ssyncadd.s32 $0xFFFFB180  }
0x39: {  	[tilespmem:s14], [sflag:$0x1] =	stream.indirect.gather [hbm4b:s11+s17], $0x48, s3, s17, $0xb8;
	[tilespmem:$0x1E100] =	vst v63  }
0x3a: {  	_ = 	snop  }
0x3b: {  	[tilespmem:s18], [sflag:$0x1] =	stream.indirect.gather [hbm4b:s11+s17], $0x48, s17, s17, $0xb8;
	[tilespmem:$0x1E100] =	vst v63  }
0x3c: {  	_ =	swait.ge [sflag:s19], $0x2400  }
0x3d: {  	[sflag:s19] =	ssyncset.done $0x0  }
0x3e: {  	[sflag:s19] =	ssyncadd.s32 $0xFFFFDC00  }
0x3f: {  	[spmem:s2] =	stream.indirect.scatter.add.f32 [tilespmem:s14], [sflag:$0x2], $0x48, s16, s17, $0xb8;
	[tilespmem:$0x1E100] =	vst v63  }
0x40: {  	s0 =	simm.s32 $0x100;
	s21 =	simm.s32 $0xE500  }
0x41: {  	[tilespmem:s21], [sflag:$0x1] =	stream.indirect.gather [hbm4b:s11+s17], $0x48, s0, s17, $0xb8;
	[tilespmem:$0x1E100] =	vst v63  }
0x42: {  	_ =	swait.ge [sflag:s19], $0x2400  }
0x43: {  	[sflag:s19] =	ssyncset.done $0x0  }
0x44: {  	[sflag:s19] =	ssyncadd.s32 $0xFFFFDC00  }
0x45: {  	[spmem:s2] =	stream.indirect.scatter.add.f32 [tilespmem:s18], [sflag:$0x2], $0x48, s22, s17, $0xb8;
	[tilespmem:$0x1E100] =	vst v63  }
0x46: {  	s20 =	simm.s32 $0x100  }
0x47: {  	[tilespmem:s24], [sflag:$0x1] =	stream.indirect.gather [hbm4b:s11+s17], $0x48, s23, s17, $0xb8;
	[tilespmem:$0x1E100] =	vst v63  }
0x48: {  	s28 =	simm.s32 $0x200;
	p0 =	por $0x0, $0x0;
	_ =	swait.ge [sflag:s19], $0x2400  }
0x49: {  	s29 =	simm.s32 $0x4;
	s0 =	sand.u32 $0x180, s20;
	[sflag:s19] =	ssyncset.done $0x0  }
0x4a: {  	s30 =	simm.s32 $0x280;
	s0 =	smul.u32 $0x120, s0;
	[sflag:s19] =	ssyncadd.s32 $0xFFFFDC00  }
0x4b: {  	s31 =	simm.s32 $0x5000;
	s21 =	simm.s32 $0x4F80;
	_ =	swait.ge [sflag:s25], $0x2400  }
0x4c: {  	s20 =	sand.u32 @!p0 $0x180, s28;
	s0 =	sshrl.u32 s0, $0x2;
	[sflag:s25] =	ssyncset.done $0x0  }
0x4d: {  	s20 =	smul.u32 @!p0 $0x120, s20;
	s0 =	sadd.s32 $0x9D00, s0;
	[sflag:s25] =	ssyncadd.s32 $0xFFFFDC00  }
0x4e: {  	[spmem:s2] =	stream.indirect.scatter.add.f32 [tilespmem:s0], [sflag:$0x2], $0x48, s21, s17, $0xb8;
	[tilespmem:$0x1E100] =	vst v63  }
0x4f: {  	s1 =	simm.s32 $0x280;
	s20 =	sshrl.u32 @!p0 s20, $0x2;
	s0 =	simm.s32 @!p0 $0x80  }
.LBB2_4:
0x50: {  	s20 =	sadd.s32 @!p0 $0x9D00, s20  }
0x51: {  	s29 =	sadd.s32 $0x1, s29;
	s21 =	smov.u32 s30;
	s30 =	sadd.s32 $0x80, s30  }
0x52: {  	[tilespmem:s20], [sflag:$0x1] =	stream.indirect.gather @!p0 [hbm4b:s11+s0], $0x48, s28, s0, $0xb8;
	[tilespmem:$0x1E100] =	vst v63  }
0x53: {  	s0 =	sadd.s32 $0xFFFFFF00, s21;
	p1 =	sne.s32 s30, $0x4F80;
	_ =	swait.ge [sflag:s19], $0x2400  }
0x54: {  	s28 =	smov.u32 s1;
	s0 =	sand.u32 $0x180, s0;
	[sflag:s19] =	ssyncset.done $0x0  }
0x55: {  	p0 =	sgt.u32 s29, $0x9C;
	s0 =	smul.u32 $0x120, s0;
	[sflag:s19] =	ssyncadd.s32 $0xFFFFDC00  }
.Ltmp1:
0x56: {  	s20 =	sand.u32 @!p0 $0x180, s21;
	_ =	swait.ge [sflag:s25], $0x2400;
	(pc) =	sbr.rel @p1 .LBB2_4-.Ltmp1, $4  }
0x57: {  	s20 =	smul.u32 @!p0 $0x120, s20;
	s0 =	sshrl.u32 s0, $0x2;
	[sflag:s25] =	ssyncset.done $0x0  }
0x58: {  	s1 =	sadd.s32 $0x80, s1;
	s0 =	sadd.s32 $0x9D00, s0;
	[sflag:s25] =	ssyncadd.s32 $0xFFFFDC00  }
0x59: {  	[spmem:s2] =	stream.indirect.scatter.add.f32 [tilespmem:s0], [sflag:$0x2], $0x48, s31, s17, $0xb8;
	[tilespmem:$0x1E100] =	vst v63  }
0x5a: {  	s20 =	sshrl.u32 @!p0 s20, $0x2;
	s0 =	simm.s32 @!p0 $0x80;
	s31 =	sadd.s32 $0x80, s31  }
0x5b: {  	s1 =	sadd.s32 @!p0 $0x9D00, s20  }
0x5c: {  	[tilespmem:s1], [sflag:$0x1] =	stream.indirect.gather @!p0 [hbm4b:s11+s0], $0x48, s28, s0, $0xb8;
	[tilespmem:$0x1E100] =	vst v63  }
0x5d: {  	_ =	swait.ge [sflag:s25], $0x2400  }
0x5e: {  	[sflag:s25] =	ssyncset.done $0x0  }
0x5f: {  	[sflag:s25] =	ssyncadd.s32 $0xFFFFDC00  }
0x60: {  	s30 =	stileid.u32;
	_ =	swait.ge [sflag:s25], $0x2400  }
0x61: {  	s31 =	sshrl.u32 s4, $0x3;
	s26 =	sadd.s32 $0x1, s26;
	[sflag:s25] =	ssyncset.done $0x0  }
0x62: {  	s0 =	sshll.u32 s30, $0x6;
	p0 =	sne.s32 s26, s13;
	[sflag:s25] =	ssyncadd.s32 $0xFFFFDC00  }
.Ltmp2:
0x63: {  	s0 =	sor.u32 $0x1C03, s0;
	[bflag:$0x0] =	sbarrier.arrive $0xFFFF;
	(pc) =	sbr.rel @p0 .LBB2_1-.Ltmp2, $4  }
0x64: {  	[hbm:s12], [sflag:s0] =	dma.local [spmem:s31], $0x1680  }
0x65: {  	_ =	swait.ge [sflag:s15], $0x1680  }
0x66: {  	[sflag:s15] =	ssyncset.done $0x0  }
0x67: {  	[sflag:s15] =	ssyncadd.s32 $0xFFFFE980  }
0x68: {  	_ =	sfence.sel $0x180000  }
0x69: {  	[bflag:$0x0] =	sbarrier.arrive $0xFFFF  }
0x6a: {  	_ =	strace $0x90000047  }
0x6b: {  	s0 =	stileid.u32;
	[bflag:$0x2] =	sbarrier.arrive $0xFFFF  }
0x6c: {  	p0 =	sne.s32 s0, $0x0;
	s0 =	rddreg [dreg:$0x2]  }
0x6d: {  	s0 =	sadd.s32 @!p0 $0x100000, s0  }
0x6e: {  	[sflag:s0] =	ssyncadd.tile.s32 @!p0 $0x1;
	_ =	shalt  }
.Lfunc_end2:
_tile_overlayer_lowered:
.L_overlay_start_2:
0x6f: {  	(tag) =	ssettag $0x2  }
0x70: {  	s0 =	rddreg [dreg:$0x0];
	s2 =	stileid.u32  }
0x71: {  	s1 =	rddreg [dreg:$0x1];
	p0 =	sne.s32 s2, $0x0  }
0x72: {  	s3 =	rddreg [dreg:$0x2];
	[bflag:$0x3] =	sbarrier.arrive $0xFFFF;
	s2 =	simm.s32 @!p0 $0x1C03  }
0x73: {  	[timem:s3], [sflag:s2] =	dma.local @!p0 [hbm:s0], s1  }
0x74: {  	s0 =	simm.s32 @!p0 $0x3  }
0x75: {  	_ =	swait.ge @!p0 [sflag:s0], s1  }
0x76: {  	s1 =	ssub.s32 @!p0 $0x0, s1;
	[sflag:s0] =	ssyncset.done @!p0 $0x0  }
0x77: {  	[sflag:s0] =	ssyncadd.s32 @!p0 s1  }
0x78: {  	[bflag:$0x3] =	sbarrier.arrive $0xFFFF  }
0x79: {  	_ =	shalt  }

</sc_bundles>
